<compile_context>
chip_gen: v7x
topology: tpu7x:2x2x1
jax: 0.10.2.dev20260603
libtpu: 0.0.44.dev20260713+nightly
codegen_flags: <defaults>
</compile_context>

<pallas_src>
import functools

import jax
import jax.numpy as jnp
from jax import lax
from jax.experimental import pallas as pl
from jax.experimental.pallas import tpu as pltpu
from jax.experimental.pallas import tpu_sc as plsc

N = 10000
D = 128
E = 320000
NC, NS = 2, 16
NW = NC * NS
NP = 10240
CH = 128
NCHUNK = E // CH
NJ = NCHUNK // NW
NEXTRA = NCHUNK - NJ * NW
G = 6
NGRP = NJ // G
PERS = NP // NS

_mesh = plsc.VectorSubcoreMesh(core_axis_name="c", subcore_axis_name="s")


@functools.partial(
    pl.kernel,
    out_type=jax.ShapeDtypeStruct((NC, NP), jnp.float32),
    mesh=_mesh,
    scratch_types=[
        pltpu.VMEM((NJ + 1, CH), jnp.int32),
        pltpu.VMEM((CH,), jnp.float32),
        pltpu.VMEM((PERS,), jnp.float32),
        pltpu.VMEM_SHARED((NP,), jnp.float32),
        pltpu.SemaphoreType.DMA,
    ],
)
def _deg_kernel(ef_hbm, out_hbm, idx_v, ones_v, zb_v, deg_sh, sem):
    c = lax.axis_index("c")
    s = lax.axis_index("s")
    w = c * NS + s
    nj = jnp.where(w < NEXTRA, NJ + 1, NJ)

    def init_ones(i, _):
        ones_v[pl.ds(i * 16, 16)] = jnp.ones((16,), jnp.float32)
        return 0
    lax.fori_loop(0, CH // 16, init_ones, 0)

    def init_z(i, _):
        zb_v[pl.ds(i * 16, 16)] = jnp.zeros((16,), jnp.float32)
        return 0
    lax.fori_loop(0, PERS // 16, init_z, 0)

    pltpu.sync_copy(zb_v, deg_sh.at[pl.ds(s * PERS, PERS)])

    def load(r, _):
        pltpu.async_copy(ef_hbm.at[1, pl.ds(pl.multiple_of((w * NJ + r) * CH, CH), CH)],
                         idx_v.at[r], sem)
        return 0
    lax.fori_loop(0, NJ, load, 0)

    @pl.when(w < NEXTRA)
    def _():
        pltpu.async_copy(ef_hbm.at[1, pl.ds(pl.multiple_of((NW * NJ + w) * CH, CH), CH)],
                         idx_v.at[NJ], sem)

    def drain(r, _):
        pltpu.make_async_copy(ef_hbm.at[1, pl.ds(0, CH)], idx_v.at[0],
                              sem).wait()
        return 0
    lax.fori_loop(0, nj, drain, 0)
    plsc.subcore_barrier()

    def body(j, _):
        pltpu.sync_copy(ones_v, deg_sh.at[idx_v.at[j]], add=True)
        return 0
    lax.fori_loop(0, nj, body, 0)

    plsc.subcore_barrier()
    pltpu.sync_copy(deg_sh.at[pl.ds(s * PERS, PERS)],
                    out_hbm.at[c, pl.ds(s * PERS, PERS)])


@functools.partial(
    pl.kernel,
    out_type=jax.ShapeDtypeStruct((NC, NP, D), jnp.float32),
    mesh=_mesh,
    scratch_types=[
        pltpu.VMEM((2, G, CH), jnp.int32),
        pltpu.VMEM((2, G, CH), jnp.int32),
        pltpu.VMEM((2, CH, D), jnp.float32),
        pltpu.VMEM_SHARED((NP, D), jnp.float32),
        pltpu.SemaphoreType.DMA,
        pltpu.SemaphoreType.DMA,
        pltpu.SemaphoreType.DMA,
        pltpu.SemaphoreType.DMA,
        pltpu.SemaphoreType.DMA,
    ],
)
def _agg_kernel(y_hbm, ef_hbm, out_hbm,
                si_v, di_v, rows_v, acc_sh, semi, sem0, sem1, ssem0, ssem1):
    c = lax.axis_index("c")
    s = lax.axis_index("s")
    w = c * NS + s
    sems = (sem0, sem1)
    ssems = (ssem0, ssem1)

    def fetch_group(g, slot):
        for r in range(G):
            pltpu.async_copy(
                ef_hbm.at[0, pl.ds(pl.multiple_of((w * NJ + g * G + r) * CH, CH), CH)],
                si_v.at[slot, r], semi)
            pltpu.async_copy(
                ef_hbm.at[1, pl.ds(pl.multiple_of((w * NJ + g * G + r) * CH, CH), CH)],
                di_v.at[slot, r], semi)

    def wait_group():
        for _ in range(2 * G):
            pltpu.make_async_copy(ef_hbm.at[0, pl.ds(0, CH)], si_v.at[0, 0],
                                  semi).wait()

    def zrow(r, _):
        def zcol(k, _):
            rows_v[0, r, pl.ds(k * 16, 16)] = jnp.zeros((16,), jnp.float32)
            return 0
        lax.fori_loop(0, D // 16, zcol, 0)
        return 0
    lax.fori_loop(0, CH, zrow, 0)

    def zcopy(k, _):
        pltpu.sync_copy(rows_v.at[0], acc_sh.at[pl.ds(s * PERS + k * CH, CH)])
        return 0
    lax.fori_loop(0, PERS // CH, zcopy, 0)

    fetch_group(0, 0)
    wait_group()
    plsc.subcore_barrier()
    pltpu.async_copy(y_hbm.at[si_v.at[0, 0]], rows_v.at[0], sem0)

    def group(g, _):
        gb = lax.rem(g, 2)
        gn = lax.rem(g + 1, 2)

        @pl.when(g + 1 < NGRP)
        def _():
            fetch_group(g + 1, gn)

        for j in range(G):
            b = j % 2
            nb = (j + 1) % 2
            pltpu.make_async_copy(y_hbm.at[si_v.at[gb, j]], rows_v.at[b],
                                  sems[b]).wait()
            pltpu.async_copy(rows_v.at[b], acc_sh.at[di_v.at[gb, j]],
                             ssems[b], add=True)
            if j == 0:
                @pl.when(g > 0)
                def _():
                    pltpu.make_async_copy(rows_v.at[nb],
                                          acc_sh.at[di_v.at[0, 0]],
                                          ssems[nb]).wait()
            else:
                pltpu.make_async_copy(rows_v.at[nb],
                                      acc_sh.at[di_v.at[0, 0]],
                                      ssems[nb]).wait()
            if j + 1 < G:
                pltpu.async_copy(y_hbm.at[si_v.at[gb, j + 1]], rows_v.at[nb],
                                 sems[nb])
            else:
                @pl.when(g + 1 < NGRP)
                def _():
                    wait_group()
                    pltpu.async_copy(y_hbm.at[si_v.at[gn, 0]], rows_v.at[nb],
                                     sems[nb])
        return 0
    lax.fori_loop(0, NGRP, group, 0)

    pltpu.make_async_copy(rows_v.at[1], acc_sh.at[di_v.at[0, 0]],
                          ssems[1]).wait()

    @pl.when(w < NEXTRA)
    def _():
        pltpu.async_copy(ef_hbm.at[0, pl.ds(pl.multiple_of((NW * NJ + w) * CH, CH), CH)],
                         si_v.at[0, 0], semi)
        pltpu.async_copy(ef_hbm.at[1, pl.ds(pl.multiple_of((NW * NJ + w) * CH, CH), CH)],
                         di_v.at[0, 0], semi)
        pltpu.make_async_copy(ef_hbm.at[0, pl.ds(0, CH)], si_v.at[0, 0],
                              semi).wait()
        pltpu.make_async_copy(ef_hbm.at[0, pl.ds(0, CH)], si_v.at[0, 0],
                              semi).wait()
        pltpu.async_copy(y_hbm.at[si_v.at[0, 0]], rows_v.at[0], sem0).wait()
        pltpu.sync_copy(rows_v.at[0], acc_sh.at[di_v.at[0, 0]], add=True)

    plsc.subcore_barrier()
    pltpu.sync_copy(acc_sh.at[pl.ds(s * PERS, PERS)],
                    out_hbm.at[c, pl.ds(s * PERS, PERS)])


BLK = 1000
H = 512
C = 79


def _xw_body(x_ref, w_ref, o_ref):
    o_ref[...] = jnp.dot(x_ref[...], w_ref[...],
                         preferred_element_type=jnp.float32)


def _xw_call(x, W_gcn):
    return pl.pallas_call(
        _xw_body,
        grid=(N // BLK,),
        in_specs=[
            pl.BlockSpec((BLK, D), lambda i: (i, 0)),
            pl.BlockSpec((D, D), lambda i: (0, 0)),
        ],
        out_specs=pl.BlockSpec((BLK, D), lambda i: (i, 0)),
        out_shape=jax.ShapeDtypeStruct((N, D), jnp.float32),
    )(x, W_gcn)


def _scale_body(xw_ref, degT_ref, y_ref):
    deg = degT_ref[...]
    dis = lax.rsqrt(deg[:, 0:1] + deg[:, 1:2] + 1.0)
    y_ref[...] = xw_ref[...] * dis


def _scale_call(xw, degT):
    return pl.pallas_call(
        _scale_body,
        grid=(N // BLK,),
        in_specs=[
            pl.BlockSpec((BLK, D), lambda i: (i, 0)),
            pl.BlockSpec((BLK, 2), lambda i: (i, 0)),
        ],
        out_specs=pl.BlockSpec((BLK, D), lambda i: (i, 0)),
        out_shape=jax.ShapeDtypeStruct((N, D), jnp.float32),
    )(xw, degT)


def _mlp_body(x_ref, y_ref, acc_ref, degT_ref, bg_ref, wh_ref, bh_ref,
              wc_ref, bc_ref, h_ref, l_ref):
    deg = degT_ref[...]
    dis = lax.rsqrt(deg[:, 0:1] + deg[:, 1:2] + 1.0)
    agg = (acc_ref[0] + acc_ref[1] + y_ref[...]) * dis + bg_ref[...]
    x1 = jnp.maximum(agg, 0.0)
    cat = jnp.concatenate([x_ref[...], x1], axis=1)
    h = jnp.dot(cat, wh_ref[...], preferred_element_type=jnp.float32)
    h = jnp.maximum(h + bh_ref[...], 0.0)
    h_ref[...] = h
    l_ref[...] = jnp.dot(h, wc_ref[...],
                         preferred_element_type=jnp.float32) + bc_ref[...]


def _mlp_call(x, y, accp, degT, b_gcn, W_h, b_h, W_c, b_c):
    return pl.pallas_call(
        _mlp_body,
        grid=(N // BLK,),
        in_specs=[
            pl.BlockSpec((BLK, D), lambda i: (i, 0)),
            pl.BlockSpec((BLK, D), lambda i: (i, 0)),
            pl.BlockSpec((NC, BLK, D), lambda i: (0, i, 0)),
            pl.BlockSpec((BLK, 2), lambda i: (i, 0)),
            pl.BlockSpec((D,), lambda i: (0,)),
            pl.BlockSpec((2 * D, H), lambda i: (0, 0)),
            pl.BlockSpec((H,), lambda i: (0,)),
            pl.BlockSpec((H, C), lambda i: (0, 0)),
            pl.BlockSpec((C,), lambda i: (0,)),
        ],
        out_specs=[
            pl.BlockSpec((BLK, H), lambda i: (i, 0)),
            pl.BlockSpec((BLK, C), lambda i: (i, 0)),
        ],
        out_shape=[
            jax.ShapeDtypeStruct((N, H), jnp.float32),
            jax.ShapeDtypeStruct((N, C), jnp.float32),
        ],
    )(x, y, accp, degT, b_gcn, W_h, b_h, W_c, b_c)


def kernel(x, edge_index, img_sizes, W_gcn, b_gcn, W_h, b_h, W_c, b_c):
    ei = edge_index.astype(jnp.int32)
    xw = _xw_call(x, W_gcn)
    degp = _deg_kernel(ei)
    degT = jnp.swapaxes(degp, 0, 1)
    y = _scale_call(xw, degT)
    accp = _agg_kernel(y, ei)
    h, logits = _mlp_call(x, y, accp, degT,
                          b_gcn, W_h, b_h, W_c, b_c)
    return (h, logits)

# --- scband reference (transcript-rebuilt; emitter-appended) ---
"""Pipeline reference for scband-graph-classifier-89953795047631 (READ-ONLY COPY).

The authoritative reference and input builder live on the scoring server;
editing this copy changes nothing except your own understanding.
"""

import jax, jax.numpy as jnp
import numpy as np

N_NODES = 10000


def setup_inputs(seed: int = 0) -> dict:
    key = jax.random.key(seed)
    ks = jax.random.split(key, 10)
    x = jax.random.normal(ks[0], (N_NODES, 128), dtype=jnp.float32)
    edge_index = jax.random.randint(ks[1], (2, 320000), 0, N_NODES, dtype=jnp.int64)
    img_sizes = jax.random.randint(ks[2], (N_NODES, 2), 0, 512, dtype=jnp.int64)
    # GCNConv params (in=128, out=128): lin weight (no bias in lin) + separate bias
    W_gcn = jax.random.normal(ks[3], (128, 128), dtype=jnp.float32) * (1.0 / np.sqrt(128))
    b_gcn = jnp.zeros((128,), dtype=jnp.float32)
    # hidden Linear: (in_channels + graph_channels)=256 -> 512
    W_h = jax.random.normal(ks[4], (256, 512), dtype=jnp.float32) * (1.0 / np.sqrt(256))
    b_h = jax.random.normal(ks[5], (512,), dtype=jnp.float32) * 0.01
    # classifier Linear: 512 -> 79
    W_c = jax.random.normal(ks[6], (512, 79), dtype=jnp.float32) * (1.0 / np.sqrt(512))
    b_c = jax.random.normal(ks[7], (79,), dtype=jnp.float32) * 0.01
    return {"x": x, "edge_index": edge_index, "img_sizes": img_sizes,
            "W_gcn": W_gcn, "b_gcn": b_gcn, "W_h": W_h, "b_h": b_h,
            "W_c": W_c, "b_c": b_c}


def _gcn_conv(x, W, b, edge_index, n_nodes):
    # PyG GCNConv: add self loops, symmetric normalization, x @ W, scatter-add, + bias
    src = edge_index[0]
    dst = edge_index[1]
    loop = jnp.arange(n_nodes, dtype=src.dtype)
    src_f = jnp.concatenate([src, loop])
    dst_f = jnp.concatenate([dst, loop])
    xw = x @ W
    deg = jnp.zeros((n_nodes,), dtype=x.dtype).at[dst_f].add(1.0)
    deg_inv_sqrt = jnp.where(deg > 0, jax.lax.rsqrt(jnp.maximum(deg, 1e-12)), 0.0)
    norm = deg_inv_sqrt[src_f] * deg_inv_sqrt[dst_f]
    msg = xw[src_f] * norm[:, None]
    out = jnp.zeros((n_nodes, W.shape[1]), dtype=x.dtype).at[dst_f].add(msg)
    return out + b


def reference(x, edge_index, img_sizes, W_gcn, b_gcn, W_h, b_h, W_c, b_c):
    n_nodes = x.shape[0]
    x1 = jax.nn.relu(_gcn_conv(x, W_gcn, b_gcn, edge_index, n_nodes))
    h = jax.nn.relu(jnp.concatenate([x, x1], axis=1) @ W_h + b_h)
    logits = h @ W_c + b_c
    return (h, logits)

if __name__ == "__main__":
    import jax
    _d = setup_inputs()
    print(jax.jit(kernel)(*tuple(_d.values())))

</pallas_src>

<mosaic_0001>
#map = affine_map<(d0, d1) -> (0, 0)>
#map1 = affine_map<(d0, d1) -> (0, 0, 0)>
module attributes {stable_mosaic.version = 14 : i64} {
  func.func @_agg_kernel(%arg0: i32, %arg1: i32, %arg2: memref<10000x128xf32, #tpu.memory_space<hbm>>, %arg3: memref<2x320000xi32, #tpu.memory_space<hbm>>, %arg4: memref<2x10240x128xf32, #tpu.memory_space<hbm>>, %arg5: memref<2x6x128xi32, #tpu.memory_space<vmem>>, %arg6: memref<2x6x128xi32, #tpu.memory_space<vmem>>, %arg7: memref<2x128x128xf32, #tpu.memory_space<vmem>>, %arg8: memref<10240x128xf32, #tpu.memory_space<vmem_shared>>, %arg9: memref<!tpu.dma_semaphore, #tpu.memory_space<semaphore_mem>>, %arg10: memref<!tpu.dma_semaphore, #tpu.memory_space<semaphore_mem>>, %arg11: memref<!tpu.dma_semaphore, #tpu.memory_space<semaphore_mem>>, %arg12: memref<!tpu.dma_semaphore, #tpu.memory_space<semaphore_mem>>, %arg13: memref<!tpu.dma_semaphore, #tpu.memory_space<semaphore_mem>>) attributes {dimension_semantics = [#tpu.dimension_semantics<core_parallel>, #tpu.dimension_semantics<subcore_parallel>], iteration_bounds = array<i64: 2, 16>, scalar_prefetch = 0 : i64, scratch_operands = 9 : i64, tpu.core_type = #tpu.core_type<sc_vector_subcore>, window_params = [{transform_indices = #map}, {transform_indices = #map}, {transform_indices = #map1}]} {
    %mul3A = arith.constant 16 : i32
    %mul3A_0 = arith.muli %arg0, %mul3A : i32
    %add3A = arith.addi %mul3A_0, %arg1 : i32
    %scan3A = arith.constant 0 : i32
    %scan3A_1 = arith.constant 0 : i32
    %scan3A_2 = arith.constant 128 : i32
    %scan3A_3 = arith.addi %scan3A_1, %scan3A_2 : i32
    %scan3A_4 = arith.constant 1 : i32
    %scan3A_5 = scf.for %scan3A_495 = %scan3A_1 to %scan3A_3 step %scan3A_4 iter_args(%scan3A_496 = %scan3A) -> (i32)  : i32 {
      %scan3A_497 = arith.constant 0 : i32
      %scan3A_498 = arith.constant 0 : i32
      %scan3A_499 = arith.constant 8 : i32
      %scan3A_500 = arith.addi %scan3A_498, %scan3A_499 : i32
      %scan3A_501 = arith.constant 1 : i32
      %scan3A_502 = scf.for %scan3A_505 = %scan3A_498 to %scan3A_500 step %scan3A_501 iter_args(%scan3A_506 = %scan3A_497) -> (i32)  : i32 {
        %broadcast_in_dim3A = arith.constant 0.000000e+00 : f32
        %broadcast_in_dim3A_507 = vector.broadcast %broadcast_in_dim3A : f32 to vector<16xf32>
        %mul3A_508 = arith.constant 16 : i32
        %mul3A_509 = arith.muli %scan3A_505, %mul3A_508 : i32
        %swap3A = arith.constant 0 : i32
        %swap3A_510 = arith.index_cast %swap3A : i32 to index
        %swap3A_511 = arith.index_cast %scan3A_495 : i32 to index
        %swap3A_512 = arith.index_cast %mul3A_509 : i32 to index
        %swap3A_513 = tpu.vector_load %arg7[%swap3A_510, %swap3A_511, %swap3A_512] {strides = array<i32>} : memref<2x128x128xf32, #tpu.memory_space<vmem>>, vector<1x1x16xf32>,
        %swap3A_514 = vector.shape_cast %swap3A_513 : vector<1x1x16xf32> to vector<16xf32>
        %swap3A_515 = vector.shape_cast %broadcast_in_dim3A_507 : vector<16xf32> to vector<1x1x16xf32>
        tpu.vector_store %arg7[%swap3A_510, %swap3A_511, %swap3A_512], %swap3A_515 {strides = array<i32>} : memref<2x128x128xf32, #tpu.memory_space<vmem>>, vector<1x1x16xf32>,
        %scan3A_516 = arith.constant 0 : i32
        scf.yield %scan3A_516 : i32
      }
      %scan3A_503 = arith.constant 8 : i32
      %scan3A_504 = arith.constant 0 : i32
      scf.yield %scan3A_504 : i32
    }
    %scan3A_6 = arith.constant 128 : i32
    %scan3A_7 = arith.constant 0 : i32
    %scan3A_8 = arith.constant 0 : i32
    %scan3A_9 = arith.constant 5 : i32
    %scan3A_10 = arith.addi %scan3A_8, %scan3A_9 : i32
    %scan3A_11 = arith.constant 1 : i32
    %scan3A_12 = scf.for %scan3A_495 = %scan3A_8 to %scan3A_10 step %scan3A_11 iter_args(%scan3A_496 = %scan3A_7) -> (i32)  : i32 {
      %mul3A_497 = arith.constant 640 : i32
      %mul3A_498 = arith.muli %arg1, %mul3A_497 : i32
      %mul3A_499 = arith.constant 128 : i32
      %mul3A_500 = arith.muli %scan3A_495, %mul3A_499 : i32
      %add3A_501 = arith.addi %mul3A_498, %mul3A_500 : i32
      %run_scoped3A = arith.constant 0 : i32
      "tpu.region"() ({
        %run_scoped3A_503 = tpu.sem_alloc : memref<!tpu.dma_semaphore, #tpu.memory_space<semaphore_mem>>
        %dma_start3A_504 = arith.constant 0 : i32
        %dma_start3A_505 = arith.constant 0 : i32
        %dma_start3A_506 = tpu.memref_slice %arg7[%run_scoped3A, %dma_start3A_504, %dma_start3A_505] : memref<2x128x128xf32, #tpu.memory_space<vmem>> -> memref<1x128x128xf32, #tpu.memory_space<vmem>>
        %dma_start3A_507 = tpu.memref_squeeze %dma_start3A_506 : memref<1x128x128xf32, #tpu.memory_space<vmem>> -> memref<128x128xf32, #tpu.memory_space<vmem>>
        %dma_start3A_508 = arith.constant 0 : i32
        %dma_start3A_509 = tpu.memref_slice %arg8[%add3A_501, %dma_start3A_508] : memref<10240x128xf32, #tpu.memory_space<vmem_shared>> -> memref<128x128xf32, #tpu.memory_space<vmem_shared>>
        %dma_start3A_510 = arith.constant 0 : i32
        %dma_start3A_511 = tpu.memref_slice %arg8[%add3A_501, %dma_start3A_510] : memref<10240x128xf32, #tpu.memory_space<vmem_shared>> -> memref<128x128xf32, #tpu.memory_space<vmem_shared>>
        %dma_start3A_512 = arith.constant 0 : i32
        %dma_start3A_513 = arith.constant 0 : i32
        %dma_start3A_514 = tpu.memref_slice %arg7[%run_scoped3A, %dma_start3A_512, %dma_start3A_513] : memref<2x128x128xf32, #tpu.memory_space<vmem>> -> memref<1x128x128xf32, #tpu.memory_space<vmem>>
        %dma_start3A_515 = tpu.memref_squeeze %dma_start3A_514 : memref<1x128x128xf32, #tpu.memory_space<vmem>> -> memref<128x128xf32, #tpu.memory_space<vmem>>
        tpu.enqueue_dma source(%dma_start3A_515 : memref<128x128xf32, #tpu.memory_space<vmem>>) target(%dma_start3A_511 : memref<128x128xf32, #tpu.memory_space<vmem_shared>>) target_semaphore(%run_scoped3A_503 : memref<!tpu.dma_semaphore, #tpu.memory_space<semaphore_mem>>)
        %dma_wait3A_516 = arith.constant 0 : i32
        %dma_wait3A_517 = arith.constant 0 : i32
        %dma_wait3A_518 = tpu.memref_slice %arg7[%run_scoped3A, %dma_wait3A_516, %dma_wait3A_517] : memref<2x128x128xf32, #tpu.memory_space<vmem>> -> memref<1x128x128xf32, #tpu.memory_space<vmem>>
        %dma_wait3A_519 = tpu.memref_squeeze %dma_wait3A_518 : memref<1x128x128xf32, #tpu.memory_space<vmem>> -> memref<128x128xf32, #tpu.memory_space<vmem>>
        %dma_wait3A_520 = arith.constant 0 : i32
        %dma_wait3A_521 = tpu.memref_slice %arg8[%add3A_501, %dma_wait3A_520] : memref<10240x128xf32, #tpu.memory_space<vmem_shared>> -> memref<128x128xf32, #tpu.memory_space<vmem_shared>>
        %dma_wait3A_522 = arith.constant 0 : i32
        %dma_wait3A_523 = tpu.memref_slice %arg8[%add3A_501, %dma_wait3A_522] : memref<10240x128xf32, #tpu.memory_space<vmem_shared>> -> memref<128x128xf32, #tpu.memory_space<vmem_shared>>
        %dma_wait3A_524 = arith.constant 0 : i32
        %dma_wait3A_525 = arith.constant 0 : i32
        %dma_wait3A_526 = tpu.memref_slice %arg7[%run_scoped3A, %dma_wait3A_524, %dma_wait3A_525] : memref<2x128x128xf32, #tpu.memory_space<vmem>> -> memref<1x128x128xf32, #tpu.memory_space<vmem>>
        %dma_wait3A_527 = tpu.memref_squeeze %dma_wait3A_526 : memref<1x128x128xf32, #tpu.memory_space<vmem>> -> memref<128x128xf32, #tpu.memory_space<vmem>>
        tpu.wait_dma2 semaphore(%run_scoped3A_503 : memref<!tpu.dma_semaphore, #tpu.memory_space<semaphore_mem>>) src(%dma_wait3A_527 : memref<128x128xf32, #tpu.memory_space<vmem>>) dst(%dma_wait3A_523 : memref<128x128xf32, #tpu.memory_space<vmem_shared>>)
        tpu.yield
      }) : () -> ()
      %scan3A_502 = arith.constant 0 : i32
      scf.yield %scan3A_502 : i32
    }
    %scan3A_13 = arith.constant 5 : i32
    %mul3A_14 = arith.constant 78 : i32
    %mul3A_15 = arith.muli %add3A, %mul3A_14 : i32
    %add3A_16 = arith.constant 0 : i32
    %add3A_17 = arith.addi %mul3A_15, %add3A_16 : i32
    %add3A_18 = arith.constant 0 : i32
    %add3A_19 = arith.addi %add3A_17, %add3A_18 : i32
    %mul3A_20 = arith.constant 128 : i32
    %mul3A_21 = arith.muli %add3A_19, %mul3A_20 : i32
    %multiple_of3A = tpu.assume_multiple %mul3A_21, 128 : i32
    %dma_start3A = arith.constant 0 : i32
    %dma_start3A_22 = arith.constant 0 : i32
    %dma_start3A_23 = arith.constant 0 : i32
    %dma_start3A_24 = arith.constant 0 : i32
    %dma_start3A_25 = tpu.memref_slice %arg5[%dma_start3A_22, %dma_start3A_23, %dma_start3A_24] : memref<2x6x128xi32, #tpu.memory_space<vmem>> -> memref<1x1x128xi32, #tpu.memory_space<vmem>>
    %dma_start3A_26 = tpu.memref_squeeze %dma_start3A_25 : memref<1x1x128xi32, #tpu.memory_space<vmem>> -> memref<128xi32, #tpu.memory_space<vmem>>
    %dma_start3A_27 = tpu.memref_slice %arg3[%dma_start3A, %multiple_of3A] : memref<2x320000xi32, #tpu.memory_space<hbm>> -> memref<1x128xi32, #tpu.memory_space<hbm>>
    %dma_start3A_28 = tpu.memref_squeeze %dma_start3A_27 : memref<1x128xi32, #tpu.memory_space<hbm>> -> memref<128xi32, #tpu.memory_space<hbm>>
    %dma_start3A_29 = arith.constant 0 : i32
    %dma_start3A_30 = tpu.memref_slice %arg5[%dma_start3A_22, %dma_start3A_23, %dma_start3A_29] : memref<2x6x128xi32, #tpu.memory_space<vmem>> -> memref<1x1x128xi32, #tpu.memory_space<vmem>>
    %dma_start3A_31 = tpu.memref_squeeze %dma_start3A_30 : memref<1x1x128xi32, #tpu.memory_space<vmem>> -> memref<128xi32, #tpu.memory_space<vmem>>
    %dma_start3A_32 = tpu.memref_slice %arg3[%dma_start3A, %multiple_of3A] : memref<2x320000xi32, #tpu.memory_space<hbm>> -> memref<1x128xi32, #tpu.memory_space<hbm>>
    %dma_start3A_33 = tpu.memref_squeeze %dma_start3A_32 : memref<1x128xi32, #tpu.memory_space<hbm>> -> memref<128xi32, #tpu.memory_space<hbm>>
    tpu.enqueue_dma source(%dma_start3A_33 : memref<128xi32, #tpu.memory_space<hbm>>) target(%dma_start3A_31 : memref<128xi32, #tpu.memory_space<vmem>>) target_semaphore(%arg9 : memref<!tpu.dma_semaphore, #tpu.memory_space<semaphore_mem>>)
    %mul3A_34 = arith.constant 78 : i32
    %mul3A_35 = arith.muli %add3A, %mul3A_34 : i32
    %add3A_36 = arith.constant 0 : i32
    %add3A_37 = arith.addi %mul3A_35, %add3A_36 : i32
    %add3A_38 = arith.constant 0 : i32
    %add3A_39 = arith.addi %add3A_37, %add3A_38 : i32
    %mul3A_40 = arith.constant 128 : i32
    %mul3A_41 = arith.muli %add3A_39, %mul3A_40 : i32
    %multiple_of3A_42 = tpu.assume_multiple %mul3A_41, 128 : i32
    %dma_start3A_43 = arith.constant 1 : i32
    %dma_start3A_44 = arith.constant 0 : i32
    %dma_start3A_45 = arith.constant 0 : i32
    %dma_start3A_46 = arith.constant 0 : i32
    %dma_start3A_47 = tpu.memref_slice %arg6[%dma_start3A_44, %dma_start3A_45, %dma_start3A_46] : memref<2x6x128xi32, #tpu.memory_space<vmem>> -> memref<1x1x128xi32, #tpu.memory_space<vmem>>
    %dma_start3A_48 = tpu.memref_squeeze %dma_start3A_47 : memref<1x1x128xi32, #tpu.memory_space<vmem>> -> memref<128xi32, #tpu.memory_space<vmem>>
    %dma_start3A_49 = tpu.memref_slice %arg3[%dma_start3A_43, %multiple_of3A_42] : memref<2x320000xi32, #tpu.memory_space<hbm>> -> memref<1x128xi32, #tpu.memory_space<hbm>>
    %dma_start3A_50 = tpu.memref_squeeze %dma_start3A_49 : memref<1x128xi32, #tpu.memory_space<hbm>> -> memref<128xi32, #tpu.memory_space<hbm>>
    %dma_start3A_51 = arith.constant 0 : i32
    %dma_start3A_52 = tpu.memref_slice %arg6[%dma_start3A_44, %dma_start3A_45, %dma_start3A_51] : memref<2x6x128xi32, #tpu.memory_space<vmem>> -> memref<1x1x128xi32, #tpu.memory_space<vmem>>
    %dma_start3A_53 = tpu.memref_squeeze %dma_start3A_52 : memref<1x1x128xi32, #tpu.memory_space<vmem>> -> memref<128xi32, #tpu.memory_space<vmem>>
    %dma_start3A_54 = tpu.memref_slice %arg3[%dma_start3A_43, %multiple_of3A_42] : memref<2x320000xi32, #tpu.memory_space<hbm>> -> memref<1x128xi32, #tpu.memory_space<hbm>>
    %dma_start3A_55 = tpu.memref_squeeze %dma_start3A_54 : memref<1x128xi32, #tpu.memory_space<hbm>> -> memref<128xi32, #tpu.memory_space<hbm>>
    tpu.enqueue_dma source(%dma_start3A_55 : memref<128xi32, #tpu.memory_space<hbm>>) target(%dma_start3A_53 : memref<128xi32, #tpu.memory_space<vmem>>) target_semaphore(%arg9 : memref<!tpu.dma_semaphore, #tpu.memory_space<semaphore_mem>>)
    %mul3A_56 = arith.constant 78 : i32
    %mul3A_57 = arith.muli %add3A, %mul3A_56 : i32
    %add3A_58 = arith.constant 0 : i32
    %add3A_59 = arith.addi %mul3A_57, %add3A_58 : i32
    %add3A_60 = arith.constant 1 : i32
    %add3A_61 = arith.addi %add3A_59, %add3A_60 : i32
    %mul3A_62 = arith.constant 128 : i32
    %mul3A_63 = arith.muli %add3A_61, %mul3A_62 : i32
    %multiple_of3A_64 = tpu.assume_multiple %mul3A_63, 128 : i32
    %dma_start3A_65 = arith.constant 0 : i32
    %dma_start3A_66 = arith.constant 0 : i32
    %dma_start3A_67 = arith.constant 1 : i32
    %dma_start3A_68 = arith.constant 0 : i32
    %dma_start3A_69 = tpu.memref_slice %arg5[%dma_start3A_66, %dma_start3A_67, %dma_start3A_68] : memref<2x6x128xi32, #tpu.memory_space<vmem>> -> memref<1x1x128xi32, #tpu.memory_space<vmem>>
    %dma_start3A_70 = tpu.memref_squeeze %dma_start3A_69 : memref<1x1x128xi32, #tpu.memory_space<vmem>> -> memref<128xi32, #tpu.memory_space<vmem>>
    %dma_start3A_71 = tpu.memref_slice %arg3[%dma_start3A_65, %multiple_of3A_64] : memref<2x320000xi32, #tpu.memory_space<hbm>> -> memref<1x128xi32, #tpu.memory_space<hbm>>
    %dma_start3A_72 = tpu.memref_squeeze %dma_start3A_71 : memref<1x128xi32, #tpu.memory_space<hbm>> -> memref<128xi32, #tpu.memory_space<hbm>>
    %dma_start3A_73 = arith.constant 0 : i32
    %dma_start3A_74 = tpu.memref_slice %arg5[%dma_start3A_66, %dma_start3A_67, %dma_start3A_73] : memref<2x6x128xi32, #tpu.memory_space<vmem>> -> memref<1x1x128xi32, #tpu.memory_space<vmem>>
    %dma_start3A_75 = tpu.memref_squeeze %dma_start3A_74 : memref<1x1x128xi32, #tpu.memory_space<vmem>> -> memref<128xi32, #tpu.memory_space<vmem>>
    %dma_start3A_76 = tpu.memref_slice %arg3[%dma_start3A_65, %multiple_of3A_64] : memref<2x320000xi32, #tpu.memory_space<hbm>> -> memref<1x128xi32, #tpu.memory_space<hbm>>
    %dma_start3A_77 = tpu.memref_squeeze %dma_start3A_76 : memref<1x128xi32, #tpu.memory_space<hbm>> -> memref<128xi32, #tpu.memory_space<hbm>>
    tpu.enqueue_dma source(%dma_start3A_77 : memref<128xi32, #tpu.memory_space<hbm>>) target(%dma_start3A_75 : memref<128xi32, #tpu.memory_space<vmem>>) target_semaphore(%arg9 : memref<!tpu.dma_semaphore, #tpu.memory_space<semaphore_mem>>)
    %mul3A_78 = arith.constant 78 : i32
    %mul3A_79 = arith.muli %add3A, %mul3A_78 : i32
    %add3A_80 = arith.constant 0 : i32
    %add3A_81 = arith.addi %mul3A_79, %add3A_80 : i32
    %add3A_82 = arith.constant 1 : i32
    %add3A_83 = arith.addi %add3A_81, %add3A_82 : i32
    %mul3A_84 = arith.constant 128 : i32
    %mul3A_85 = arith.muli %add3A_83, %mul3A_84 : i32
    %multiple_of3A_86 = tpu.assume_multiple %mul3A_85, 128 : i32
    %dma_start3A_87 = arith.constant 1 : i32
    %dma_start3A_88 = arith.constant 0 : i32
    %dma_start3A_89 = arith.constant 1 : i32
    %dma_start3A_90 = arith.constant 0 : i32
    %dma_start3A_91 = tpu.memref_slice %arg6[%dma_start3A_88, %dma_start3A_89, %dma_start3A_90] : memref<2x6x128xi32, #tpu.memory_space<vmem>> -> memref<1x1x128xi32, #tpu.memory_space<vmem>>
    %dma_start3A_92 = tpu.memref_squeeze %dma_start3A_91 : memref<1x1x128xi32, #tpu.memory_space<vmem>> -> memref<128xi32, #tpu.memory_space<vmem>>
    %dma_start3A_93 = tpu.memref_slice %arg3[%dma_start3A_87, %multiple_of3A_86] : memref<2x320000xi32, #tpu.memory_space<hbm>> -> memref<1x128xi32, #tpu.memory_space<hbm>>
    %dma_start3A_94 = tpu.memref_squeeze %dma_start3A_93 : memref<1x128xi32, #tpu.memory_space<hbm>> -> memref<128xi32, #tpu.memory_space<hbm>>
    %dma_start3A_95 = arith.constant 0 : i32
    %dma_start3A_96 = tpu.memref_slice %arg6[%dma_start3A_88, %dma_start3A_89, %dma_start3A_95] : memref<2x6x128xi32, #tpu.memory_space<vmem>> -> memref<1x1x128xi32, #tpu.memory_space<vmem>>
    %dma_start3A_97 = tpu.memref_squeeze %dma_start3A_96 : memref<1x1x128xi32, #tpu.memory_space<vmem>> -> memref<128xi32, #tpu.memory_space<vmem>>
    %dma_start3A_98 = tpu.memref_slice %arg3[%dma_start3A_87, %multiple_of3A_86] : memref<2x320000xi32, #tpu.memory_space<hbm>> -> memref<1x128xi32, #tpu.memory_space<hbm>>
    %dma_start3A_99 = tpu.memref_squeeze %dma_start3A_98 : memref<1x128xi32, #tpu.memory_space<hbm>> -> memref<128xi32, #tpu.memory_space<hbm>>
    tpu.enqueue_dma source(%dma_start3A_99 : memref<128xi32, #tpu.memory_space<hbm>>) target(%dma_start3A_97 : memref<128xi32, #tpu.memory_space<vmem>>) target_semaphore(%arg9 : memref<!tpu.dma_semaphore, #tpu.memory_space<semaphore_mem>>)
    %mul3A_100 = arith.constant 78 : i32
    %mul3A_101 = arith.muli %add3A, %mul3A_100 : i32
    %add3A_102 = arith.constant 0 : i32
    %add3A_103 = arith.addi %mul3A_101, %add3A_102 : i32
    %add3A_104 = arith.constant 2 : i32
    %add3A_105 = arith.addi %add3A_103, %add3A_104 : i32
    %mul3A_106 = arith.constant 128 : i32
    %mul3A_107 = arith.muli %add3A_105, %mul3A_106 : i32
    %multiple_of3A_108 = tpu.assume_multiple %mul3A_107, 128 : i32
    %dma_start3A_109 = arith.constant 0 : i32
    %dma_start3A_110 = arith.constant 0 : i32
    %dma_start3A_111 = arith.constant 2 : i32
    %dma_start3A_112 = arith.constant 0 : i32
    %dma_start3A_113 = tpu.memref_slice %arg5[%dma_start3A_110, %dma_start3A_111, %dma_start3A_112] : memref<2x6x128xi32, #tpu.memory_space<vmem>> -> memref<1x1x128xi32, #tpu.memory_space<vmem>>
    %dma_start3A_114 = tpu.memref_squeeze %dma_start3A_113 : memref<1x1x128xi32, #tpu.memory_space<vmem>> -> memref<128xi32, #tpu.memory_space<vmem>>
    %dma_start3A_115 = tpu.memref_slice %arg3[%dma_start3A_109, %multiple_of3A_108] : memref<2x320000xi32, #tpu.memory_space<hbm>> -> memref<1x128xi32, #tpu.memory_space<hbm>>
    %dma_start3A_116 = tpu.memref_squeeze %dma_start3A_115 : memref<1x128xi32, #tpu.memory_space<hbm>> -> memref<128xi32, #tpu.memory_space<hbm>>
    %dma_start3A_117 = arith.constant 0 : i32
    %dma_start3A_118 = tpu.memref_slice %arg5[%dma_start3A_110, %dma_start3A_111, %dma_start3A_117] : memref<2x6x128xi32, #tpu.memory_space<vmem>> -> memref<1x1x128xi32, #tpu.memory_space<vmem>>
    %dma_start3A_119 = tpu.memref_squeeze %dma_start3A_118 : memref<1x1x128xi32, #tpu.memory_space<vmem>> -> memref<128xi32, #tpu.memory_space<vmem>>
    %dma_start3A_120 = tpu.memref_slice %arg3[%dma_start3A_109, %multiple_of3A_108] : memref<2x320000xi32, #tpu.memory_space<hbm>> -> memref<1x128xi32, #tpu.memory_space<hbm>>
    %dma_start3A_121 = tpu.memref_squeeze %dma_start3A_120 : memref<1x128xi32, #tpu.memory_space<hbm>> -> memref<128xi32, #tpu.memory_space<hbm>>
    tpu.enqueue_dma source(%dma_start3A_121 : memref<128xi32, #tpu.memory_space<hbm>>) target(%dma_start3A_119 : memref<128xi32, #tpu.memory_space<vmem>>) target_semaphore(%arg9 : memref<!tpu.dma_semaphore, #tpu.memory_space<semaphore_mem>>)
    %mul3A_122 = arith.constant 78 : i32
    %mul3A_123 = arith.muli %add3A, %mul3A_122 : i32
    %add3A_124 = arith.constant 0 : i32
    %add3A_125 = arith.addi %mul3A_123, %add3A_124 : i32
    %add3A_126 = arith.constant 2 : i32
    %add3A_127 = arith.addi %add3A_125, %add3A_126 : i32
    %mul3A_128 = arith.constant 128 : i32
    %mul3A_129 = arith.muli %add3A_127, %mul3A_128 : i32
    %multiple_of3A_130 = tpu.assume_multiple %mul3A_129, 128 : i32
    %dma_start3A_131 = arith.constant 1 : i32
    %dma_start3A_132 = arith.constant 0 : i32
    %dma_start3A_133 = arith.constant 2 : i32
    %dma_start3A_134 = arith.constant 0 : i32
    %dma_start3A_135 = tpu.memref_slice %arg6[%dma_start3A_132, %dma_start3A_133, %dma_start3A_134] : memref<2x6x128xi32, #tpu.memory_space<vmem>> -> memref<1x1x128xi32, #tpu.memory_space<vmem>>
    %dma_start3A_136 = tpu.memref_squeeze %dma_start3A_135 : memref<1x1x128xi32, #tpu.memory_space<vmem>> -> memref<128xi32, #tpu.memory_space<vmem>>
    %dma_start3A_137 = tpu.memref_slice %arg3[%dma_start3A_131, %multiple_of3A_130] : memref<2x320000xi32, #tpu.memory_space<hbm>> -> memref<1x128xi32, #tpu.memory_space<hbm>>
    %dma_start3A_138 = tpu.memref_squeeze %dma_start3A_137 : memref<1x128xi32, #tpu.memory_space<hbm>> -> memref<128xi32, #tpu.memory_space<hbm>>
    %dma_start3A_139 = arith.constant 0 : i32
    %dma_start3A_140 = tpu.memref_slice %arg6[%dma_start3A_132, %dma_start3A_133, %dma_start3A_139] : memref<2x6x128xi32, #tpu.memory_space<vmem>> -> memref<1x1x128xi32, #tpu.memory_space<vmem>>
    %dma_start3A_141 = tpu.memref_squeeze %dma_start3A_140 : memref<1x1x128xi32, #tpu.memory_space<vmem>> -> memref<128xi32, #tpu.memory_space<vmem>>
    %dma_start3A_142 = tpu.memref_slice %arg3[%dma_start3A_131, %multiple_of3A_130] : memref<2x320000xi32, #tpu.memory_space<hbm>> -> memref<1x128xi32, #tpu.memory_space<hbm>>
    %dma_start3A_143 = tpu.memref_squeeze %dma_start3A_142 : memref<1x128xi32, #tpu.memory_space<hbm>> -> memref<128xi32, #tpu.memory_space<hbm>>
    tpu.enqueue_dma source(%dma_start3A_143 : memref<128xi32, #tpu.memory_space<hbm>>) target(%dma_start3A_141 : memref<128xi32, #tpu.memory_space<vmem>>) target_semaphore(%arg9 : memref<!tpu.dma_semaphore, #tpu.memory_space<semaphore_mem>>)
    %mul3A_144 = arith.constant 78 : i32
    %mul3A_145 = arith.muli %add3A, %mul3A_144 : i32
    %add3A_146 = arith.constant 0 : i32
    %add3A_147 = arith.addi %mul3A_145, %add3A_146 : i32
    %add3A_148 = arith.constant 3 : i32
    %add3A_149 = arith.addi %add3A_147, %add3A_148 : i32
    %mul3A_150 = arith.constant 128 : i32
    %mul3A_151 = arith.muli %add3A_149, %mul3A_150 : i32
    %multiple_of3A_152 = tpu.assume_multiple %mul3A_151, 128 : i32
    %dma_start3A_153 = arith.constant 0 : i32
    %dma_start3A_154 = arith.constant 0 : i32
    %dma_start3A_155 = arith.constant 3 : i32
    %dma_start3A_156 = arith.constant 0 : i32
    %dma_start3A_157 = tpu.memref_slice %arg5[%dma_start3A_154, %dma_start3A_155, %dma_start3A_156] : memref<2x6x128xi32, #tpu.memory_space<vmem>> -> memref<1x1x128xi32, #tpu.memory_space<vmem>>
    %dma_start3A_158 = tpu.memref_squeeze %dma_start3A_157 : memref<1x1x128xi32, #tpu.memory_space<vmem>> -> memref<128xi32, #tpu.memory_space<vmem>>
    %dma_start3A_159 = tpu.memref_slice %arg3[%dma_start3A_153, %multiple_of3A_152] : memref<2x320000xi32, #tpu.memory_space<hbm>> -> memref<1x128xi32, #tpu.memory_space<hbm>>
    %dma_start3A_160 = tpu.memref_squeeze %dma_start3A_159 : memref<1x128xi32, #tpu.memory_space<hbm>> -> memref<128xi32, #tpu.memory_space<hbm>>
    %dma_start3A_161 = arith.constant 0 : i32
    %dma_start3A_162 = tpu.memref_slice %arg5[%dma_start3A_154, %dma_start3A_155, %dma_start3A_161] : memref<2x6x128xi32, #tpu.memory_space<vmem>> -> memref<1x1x128xi32, #tpu.memory_space<vmem>>
    %dma_start3A_163 = tpu.memref_squeeze %dma_start3A_162 : memref<1x1x128xi32, #tpu.memory_space<vmem>> -> memref<128xi32, #tpu.memory_space<vmem>>
    %dma_start3A_164 = tpu.memref_slice %arg3[%dma_start3A_153, %multiple_of3A_152] : memref<2x320000xi32, #tpu.memory_space<hbm>> -> memref<1x128xi32, #tpu.memory_space<hbm>>
    %dma_start3A_165 = tpu.memref_squeeze %dma_start3A_164 : memref<1x128xi32, #tpu.memory_space<hbm>> -> memref<128xi32, #tpu.memory_space<hbm>>
    tpu.enqueue_dma source(%dma_start3A_165 : memref<128xi32, #tpu.memory_space<hbm>>) target(%dma_start3A_163 : memref<128xi32, #tpu.memory_space<vmem>>) target_semaphore(%arg9 : memref<!tpu.dma_semaphore, #tpu.memory_space<semaphore_mem>>)
    %mul3A_166 = arith.constant 78 : i32
    %mul3A_167 = arith.muli %add3A, %mul3A_166 : i32
    %add3A_168 = arith.constant 0 : i32
    %add3A_169 = arith.addi %mul3A_167, %add3A_168 : i32
    %add3A_170 = arith.constant 3 : i32
    %add3A_171 = arith.addi %add3A_169, %add3A_170 : i32
    %mul3A_172 = arith.constant 128 : i32
    %mul3A_173 = arith.muli %add3A_171, %mul3A_172 : i32
    %multiple_of3A_174 = tpu.assume_multiple %mul3A_173, 128 : i32
    %dma_start3A_175 = arith.constant 1 : i32
    %dma_start3A_176 = arith.constant 0 : i32
    %dma_start3A_177 = arith.constant 3 : i32
    %dma_start3A_178 = arith.constant 0 : i32
    %dma_start3A_179 = tpu.memref_slice %arg6[%dma_start3A_176, %dma_start3A_177, %dma_start3A_178] : memref<2x6x128xi32, #tpu.memory_space<vmem>> -> memref<1x1x128xi32, #tpu.memory_space<vmem>>
    %dma_start3A_180 = tpu.memref_squeeze %dma_start3A_179 : memref<1x1x128xi32, #tpu.memory_space<vmem>> -> memref<128xi32, #tpu.memory_space<vmem>>
    %dma_start3A_181 = tpu.memref_slice %arg3[%dma_start3A_175, %multiple_of3A_174] : memref<2x320000xi32, #tpu.memory_space<hbm>> -> memref<1x128xi32, #tpu.memory_space<hbm>>
    %dma_start3A_182 = tpu.memref_squeeze %dma_start3A_181 : memref<1x128xi32, #tpu.memory_space<hbm>> -> memref<128xi32, #tpu.memory_space<hbm>>
    %dma_start3A_183 = arith.constant 0 : i32
    %dma_start3A_184 = tpu.memref_slice %arg6[%dma_start3A_176, %dma_start3A_177, %dma_start3A_183] : memref<2x6x128xi32, #tpu.memory_space<vmem>> -> memref<1x1x128xi32, #tpu.memory_space<vmem>>
    %dma_start3A_185 = tpu.memref_squeeze %dma_start3A_184 : memref<1x1x128xi32, #tpu.memory_space<vmem>> -> memref<128xi32, #tpu.memory_space<vmem>>
    %dma_start3A_186 = tpu.memref_slice %arg3[%dma_start3A_175, %multiple_of3A_174] : memref<2x320000xi32, #tpu.memory_space<hbm>> -> memref<1x128xi32, #tpu.memory_space<hbm>>
    %dma_start3A_187 = tpu.memref_squeeze %dma_start3A_186 : memref<1x128xi32, #tpu.memory_space<hbm>> -> memref<128xi32, #tpu.memory_space<hbm>>
    tpu.enqueue_dma source(%dma_start3A_187 : memref<128xi32, #tpu.memory_space<hbm>>) target(%dma_start3A_185 : memref<128xi32, #tpu.memory_space<vmem>>) target_semaphore(%arg9 : memref<!tpu.dma_semaphore, #tpu.memory_space<semaphore_mem>>)
    %mul3A_188 = arith.constant 78 : i32
    %mul3A_189 = arith.muli %add3A, %mul3A_188 : i32
    %add3A_190 = arith.constant 0 : i32
    %add3A_191 = arith.addi %mul3A_189, %add3A_190 : i32
    %add3A_192 = arith.constant 4 : i32
    %add3A_193 = arith.addi %add3A_191, %add3A_192 : i32
    %mul3A_194 = arith.constant 128 : i32
    %mul3A_195 = arith.muli %add3A_193, %mul3A_194 : i32
    %multiple_of3A_196 = tpu.assume_multiple %mul3A_195, 128 : i32
    %dma_start3A_197 = arith.constant 0 : i32
    %dma_start3A_198 = arith.constant 0 : i32
    %dma_start3A_199 = arith.constant 4 : i32
    %dma_start3A_200 = arith.constant 0 : i32
    %dma_start3A_201 = tpu.memref_slice %arg5[%dma_start3A_198, %dma_start3A_199, %dma_start3A_200] : memref<2x6x128xi32, #tpu.memory_space<vmem>> -> memref<1x1x128xi32, #tpu.memory_space<vmem>>
    %dma_start3A_202 = tpu.memref_squeeze %dma_start3A_201 : memref<1x1x128xi32, #tpu.memory_space<vmem>> -> memref<128xi32, #tpu.memory_space<vmem>>
    %dma_start3A_203 = tpu.memref_slice %arg3[%dma_start3A_197, %multiple_of3A_196] : memref<2x320000xi32, #tpu.memory_space<hbm>> -> memref<1x128xi32, #tpu.memory_space<hbm>>
    %dma_start3A_204 = tpu.memref_squeeze %dma_start3A_203 : memref<1x128xi32, #tpu.memory_space<hbm>> -> memref<128xi32, #tpu.memory_space<hbm>>
    %dma_start3A_205 = arith.constant 0 : i32
    %dma_start3A_206 = tpu.memref_slice %arg5[%dma_start3A_198, %dma_start3A_199, %dma_start3A_205] : memref<2x6x128xi32, #tpu.memory_space<vmem>> -> memref<1x1x128xi32, #tpu.memory_space<vmem>>
    %dma_start3A_207 = tpu.memref_squeeze %dma_start3A_206 : memref<1x1x128xi32, #tpu.memory_space<vmem>> -> memref<128xi32, #tpu.memory_space<vmem>>
    %dma_start3A_208 = tpu.memref_slice %arg3[%dma_start3A_197, %multiple_of3A_196] : memref<2x320000xi32, #tpu.memory_space<hbm>> -> memref<1x128xi32, #tpu.memory_space<hbm>>
    %dma_start3A_209 = tpu.memref_squeeze %dma_start3A_208 : memref<1x128xi32, #tpu.memory_space<hbm>> -> memref<128xi32, #tpu.memory_space<hbm>>
    tpu.enqueue_dma source(%dma_start3A_209 : memref<128xi32, #tpu.memory_space<hbm>>) target(%dma_start3A_207 : memref<128xi32, #tpu.memory_space<vmem>>) target_semaphore(%arg9 : memref<!tpu.dma_semaphore, #tpu.memory_space<semaphore_mem>>)
    %mul3A_210 = arith.constant 78 : i32
    %mul3A_211 = arith.muli %add3A, %mul3A_210 : i32
    %add3A_212 = arith.constant 0 : i32
    %add3A_213 = arith.addi %mul3A_211, %add3A_212 : i32
    %add3A_214 = arith.constant 4 : i32
    %add3A_215 = arith.addi %add3A_213, %add3A_214 : i32
    %mul3A_216 = arith.constant 128 : i32
    %mul3A_217 = arith.muli %add3A_215, %mul3A_216 : i32
    %multiple_of3A_218 = tpu.assume_multiple %mul3A_217, 128 : i32
    %dma_start3A_219 = arith.constant 1 : i32
    %dma_start3A_220 = arith.constant 0 : i32
    %dma_start3A_221 = arith.constant 4 : i32
    %dma_start3A_222 = arith.constant 0 : i32
    %dma_start3A_223 = tpu.memref_slice %arg6[%dma_start3A_220, %dma_start3A_221, %dma_start3A_222] : memref<2x6x128xi32, #tpu.memory_space<vmem>> -> memref<1x1x128xi32, #tpu.memory_space<vmem>>
    %dma_start3A_224 = tpu.memref_squeeze %dma_start3A_223 : memref<1x1x128xi32, #tpu.memory_space<vmem>> -> memref<128xi32, #tpu.memory_space<vmem>>
    %dma_start3A_225 = tpu.memref_slice %arg3[%dma_start3A_219, %multiple_of3A_218] : memref<2x320000xi32, #tpu.memory_space<hbm>> -> memref<1x128xi32, #tpu.memory_space<hbm>>
    %dma_start3A_226 = tpu.memref_squeeze %dma_start3A_225 : memref<1x128xi32, #tpu.memory_space<hbm>> -> memref<128xi32, #tpu.memory_space<hbm>>
    %dma_start3A_227 = arith.constant 0 : i32
    %dma_start3A_228 = tpu.memref_slice %arg6[%dma_start3A_220, %dma_start3A_221, %dma_start3A_227] : memref<2x6x128xi32, #tpu.memory_space<vmem>> -> memref<1x1x128xi32, #tpu.memory_space<vmem>>
    %dma_start3A_229 = tpu.memref_squeeze %dma_start3A_228 : memref<1x1x128xi32, #tpu.memory_space<vmem>> -> memref<128xi32, #tpu.memory_space<vmem>>
    %dma_start3A_230 = tpu.memref_slice %arg3[%dma_start3A_219, %multiple_of3A_218] : memref<2x320000xi32, #tpu.memory_space<hbm>> -> memref<1x128xi32, #tpu.memory_space<hbm>>
    %dma_start3A_231 = tpu.memref_squeeze %dma_start3A_230 : memref<1x128xi32, #tpu.memory_space<hbm>> -> memref<128xi32, #tpu.memory_space<hbm>>
    tpu.enqueue_dma source(%dma_start3A_231 : memref<128xi32, #tpu.memory_space<hbm>>) target(%dma_start3A_229 : memref<128xi32, #tpu.memory_space<vmem>>) target_semaphore(%arg9 : memref<!tpu.dma_semaphore, #tpu.memory_space<semaphore_mem>>)
    %mul3A_232 = arith.constant 78 : i32
    %mul3A_233 = arith.muli %add3A, %mul3A_232 : i32
    %add3A_234 = arith.constant 0 : i32
    %add3A_235 = arith.addi %mul3A_233, %add3A_234 : i32
    %add3A_236 = arith.constant 5 : i32
    %add3A_237 = arith.addi %add3A_235, %add3A_236 : i32
    %mul3A_238 = arith.constant 128 : i32
    %mul3A_239 = arith.muli %add3A_237, %mul3A_238 : i32
    %multiple_of3A_240 = tpu.assume_multiple %mul3A_239, 128 : i32
    %dma_start3A_241 = arith.constant 0 : i32
    %dma_start3A_242 = arith.constant 0 : i32
    %dma_start3A_243 = arith.constant 5 : i32
    %dma_start3A_244 = arith.constant 0 : i32
    %dma_start3A_245 = tpu.memref_slice %arg5[%dma_start3A_242, %dma_start3A_243, %dma_start3A_244] : memref<2x6x128xi32, #tpu.memory_space<vmem>> -> memref<1x1x128xi32, #tpu.memory_space<vmem>>
    %dma_start3A_246 = tpu.memref_squeeze %dma_start3A_245 : memref<1x1x128xi32, #tpu.memory_space<vmem>> -> memref<128xi32, #tpu.memory_space<vmem>>
    %dma_start3A_247 = tpu.memref_slice %arg3[%dma_start3A_241, %multiple_of3A_240] : memref<2x320000xi32, #tpu.memory_space<hbm>> -> memref<1x128xi32, #tpu.memory_space<hbm>>
    %dma_start3A_248 = tpu.memref_squeeze %dma_start3A_247 : memref<1x128xi32, #tpu.memory_space<hbm>> -> memref<128xi32, #tpu.memory_space<hbm>>
    %dma_start3A_249 = arith.constant 0 : i32
    %dma_start3A_250 = tpu.memref_slice %arg5[%dma_start3A_242, %dma_start3A_243, %dma_start3A_249] : memref<2x6x128xi32, #tpu.memory_space<vmem>> -> memref<1x1x128xi32, #tpu.memory_space<vmem>>
    %dma_start3A_251 = tpu.memref_squeeze %dma_start3A_250 : memref<1x1x128xi32, #tpu.memory_space<vmem>> -> memref<128xi32, #tpu.memory_space<vmem>>
    %dma_start3A_252 = tpu.memref_slice %arg3[%dma_start3A_241, %multiple_of3A_240] : memref<2x320000xi32, #tpu.memory_space<hbm>> -> memref<1x128xi32, #tpu.memory_space<hbm>>
    %dma_start3A_253 = tpu.memref_squeeze %dma_start3A_252 : memref<1x128xi32, #tpu.memory_space<hbm>> -> memref<128xi32, #tpu.memory_space<hbm>>
    tpu.enqueue_dma source(%dma_start3A_253 : memref<128xi32, #tpu.memory_space<hbm>>) target(%dma_start3A_251 : memref<128xi32, #tpu.memory_space<vmem>>) target_semaphore(%arg9 : memref<!tpu.dma_semaphore, #tpu.memory_space<semaphore_mem>>)
    %mul3A_254 = arith.constant 78 : i32
    %mul3A_255 = arith.muli %add3A, %mul3A_254 : i32
    %add3A_256 = arith.constant 0 : i32
    %add3A_257 = arith.addi %mul3A_255, %add3A_256 : i32
    %add3A_258 = arith.constant 5 : i32
    %add3A_259 = arith.addi %add3A_257, %add3A_258 : i32
    %mul3A_260 = arith.constant 128 : i32
    %mul3A_261 = arith.muli %add3A_259, %mul3A_260 : i32
    %multiple_of3A_262 = tpu.assume_multiple %mul3A_261, 128 : i32
    %dma_start3A_263 = arith.constant 1 : i32
    %dma_start3A_264 = arith.constant 0 : i32
    %dma_start3A_265 = arith.constant 5 : i32
    %dma_start3A_266 = arith.constant 0 : i32
    %dma_start3A_267 = tpu.memref_slice %arg6[%dma_start3A_264, %dma_start3A_265, %dma_start3A_266] : memref<2x6x128xi32, #tpu.memory_space<vmem>> -> memref<1x1x128xi32, #tpu.memory_space<vmem>>
    %dma_start3A_268 = tpu.memref_squeeze %dma_start3A_267 : memref<1x1x128xi32, #tpu.memory_space<vmem>> -> memref<128xi32, #tpu.memory_space<vmem>>
    %dma_start3A_269 = tpu.memref_slice %arg3[%dma_start3A_263, %multiple_of3A_262] : memref<2x320000xi32, #tpu.memory_space<hbm>> -> memref<1x128xi32, #tpu.memory_space<hbm>>
    %dma_start3A_270 = tpu.memref_squeeze %dma_start3A_269 : memref<1x128xi32, #tpu.memory_space<hbm>> -> memref<128xi32, #tpu.memory_space<hbm>>
    %dma_start3A_271 = arith.constant 0 : i32
    %dma_start3A_272 = tpu.memref_slice %arg6[%dma_start3A_264, %dma_start3A_265, %dma_start3A_271] : memref<2x6x128xi32, #tpu.memory_space<vmem>> -> memref<1x1x128xi32, #tpu.memory_space<vmem>>
    %dma_start3A_273 = tpu.memref_squeeze %dma_start3A_272 : memref<1x1x128xi32, #tpu.memory_space<vmem>> -> memref<128xi32, #tpu.memory_space<vmem>>
    %dma_start3A_274 = tpu.memref_slice %arg3[%dma_start3A_263, %multiple_of3A_262] : memref<2x320000xi32, #tpu.memory_space<hbm>> -> memref<1x128xi32, #tpu.memory_space<hbm>>
    %dma_start3A_275 = tpu.memref_squeeze %dma_start3A_274 : memref<1x128xi32, #tpu.memory_space<hbm>> -> memref<128xi32, #tpu.memory_space<hbm>>
    tpu.enqueue_dma source(%dma_start3A_275 : memref<128xi32, #tpu.memory_space<hbm>>) target(%dma_start3A_273 : memref<128xi32, #tpu.memory_space<vmem>>) target_semaphore(%arg9 : memref<!tpu.dma_semaphore, #tpu.memory_space<semaphore_mem>>)
    %dma_wait3A = arith.constant 0 : i32
    %dma_wait3A_276 = arith.constant 0 : i32
    %dma_wait3A_277 = arith.constant 0 : i32
    %dma_wait3A_278 = arith.constant 0 : i32
    %dma_wait3A_279 = tpu.memref_slice %arg5[%dma_wait3A_276, %dma_wait3A_277, %dma_wait3A_278] : memref<2x6x128xi32, #tpu.memory_space<vmem>> -> memref<1x1x128xi32, #tpu.memory_space<vmem>>
    %dma_wait3A_280 = tpu.memref_squeeze %dma_wait3A_279 : memref<1x1x128xi32, #tpu.memory_space<vmem>> -> memref<128xi32, #tpu.memory_space<vmem>>
    %dma_wait3A_281 = arith.constant 0 : i32
    %dma_wait3A_282 = tpu.memref_slice %arg3[%dma_wait3A, %dma_wait3A_281] : memref<2x320000xi32, #tpu.memory_space<hbm>> -> memref<1x128xi32, #tpu.memory_space<hbm>>
    %dma_wait3A_283 = tpu.memref_squeeze %dma_wait3A_282 : memref<1x128xi32, #tpu.memory_space<hbm>> -> memref<128xi32, #tpu.memory_space<hbm>>
    %dma_wait3A_284 = arith.constant 0 : i32
    %dma_wait3A_285 = tpu.memref_slice %arg5[%dma_wait3A_276, %dma_wait3A_277, %dma_wait3A_284] : memref<2x6x128xi32, #tpu.memory_space<vmem>> -> memref<1x1x128xi32, #tpu.memory_space<vmem>>
    %dma_wait3A_286 = tpu.memref_squeeze %dma_wait3A_285 : memref<1x1x128xi32, #tpu.memory_space<vmem>> -> memref<128xi32, #tpu.memory_space<vmem>>
    %dma_wait3A_287 = arith.constant 0 : i32
    %dma_wait3A_288 = tpu.memref_slice %arg3[%dma_wait3A, %dma_wait3A_287] : memref<2x320000xi32, #tpu.memory_space<hbm>> -> memref<1x128xi32, #tpu.memory_space<hbm>>
    %dma_wait3A_289 = tpu.memref_squeeze %dma_wait3A_288 : memref<1x128xi32, #tpu.memory_space<hbm>> -> memref<128xi32, #tpu.memory_space<hbm>>
    tpu.wait_dma2 semaphore(%arg9 : memref<!tpu.dma_semaphore, #tpu.memory_space<semaphore_mem>>) src(%dma_wait3A_289 : memref<128xi32, #tpu.memory_space<hbm>>) dst(%dma_wait3A_286 : memref<128xi32, #tpu.memory_space<vmem>>)
    %dma_wait3A_290 = arith.constant 0 : i32
    %dma_wait3A_291 = arith.constant 0 : i32
    %dma_wait3A_292 = arith.constant 0 : i32
    %dma_wait3A_293 = arith.constant 0 : i32
    %dma_wait3A_294 = tpu.memref_slice %arg5[%dma_wait3A_291, %dma_wait3A_292, %dma_wait3A_293] : memref<2x6x128xi32, #tpu.memory_space<vmem>> -> memref<1x1x128xi32, #tpu.memory_space<vmem>>
    %dma_wait3A_295 = tpu.memref_squeeze %dma_wait3A_294 : memref<1x1x128xi32, #tpu.memory_space<vmem>> -> memref<128xi32, #tpu.memory_space<vmem>>
    %dma_wait3A_296 = arith.constant 0 : i32
    %dma_wait3A_297 = tpu.memref_slice %arg3[%dma_wait3A_290, %dma_wait3A_296] : memref<2x320000xi32, #tpu.memory_space<hbm>> -> memref<1x128xi32, #tpu.memory_space<hbm>>
    %dma_wait3A_298 = tpu.memref_squeeze %dma_wait3A_297 : memref<1x128xi32, #tpu.memory_space<hbm>> -> memref<128xi32, #tpu.memory_space<hbm>>
    %dma_wait3A_299 = arith.constant 0 : i32
    %dma_wait3A_300 = tpu.memref_slice %arg5[%dma_wait3A_291, %dma_wait3A_292, %dma_wait3A_299] : memref<2x6x128xi32, #tpu.memory_space<vmem>> -> memref<1x1x128xi32, #tpu.memory_space<vmem>>
    %dma_wait3A_301 = tpu.memref_squeeze %dma_wait3A_300 : memref<1x1x128xi32, #tpu.memory_space<vmem>> -> memref<128xi32, #tpu.memory_space<vmem>>
    %dma_wait3A_302 = arith.constant 0 : i32
    %dma_wait3A_303 = tpu.memref_slice %arg3[%dma_wait3A_290, %dma_wait3A_302] : memref<2x320000xi32, #tpu.memory_space<hbm>> -> memref<1x128xi32, #tpu.memory_space<hbm>>
    %dma_wait3A_304 = tpu.memref_squeeze %dma_wait3A_303 : memref<1x128xi32, #tpu.memory_space<hbm>> -> memref<128xi32, #tpu.memory_space<hbm>>
    tpu.wait_dma2 semaphore(%arg9 : memref<!tpu.dma_semaphore, #tpu.memory_space<semaphore_mem>>) src(%dma_wait3A_304 : memref<128xi32, #tpu.memory_space<hbm>>) dst(%dma_wait3A_301 : memref<128xi32, #tpu.memory_space<vmem>>)
    %dma_wait3A_305 = arith.constant 0 : i32
    %dma_wait3A_306 = arith.constant 0 : i32
    %dma_wait3A_307 = arith.constant 0 : i32
    %dma_wait3A_308 = arith.constant 0 : i32
    %dma_wait3A_309 = tpu.memref_slice %arg5[%dma_wait3A_306, %dma_wait3A_307, %dma_wait3A_308] : memref<2x6x128xi32, #tpu.memory_space<vmem>> -> memref<1x1x128xi32, #tpu.memory_space<vmem>>
    %dma_wait3A_310 = tpu.memref_squeeze %dma_wait3A_309 : memref<1x1x128xi32, #tpu.memory_space<vmem>> -> memref<128xi32, #tpu.memory_space<vmem>>
    %dma_wait3A_311 = arith.constant 0 : i32
    %dma_wait3A_312 = tpu.memref_slice %arg3[%dma_wait3A_305, %dma_wait3A_311] : memref<2x320000xi32, #tpu.memory_space<hbm>> -> memref<1x128xi32, #tpu.memory_space<hbm>>
    %dma_wait3A_313 = tpu.memref_squeeze %dma_wait3A_312 : memref<1x128xi32, #tpu.memory_space<hbm>> -> memref<128xi32, #tpu.memory_space<hbm>>
    %dma_wait3A_314 = arith.constant 0 : i32
    %dma_wait3A_315 = tpu.memref_slice %arg5[%dma_wait3A_306, %dma_wait3A_307, %dma_wait3A_314] : memref<2x6x128xi32, #tpu.memory_space<vmem>> -> memref<1x1x128xi32, #tpu.memory_space<vmem>>
    %dma_wait3A_316 = tpu.memref_squeeze %dma_wait3A_315 : memref<1x1x128xi32, #tpu.memory_space<vmem>> -> memref<128xi32, #tpu.memory_space<vmem>>
    %dma_wait3A_317 = arith.constant 0 : i32
    %dma_wait3A_318 = tpu.memref_slice %arg3[%dma_wait3A_305, %dma_wait3A_317] : memref<2x320000xi32, #tpu.memory_space<hbm>> -> memref<1x128xi32, #tpu.memory_space<hbm>>
    %dma_wait3A_319 = tpu.memref_squeeze %dma_wait3A_318 : memref<1x128xi32, #tpu.memory_space<hbm>> -> memref<128xi32, #tpu.memory_space<hbm>>
    tpu.wait_dma2 semaphore(%arg9 : memref<!tpu.dma_semaphore, #tpu.memory_space<semaphore_mem>>) src(%dma_wait3A_319 : memref<128xi32, #tpu.memory_space<hbm>>) dst(%dma_wait3A_316 : memref<128xi32, #tpu.memory_space<vmem>>)
    %dma_wait3A_320 = arith.constant 0 : i32
    %dma_wait3A_321 = arith.constant 0 : i32
    %dma_wait3A_322 = arith.constant 0 : i32
    %dma_wait3A_323 = arith.constant 0 : i32
    %dma_wait3A_324 = tpu.memref_slice %arg5[%dma_wait3A_321, %dma_wait3A_322, %dma_wait3A_323] : memref<2x6x128xi32, #tpu.memory_space<vmem>> -> memref<1x1x128xi32, #tpu.memory_space<vmem>>
    %dma_wait3A_325 = tpu.memref_squeeze %dma_wait3A_324 : memref<1x1x128xi32, #tpu.memory_space<vmem>> -> memref<128xi32, #tpu.memory_space<vmem>>
    %dma_wait3A_326 = arith.constant 0 : i32
    %dma_wait3A_327 = tpu.memref_slice %arg3[%dma_wait3A_320, %dma_wait3A_326] : memref<2x320000xi32, #tpu.memory_space<hbm>> -> memref<1x128xi32, #tpu.memory_space<hbm>>
    %dma_wait3A_328 = tpu.memref_squeeze %dma_wait3A_327 : memref<1x128xi32, #tpu.memory_space<hbm>> -> memref<128xi32, #tpu.memory_space<hbm>>
    %dma_wait3A_329 = arith.constant 0 : i32
    %dma_wait3A_330 = tpu.memref_slice %arg5[%dma_wait3A_321, %dma_wait3A_322, %dma_wait3A_329] : memref<2x6x128xi32, #tpu.memory_space<vmem>> -> memref<1x1x128xi32, #tpu.memory_space<vmem>>
    %dma_wait3A_331 = tpu.memref_squeeze %dma_wait3A_330 : memref<1x1x128xi32, #tpu.memory_space<vmem>> -> memref<128xi32, #tpu.memory_space<vmem>>
    %dma_wait3A_332 = arith.constant 0 : i32
    %dma_wait3A_333 = tpu.memref_slice %arg3[%dma_wait3A_320, %dma_wait3A_332] : memref<2x320000xi32, #tpu.memory_space<hbm>> -> memref<1x128xi32, #tpu.memory_space<hbm>>
    %dma_wait3A_334 = tpu.memref_squeeze %dma_wait3A_333 : memref<1x128xi32, #tpu.memory_space<hbm>> -> memref<128xi32, #tpu.memory_space<hbm>>
    tpu.wait_dma2 semaphore(%arg9 : memref<!tpu.dma_semaphore, #tpu.memory_space<semaphore_mem>>) src(%dma_wait3A_334 : memref<128xi32, #tpu.memory_space<hbm>>) dst(%dma_wait3A_331 : memref<128xi32, #tpu.memory_space<vmem>>)
    %dma_wait3A_335 = arith.constant 0 : i32
    %dma_wait3A_336 = arith.constant 0 : i32
    %dma_wait3A_337 = arith.constant 0 : i32
    %dma_wait3A_338 = arith.constant 0 : i32
    %dma_wait3A_339 = tpu.memref_slice %arg5[%dma_wait3A_336, %dma_wait3A_337, %dma_wait3A_338] : memref<2x6x128xi32, #tpu.memory_space<vmem>> -> memref<1x1x128xi32, #tpu.memory_space<vmem>>
    %dma_wait3A_340 = tpu.memref_squeeze %dma_wait3A_339 : memref<1x1x128xi32, #tpu.memory_space<vmem>> -> memref<128xi32, #tpu.memory_space<vmem>>
    %dma_wait3A_341 = arith.constant 0 : i32
    %dma_wait3A_342 = tpu.memref_slice %arg3[%dma_wait3A_335, %dma_wait3A_341] : memref<2x320000xi32, #tpu.memory_space<hbm>> -> memref<1x128xi32, #tpu.memory_space<hbm>>
    %dma_wait3A_343 = tpu.memref_squeeze %dma_wait3A_342 : memref<1x128xi32, #tpu.memory_space<hbm>> -> memref<128xi32, #tpu.memory_space<hbm>>
    %dma_wait3A_344 = arith.constant 0 : i32
    %dma_wait3A_345 = tpu.memref_slice %arg5[%dma_wait3A_336, %dma_wait3A_337, %dma_wait3A_344] : memref<2x6x128xi32, #tpu.memory_space<vmem>> -> memref<1x1x128xi32, #tpu.memory_space<vmem>>
    %dma_wait3A_346 = tpu.memref_squeeze %dma_wait3A_345 : memref<1x1x128xi32, #tpu.memory_space<vmem>> -> memref<128xi32, #tpu.memory_space<vmem>>
    %dma_wait3A_347 = arith.constant 0 : i32
    %dma_wait3A_348 = tpu.memref_slice %arg3[%dma_wait3A_335, %dma_wait3A_347] : memref<2x320000xi32, #tpu.memory_space<hbm>> -> memref<1x128xi32, #tpu.memory_space<hbm>>
    %dma_wait3A_349 = tpu.memref_squeeze %dma_wait3A_348 : memref<1x128xi32, #tpu.memory_space<hbm>> -> memref<128xi32, #tpu.memory_space<hbm>>
    tpu.wait_dma2 semaphore(%arg9 : memref<!tpu.dma_semaphore, #tpu.memory_space<semaphore_mem>>) src(%dma_wait3A_349 : memref<128xi32, #tpu.memory_space<hbm>>) dst(%dma_wait3A_346 : memref<128xi32, #tpu.memory_space<vmem>>)
    %dma_wait3A_350 = arith.constant 0 : i32
    %dma_wait3A_351 = arith.constant 0 : i32
    %dma_wait3A_352 = arith.constant 0 : i32
    %dma_wait3A_353 = arith.constant 0 : i32
    %dma_wait3A_354 = tpu.memref_slice %arg5[%dma_wait3A_351, %dma_wait3A_352, %dma_wait3A_353] : memref<2x6x128xi32, #tpu.memory_space<vmem>> -> memref<1x1x128xi32, #tpu.memory_space<vmem>>
    %dma_wait3A_355 = tpu.memref_squeeze %dma_wait3A_354 : memref<1x1x128xi32, #tpu.memory_space<vmem>> -> memref<128xi32, #tpu.memory_space<vmem>>
    %dma_wait3A_356 = arith.constant 0 : i32
    %dma_wait3A_357 = tpu.memref_slice %arg3[%dma_wait3A_350, %dma_wait3A_356] : memref<2x320000xi32, #tpu.memory_space<hbm>> -> memref<1x128xi32, #tpu.memory_space<hbm>>
    %dma_wait3A_358 = tpu.memref_squeeze %dma_wait3A_357 : memref<1x128xi32, #tpu.memory_space<hbm>> -> memref<128xi32, #tpu.memory_space<hbm>>
    %dma_wait3A_359 = arith.constant 0 : i32
    %dma_wait3A_360 = tpu.memref_slice %arg5[%dma_wait3A_351, %dma_wait3A_352, %dma_wait3A_359] : memref<2x6x128xi32, #tpu.memory_space<vmem>> -> memref<1x1x128xi32, #tpu.memory_space<vmem>>
    %dma_wait3A_361 = tpu.memref_squeeze %dma_wait3A_360 : memref<1x1x128xi32, #tpu.memory_space<vmem>> -> memref<128xi32, #tpu.memory_space<vmem>>
    %dma_wait3A_362 = arith.constant 0 : i32
    %dma_wait3A_363 = tpu.memref_slice %arg3[%dma_wait3A_350, %dma_wait3A_362] : memref<2x320000xi32, #tpu.memory_space<hbm>> -> memref<1x128xi32, #tpu.memory_space<hbm>>
    %dma_wait3A_364 = tpu.memref_squeeze %dma_wait3A_363 : memref<1x128xi32, #tpu.memory_space<hbm>> -> memref<128xi32, #tpu.memory_space<hbm>>
    tpu.wait_dma2 semaphore(%arg9 : memref<!tpu.dma_semaphore, #tpu.memory_space<semaphore_mem>>) src(%dma_wait3A_364 : memref<128xi32, #tpu.memory_space<hbm>>) dst(%dma_wait3A_361 : memref<128xi32, #tpu.memory_space<vmem>>)
    %dma_wait3A_365 = arith.constant 0 : i32
    %dma_wait3A_366 = arith.constant 0 : i32
    %dma_wait3A_367 = arith.constant 0 : i32
    %dma_wait3A_368 = arith.constant 0 : i32
    %dma_wait3A_369 = tpu.memref_slice %arg5[%dma_wait3A_366, %dma_wait3A_367, %dma_wait3A_368] : memref<2x6x128xi32, #tpu.memory_space<vmem>> -> memref<1x1x128xi32, #tpu.memory_space<vmem>>
    %dma_wait3A_370 = tpu.memref_squeeze %dma_wait3A_369 : memref<1x1x128xi32, #tpu.memory_space<vmem>> -> memref<128xi32, #tpu.memory_space<vmem>>
    %dma_wait3A_371 = arith.constant 0 : i32
    %dma_wait3A_372 = tpu.memref_slice %arg3[%dma_wait3A_365, %dma_wait3A_371] : memref<2x320000xi32, #tpu.memory_space<hbm>> -> memref<1x128xi32, #tpu.memory_space<hbm>>
    %dma_wait3A_373 = tpu.memref_squeeze %dma_wait3A_372 : memref<1x128xi32, #tpu.memory_space<hbm>> -> memref<128xi32, #tpu.memory_space<hbm>>
    %dma_wait3A_374 = arith.constant 0 : i32
    %dma_wait3A_375 = tpu.memref_slice %arg5[%dma_wait3A_366, %dma_wait3A_367, %dma_wait3A_374] : memref<2x6x128xi32, #tpu.memory_space<vmem>> -> memref<1x1x128xi32, #tpu.memory_space<vmem>>
    %dma_wait3A_376 = tpu.memref_squeeze %dma_wait3A_375 : memref<1x1x128xi32, #tpu.memory_space<vmem>> -> memref<128xi32, #tpu.memory_space<vmem>>
    %dma_wait3A_377 = arith.constant 0 : i32
    %dma_wait3A_378 = tpu.memref_slice %arg3[%dma_wait3A_365, %dma_wait3A_377] : memref<2x320000xi32, #tpu.memory_space<hbm>> -> memref<1x128xi32, #tpu.memory_space<hbm>>
    %dma_wait3A_379 = tpu.memref_squeeze %dma_wait3A_378 : memref<1x128xi32, #tpu.memory_space<hbm>> -> memref<128xi32, #tpu.memory_space<hbm>>
    tpu.wait_dma2 semaphore(%arg9 : memref<!tpu.dma_semaphore, #tpu.memory_space<semaphore_mem>>) src(%dma_wait3A_379 : memref<128xi32, #tpu.memory_space<hbm>>) dst(%dma_wait3A_376 : memref<128xi32, #tpu.memory_space<vmem>>)
    %dma_wait3A_380 = arith.constant 0 : i32
    %dma_wait3A_381 = arith.constant 0 : i32
    %dma_wait3A_382 = arith.constant 0 : i32
    %dma_wait3A_383 = arith.constant 0 : i32
    %dma_wait3A_384 = tpu.memref_slice %arg5[%dma_wait3A_381, %dma_wait3A_382, %dma_wait3A_383] : memref<2x6x128xi32, #tpu.memory_space<vmem>> -> memref<1x1x128xi32, #tpu.memory_space<vmem>>
    %dma_wait3A_385 = tpu.memref_squeeze %dma_wait3A_384 : memref<1x1x128xi32, #tpu.memory_space<vmem>> -> memref<128xi32, #tpu.memory_space<vmem>>
    %dma_wait3A_386 = arith.constant 0 : i32
    %dma_wait3A_387 = tpu.memref_slice %arg3[%dma_wait3A_380, %dma_wait3A_386] : memref<2x320000xi32, #tpu.memory_space<hbm>> -> memref<1x128xi32, #tpu.memory_space<hbm>>
    %dma_wait3A_388 = tpu.memref_squeeze %dma_wait3A_387 : memref<1x128xi32, #tpu.memory_space<hbm>> -> memref<128xi32, #tpu.memory_space<hbm>>
    %dma_wait3A_389 = arith.constant 0 : i32
    %dma_wait3A_390 = tpu.memref_slice %arg5[%dma_wait3A_381, %dma_wait3A_382, %dma_wait3A_389] : memref<2x6x128xi32, #tpu.memory_space<vmem>> -> memref<1x1x128xi32, #tpu.memory_space<vmem>>
    %dma_wait3A_391 = tpu.memref_squeeze %dma_wait3A_390 : memref<1x1x128xi32, #tpu.memory_space<vmem>> -> memref<128xi32, #tpu.memory_space<vmem>>
    %dma_wait3A_392 = arith.constant 0 : i32
    %dma_wait3A_393 = tpu.memref_slice %arg3[%dma_wait3A_380, %dma_wait3A_392] : memref<2x320000xi32, #tpu.memory_space<hbm>> -> memref<1x128xi32, #tpu.memory_space<hbm>>
    %dma_wait3A_394 = tpu.memref_squeeze %dma_wait3A_393 : memref<1x128xi32, #tpu.memory_space<hbm>> -> memref<128xi32, #tpu.memory_space<hbm>>
    tpu.wait_dma2 semaphore(%arg9 : memref<!tpu.dma_semaphore, #tpu.memory_space<semaphore_mem>>) src(%dma_wait3A_394 : memref<128xi32, #tpu.memory_space<hbm>>) dst(%dma_wait3A_391 : memref<128xi32, #tpu.memory_space<vmem>>)
    %dma_wait3A_395 = arith.constant 0 : i32
    %dma_wait3A_396 = arith.constant 0 : i32
    %dma_wait3A_397 = arith.constant 0 : i32
    %dma_wait3A_398 = arith.constant 0 : i32
    %dma_wait3A_399 = tpu.memref_slice %arg5[%dma_wait3A_396, %dma_wait3A_397, %dma_wait3A_398] : memref<2x6x128xi32, #tpu.memory_space<vmem>> -> memref<1x1x128xi32, #tpu.memory_space<vmem>>
    %dma_wait3A_400 = tpu.memref_squeeze %dma_wait3A_399 : memref<1x1x128xi32, #tpu.memory_space<vmem>> -> memref<128xi32, #tpu.memory_space<vmem>>
    %dma_wait3A_401 = arith.constant 0 : i32
    %dma_wait3A_402 = tpu.memref_slice %arg3[%dma_wait3A_395, %dma_wait3A_401] : memref<2x320000xi32, #tpu.memory_space<hbm>> -> memref<1x128xi32, #tpu.memory_space<hbm>>
    %dma_wait3A_403 = tpu.memref_squeeze %dma_wait3A_402 : memref<1x128xi32, #tpu.memory_space<hbm>> -> memref<128xi32, #tpu.memory_space<hbm>>
    %dma_wait3A_404 = arith.constant 0 : i32
    %dma_wait3A_405 = tpu.memref_slice %arg5[%dma_wait3A_396, %dma_wait3A_397, %dma_wait3A_404] : memref<2x6x128xi32, #tpu.memory_space<vmem>> -> memref<1x1x128xi32, #tpu.memory_space<vmem>>
    %dma_wait3A_406 = tpu.memref_squeeze %dma_wait3A_405 : memref<1x1x128xi32, #tpu.memory_space<vmem>> -> memref<128xi32, #tpu.memory_space<vmem>>
    %dma_wait3A_407 = arith.constant 0 : i32
    %dma_wait3A_408 = tpu.memref_slice %arg3[%dma_wait3A_395, %dma_wait3A_407] : memref<2x320000xi32, #tpu.memory_space<hbm>> -> memref<1x128xi32, #tpu.memory_space<hbm>>
    %dma_wait3A_409 = tpu.memref_squeeze %dma_wait3A_408 : memref<1x128xi32, #tpu.memory_space<hbm>> -> memref<128xi32, #tpu.memory_space<hbm>>
    tpu.wait_dma2 semaphore(%arg9 : memref<!tpu.dma_semaphore, #tpu.memory_space<semaphore_mem>>) src(%dma_wait3A_409 : memref<128xi32, #tpu.memory_space<hbm>>) dst(%dma_wait3A_406 : memref<128xi32, #tpu.memory_space<vmem>>)
    %dma_wait3A_410 = arith.constant 0 : i32
    %dma_wait3A_411 = arith.constant 0 : i32
    %dma_wait3A_412 = arith.constant 0 : i32
    %dma_wait3A_413 = arith.constant 0 : i32
    %dma_wait3A_414 = tpu.memref_slice %arg5[%dma_wait3A_411, %dma_wait3A_412, %dma_wait3A_413] : memref<2x6x128xi32, #tpu.memory_space<vmem>> -> memref<1x1x128xi32, #tpu.memory_space<vmem>>
    %dma_wait3A_415 = tpu.memref_squeeze %dma_wait3A_414 : memref<1x1x128xi32, #tpu.memory_space<vmem>> -> memref<128xi32, #tpu.memory_space<vmem>>
    %dma_wait3A_416 = arith.constant 0 : i32
    %dma_wait3A_417 = tpu.memref_slice %arg3[%dma_wait3A_410, %dma_wait3A_416] : memref<2x320000xi32, #tpu.memory_space<hbm>> -> memref<1x128xi32, #tpu.memory_space<hbm>>
    %dma_wait3A_418 = tpu.memref_squeeze %dma_wait3A_417 : memref<1x128xi32, #tpu.memory_space<hbm>> -> memref<128xi32, #tpu.memory_space<hbm>>
    %dma_wait3A_419 = arith.constant 0 : i32
    %dma_wait3A_420 = tpu.memref_slice %arg5[%dma_wait3A_411, %dma_wait3A_412, %dma_wait3A_419] : memref<2x6x128xi32, #tpu.memory_space<vmem>> -> memref<1x1x128xi32, #tpu.memory_space<vmem>>
    %dma_wait3A_421 = tpu.memref_squeeze %dma_wait3A_420 : memref<1x1x128xi32, #tpu.memory_space<vmem>> -> memref<128xi32, #tpu.memory_space<vmem>>
    %dma_wait3A_422 = arith.constant 0 : i32
    %dma_wait3A_423 = tpu.memref_slice %arg3[%dma_wait3A_410, %dma_wait3A_422] : memref<2x320000xi32, #tpu.memory_space<hbm>> -> memref<1x128xi32, #tpu.memory_space<hbm>>
    %dma_wait3A_424 = tpu.memref_squeeze %dma_wait3A_423 : memref<1x128xi32, #tpu.memory_space<hbm>> -> memref<128xi32, #tpu.memory_space<hbm>>
    tpu.wait_dma2 semaphore(%arg9 : memref<!tpu.dma_semaphore, #tpu.memory_space<semaphore_mem>>) src(%dma_wait3A_424 : memref<128xi32, #tpu.memory_space<hbm>>) dst(%dma_wait3A_421 : memref<128xi32, #tpu.memory_space<vmem>>)
    %dma_wait3A_425 = arith.constant 0 : i32
    %dma_wait3A_426 = arith.constant 0 : i32
    %dma_wait3A_427 = arith.constant 0 : i32
    %dma_wait3A_428 = arith.constant 0 : i32
    %dma_wait3A_429 = tpu.memref_slice %arg5[%dma_wait3A_426, %dma_wait3A_427, %dma_wait3A_428] : memref<2x6x128xi32, #tpu.memory_space<vmem>> -> memref<1x1x128xi32, #tpu.memory_space<vmem>>
    %dma_wait3A_430 = tpu.memref_squeeze %dma_wait3A_429 : memref<1x1x128xi32, #tpu.memory_space<vmem>> -> memref<128xi32, #tpu.memory_space<vmem>>
    %dma_wait3A_431 = arith.constant 0 : i32
    %dma_wait3A_432 = tpu.memref_slice %arg3[%dma_wait3A_425, %dma_wait3A_431] : memref<2x320000xi32, #tpu.memory_space<hbm>> -> memref<1x128xi32, #tpu.memory_space<hbm>>
    %dma_wait3A_433 = tpu.memref_squeeze %dma_wait3A_432 : memref<1x128xi32, #tpu.memory_space<hbm>> -> memref<128xi32, #tpu.memory_space<hbm>>
    %dma_wait3A_434 = arith.constant 0 : i32
    %dma_wait3A_435 = tpu.memref_slice %arg5[%dma_wait3A_426, %dma_wait3A_427, %dma_wait3A_434] : memref<2x6x128xi32, #tpu.memory_space<vmem>> -> memref<1x1x128xi32, #tpu.memory_space<vmem>>
    %dma_wait3A_436 = tpu.memref_squeeze %dma_wait3A_435 : memref<1x1x128xi32, #tpu.memory_space<vmem>> -> memref<128xi32, #tpu.memory_space<vmem>>
    %dma_wait3A_437 = arith.constant 0 : i32
    %dma_wait3A_438 = tpu.memref_slice %arg3[%dma_wait3A_425, %dma_wait3A_437] : memref<2x320000xi32, #tpu.memory_space<hbm>> -> memref<1x128xi32, #tpu.memory_space<hbm>>
    %dma_wait3A_439 = tpu.memref_squeeze %dma_wait3A_438 : memref<1x128xi32, #tpu.memory_space<hbm>> -> memref<128xi32, #tpu.memory_space<hbm>>
    tpu.wait_dma2 semaphore(%arg9 : memref<!tpu.dma_semaphore, #tpu.memory_space<semaphore_mem>>) src(%dma_wait3A_439 : memref<128xi32, #tpu.memory_space<hbm>>) dst(%dma_wait3A_436 : memref<128xi32, #tpu.memory_space<vmem>>)
    %dma_wait3A_440 = arith.constant 0 : i32
    %dma_wait3A_441 = arith.constant 0 : i32
    %dma_wait3A_442 = arith.constant 0 : i32
    %dma_wait3A_443 = arith.constant 0 : i32
    %dma_wait3A_444 = tpu.memref_slice %arg5[%dma_wait3A_441, %dma_wait3A_442, %dma_wait3A_443] : memref<2x6x128xi32, #tpu.memory_space<vmem>> -> memref<1x1x128xi32, #tpu.memory_space<vmem>>
    %dma_wait3A_445 = tpu.memref_squeeze %dma_wait3A_444 : memref<1x1x128xi32, #tpu.memory_space<vmem>> -> memref<128xi32, #tpu.memory_space<vmem>>
    %dma_wait3A_446 = arith.constant 0 : i32
    %dma_wait3A_447 = tpu.memref_slice %arg3[%dma_wait3A_440, %dma_wait3A_446] : memref<2x320000xi32, #tpu.memory_space<hbm>> -> memref<1x128xi32, #tpu.memory_space<hbm>>
    %dma_wait3A_448 = tpu.memref_squeeze %dma_wait3A_447 : memref<1x128xi32, #tpu.memory_space<hbm>> -> memref<128xi32, #tpu.memory_space<hbm>>
    %dma_wait3A_449 = arith.constant 0 : i32
    %dma_wait3A_450 = tpu.memref_slice %arg5[%dma_wait3A_441, %dma_wait3A_442, %dma_wait3A_449] : memref<2x6x128xi32, #tpu.memory_space<vmem>> -> memref<1x1x128xi32, #tpu.memory_space<vmem>>
    %dma_wait3A_451 = tpu.memref_squeeze %dma_wait3A_450 : memref<1x1x128xi32, #tpu.memory_space<vmem>> -> memref<128xi32, #tpu.memory_space<vmem>>
    %dma_wait3A_452 = arith.constant 0 : i32
    %dma_wait3A_453 = tpu.memref_slice %arg3[%dma_wait3A_440, %dma_wait3A_452] : memref<2x320000xi32, #tpu.memory_space<hbm>> -> memref<1x128xi32, #tpu.memory_space<hbm>>
    %dma_wait3A_454 = tpu.memref_squeeze %dma_wait3A_453 : memref<1x128xi32, #tpu.memory_space<hbm>> -> memref<128xi32, #tpu.memory_space<hbm>>
    tpu.wait_dma2 semaphore(%arg9 : memref<!tpu.dma_semaphore, #tpu.memory_space<semaphore_mem>>) src(%dma_wait3A_454 : memref<128xi32, #tpu.memory_space<hbm>>) dst(%dma_wait3A_451 : memref<128xi32, #tpu.memory_space<vmem>>)
    %barrier3A = arith.constant 0 : index
    tpu.barrier barrier_id(%barrier3A)
    %dma_start3A_455 = arith.constant 0 : i32
    %dma_start3A_456 = arith.constant 0 : i32
    %dma_start3A_457 = arith.constant 0 : i32
    %dma_start3A_458 = arith.constant 0 : i32
    %dma_start3A_459 = arith.constant 0 : i32
    %dma_start3A_460 = tpu.memref_slice %arg7[%dma_start3A_457, %dma_start3A_458, %dma_start3A_459] : memref<2x128x128xf32, #tpu.memory_space<vmem>> -> memref<1x128x128xf32, #tpu.memory_space<vmem>>
    %dma_start3A_461 = tpu.memref_squeeze %dma_start3A_460 : memref<1x128x128xf32, #tpu.memory_space<vmem>> -> memref<128x128xf32, #tpu.memory_space<vmem>>
    %dma_start3A_462 = arith.constant 0 : i32
    %dma_start3A_463 = tpu.memref_slice %arg5[%dma_start3A_455, %dma_start3A_456, %dma_start3A_462] : memref<2x6x128xi32, #tpu.memory_space<vmem>> -> memref<1x1x128xi32, #tpu.memory_space<vmem>>
    %dma_start3A_464 = tpu.memref_squeeze %dma_start3A_463 : memref<1x1x128xi32, #tpu.memory_space<vmem>> -> memref<128xi32, #tpu.memory_space<vmem>>
    %dma_start3A_465 = arith.constant 0 : i32
    %dma_start3A_466 = arith.constant 0 : i32
    %dma_start3A_467 = tpu.memref_slice %arg2[%dma_start3A_465, %dma_start3A_466] : memref<10000x128xf32, #tpu.memory_space<hbm>> -> memref<10000x128xf32, #tpu.memory_space<hbm>>
    tpu.enqueue_indirect_dma source(%dma_start3A_467 : memref<10000x128xf32, #tpu.memory_space<hbm>>) target(%dma_start3A_461 : memref<128x128xf32, #tpu.memory_space<vmem>>) offsets(%dma_start3A_464 : memref<128xi32, #tpu.memory_space<vmem>>) semaphore(%arg10 : memref<!tpu.dma_semaphore, #tpu.memory_space<semaphore_mem>>)
    %scan3A_468 = arith.constant 0 : i32
    %scan3A_469 = arith.constant 0 : i32
    %scan3A_470 = arith.constant 13 : i32
    %scan3A_471 = arith.addi %scan3A_469, %scan3A_470 : i32
    %scan3A_472 = arith.constant 1 : i32
    %scan3A_473 = scf.for %scan3A_495 = %scan3A_469 to %scan3A_471 step %scan3A_472 iter_args(%scan3A_496 = %scan3A_468) -> (i32)  : i32 {
      %rem3A = arith.constant 2 : i32
      %rem3A_497 = arith.remsi %scan3A_495, %rem3A : i32
      %add3A_498 = arith.constant 1 : i32
      %add3A_499 = arith.addi %scan3A_495, %add3A_498 : i32
      %rem3A_500 = arith.constant 2 : i32
      %rem3A_501 = arith.remsi %add3A_499, %rem3A_500 : i32
      %add3A_502 = arith.constant 1 : i32
      %add3A_503 = arith.addi %scan3A_495, %add3A_502 : i32
      %lt3A_504 = arith.constant 13 : i32
      %lt3A_505 = arith.cmpi slt, %add3A_503, %lt3A_504 : i32
      %convert_element_type3A_506 = arith.extui %lt3A_505 : i1 to i32
      %cond3A_507 = arith.constant 0 : i32
      %cond3A_508 = arith.cmpi ne, %convert_element_type3A_506, %cond3A_507 : i32
      scf.if %cond3A_508 {
        %add3A_790 = arith.constant 1 : i32
        %add3A_791 = arith.addi %scan3A_495, %add3A_790 : i32
        %mul3A_792 = arith.constant 78 : i32
        %mul3A_793 = arith.muli %add3A, %mul3A_792 : i32
        %mul3A_794 = arith.constant 6 : i32
        %mul3A_795 = arith.muli %add3A_791, %mul3A_794 : i32
        %add3A_796 = arith.addi %mul3A_793, %mul3A_795 : i32
        %add3A_797 = arith.constant 0 : i32
        %add3A_798 = arith.addi %add3A_796, %add3A_797 : i32
        %mul3A_799 = arith.constant 128 : i32
        %mul3A_800 = arith.muli %add3A_798, %mul3A_799 : i32
        %multiple_of3A_801 = tpu.assume_multiple %mul3A_800, 128 : i32
        %dma_start3A_802 = arith.constant 0 : i32
        %dma_start3A_803 = arith.constant 0 : i32
        %dma_start3A_804 = arith.constant 0 : i32
        %dma_start3A_805 = tpu.memref_slice %arg5[%rem3A_501, %dma_start3A_803, %dma_start3A_804] : memref<2x6x128xi32, #tpu.memory_space<vmem>> -> memref<1x1x128xi32, #tpu.memory_space<vmem>>
        %dma_start3A_806 = tpu.memref_squeeze %dma_start3A_805 : memref<1x1x128xi32, #tpu.memory_space<vmem>> -> memref<128xi32, #tpu.memory_space<vmem>>
        %dma_start3A_807 = tpu.memref_slice %arg3[%dma_start3A_802, %multiple_of3A_801] : memref<2x320000xi32, #tpu.memory_space<hbm>> -> memref<1x128xi32, #tpu.memory_space<hbm>>
        %dma_start3A_808 = tpu.memref_squeeze %dma_start3A_807 : memref<1x128xi32, #tpu.memory_space<hbm>> -> memref<128xi32, #tpu.memory_space<hbm>>
        %dma_start3A_809 = arith.constant 0 : i32
        %dma_start3A_810 = tpu.memref_slice %arg5[%rem3A_501, %dma_start3A_803, %dma_start3A_809] : memref<2x6x128xi32, #tpu.memory_space<vmem>> -> memref<1x1x128xi32, #tpu.memory_space<vmem>>
        %dma_start3A_811 = tpu.memref_squeeze %dma_start3A_810 : memref<1x1x128xi32, #tpu.memory_space<vmem>> -> memref<128xi32, #tpu.memory_space<vmem>>
        %dma_start3A_812 = tpu.memref_slice %arg3[%dma_start3A_802, %multiple_of3A_801] : memref<2x320000xi32, #tpu.memory_space<hbm>> -> memref<1x128xi32, #tpu.memory_space<hbm>>
        %dma_start3A_813 = tpu.memref_squeeze %dma_start3A_812 : memref<1x128xi32, #tpu.memory_space<hbm>> -> memref<128xi32, #tpu.memory_space<hbm>>
        tpu.enqueue_dma source(%dma_start3A_813 : memref<128xi32, #tpu.memory_space<hbm>>) target(%dma_start3A_811 : memref<128xi32, #tpu.memory_space<vmem>>) target_semaphore(%arg9 : memref<!tpu.dma_semaphore, #tpu.memory_space<semaphore_mem>>)
        %mul3A_814 = arith.constant 78 : i32
        %mul3A_815 = arith.muli %add3A, %mul3A_814 : i32
        %mul3A_816 = arith.constant 6 : i32
        %mul3A_817 = arith.muli %add3A_791, %mul3A_816 : i32
        %add3A_818 = arith.addi %mul3A_815, %mul3A_817 : i32
        %add3A_819 = arith.constant 0 : i32
        %add3A_820 = arith.addi %add3A_818, %add3A_819 : i32
        %mul3A_821 = arith.constant 128 : i32
        %mul3A_822 = arith.muli %add3A_820, %mul3A_821 : i32
        %multiple_of3A_823 = tpu.assume_multiple %mul3A_822, 128 : i32
        %dma_start3A_824 = arith.constant 1 : i32
        %dma_start3A_825 = arith.constant 0 : i32
        %dma_start3A_826 = arith.constant 0 : i32
        %dma_start3A_827 = tpu.memref_slice %arg6[%rem3A_501, %dma_start3A_825, %dma_start3A_826] : memref<2x6x128xi32, #tpu.memory_space<vmem>> -> memref<1x1x128xi32, #tpu.memory_space<vmem>>
        %dma_start3A_828 = tpu.memref_squeeze %dma_start3A_827 : memref<1x1x128xi32, #tpu.memory_space<vmem>> -> memref<128xi32, #tpu.memory_space<vmem>>
        %dma_start3A_829 = tpu.memref_slice %arg3[%dma_start3A_824, %multiple_of3A_823] : memref<2x320000xi32, #tpu.memory_space<hbm>> -> memref<1x128xi32, #tpu.memory_space<hbm>>
        %dma_start3A_830 = tpu.memref_squeeze %dma_start3A_829 : memref<1x128xi32, #tpu.memory_space<hbm>> -> memref<128xi32, #tpu.memory_space<hbm>>
        %dma_start3A_831 = arith.constant 0 : i32
        %dma_start3A_832 = tpu.memref_slice %arg6[%rem3A_501, %dma_start3A_825, %dma_start3A_831] : memref<2x6x128xi32, #tpu.memory_space<vmem>> -> memref<1x1x128xi32, #tpu.memory_space<vmem>>
        %dma_start3A_833 = tpu.memref_squeeze %dma_start3A_832 : memref<1x1x128xi32, #tpu.memory_space<vmem>> -> memref<128xi32, #tpu.memory_space<vmem>>
        %dma_start3A_834 = tpu.memref_slice %arg3[%dma_start3A_824, %multiple_of3A_823] : memref<2x320000xi32, #tpu.memory_space<hbm>> -> memref<1x128xi32, #tpu.memory_space<hbm>>
        %dma_start3A_835 = tpu.memref_squeeze %dma_start3A_834 : memref<1x128xi32, #tpu.memory_space<hbm>> -> memref<128xi32, #tpu.memory_space<hbm>>
        tpu.enqueue_dma source(%dma_start3A_835 : memref<128xi32, #tpu.memory_space<hbm>>) target(%dma_start3A_833 : memref<128xi32, #tpu.memory_space<vmem>>) target_semaphore(%arg9 : memref<!tpu.dma_semaphore, #tpu.memory_space<semaphore_mem>>)
        %mul3A_836 = arith.constant 78 : i32
        %mul3A_837 = arith.muli %add3A, %mul3A_836 : i32
        %mul3A_838 = arith.constant 6 : i32
        %mul3A_839 = arith.muli %add3A_791, %mul3A_838 : i32
        %add3A_840 = arith.addi %mul3A_837, %mul3A_839 : i32
        %add3A_841 = arith.constant 1 : i32
        %add3A_842 = arith.addi %add3A_840, %add3A_841 : i32
        %mul3A_843 = arith.constant 128 : i32
        %mul3A_844 = arith.muli %add3A_842, %mul3A_843 : i32
        %multiple_of3A_845 = tpu.assume_multiple %mul3A_844, 128 : i32
        %dma_start3A_846 = arith.constant 0 : i32
        %dma_start3A_847 = arith.constant 1 : i32
        %dma_start3A_848 = arith.constant 0 : i32
        %dma_start3A_849 = tpu.memref_slice %arg5[%rem3A_501, %dma_start3A_847, %dma_start3A_848] : memref<2x6x128xi32, #tpu.memory_space<vmem>> -> memref<1x1x128xi32, #tpu.memory_space<vmem>>
        %dma_start3A_850 = tpu.memref_squeeze %dma_start3A_849 : memref<1x1x128xi32, #tpu.memory_space<vmem>> -> memref<128xi32, #tpu.memory_space<vmem>>
        %dma_start3A_851 = tpu.memref_slice %arg3[%dma_start3A_846, %multiple_of3A_845] : memref<2x320000xi32, #tpu.memory_space<hbm>> -> memref<1x128xi32, #tpu.memory_space<hbm>>
        %dma_start3A_852 = tpu.memref_squeeze %dma_start3A_851 : memref<1x128xi32, #tpu.memory_space<hbm>> -> memref<128xi32, #tpu.memory_space<hbm>>
        %dma_start3A_853 = arith.constant 0 : i32
        %dma_start3A_854 = tpu.memref_slice %arg5[%rem3A_501, %dma_start3A_847, %dma_start3A_853] : memref<2x6x128xi32, #tpu.memory_space<vmem>> -> memref<1x1x128xi32, #tpu.memory_space<vmem>>
        %dma_start3A_855 = tpu.memref_squeeze %dma_start3A_854 : memref<1x1x128xi32, #tpu.memory_space<vmem>> -> memref<128xi32, #tpu.memory_space<vmem>>
        %dma_start3A_856 = tpu.memref_slice %arg3[%dma_start3A_846, %multiple_of3A_845] : memref<2x320000xi32, #tpu.memory_space<hbm>> -> memref<1x128xi32, #tpu.memory_space<hbm>>
        %dma_start3A_857 = tpu.memref_squeeze %dma_start3A_856 : memref<1x128xi32, #tpu.memory_space<hbm>> -> memref<128xi32, #tpu.memory_space<hbm>>
        tpu.enqueue_dma source(%dma_start3A_857 : memref<128xi32, #tpu.memory_space<hbm>>) target(%dma_start3A_855 : memref<128xi32, #tpu.memory_space<vmem>>) target_semaphore(%arg9 : memref<!tpu.dma_semaphore, #tpu.memory_space<semaphore_mem>>)
        %mul3A_858 = arith.constant 78 : i32
        %mul3A_859 = arith.muli %add3A, %mul3A_858 : i32
        %mul3A_860 = arith.constant 6 : i32
        %mul3A_861 = arith.muli %add3A_791, %mul3A_860 : i32
        %add3A_862 = arith.addi %mul3A_859, %mul3A_861 : i32
        %add3A_863 = arith.constant 1 : i32
        %add3A_864 = arith.addi %add3A_862, %add3A_863 : i32
        %mul3A_865 = arith.constant 128 : i32
        %mul3A_866 = arith.muli %add3A_864, %mul3A_865 : i32
        %multiple_of3A_867 = tpu.assume_multiple %mul3A_866, 128 : i32
        %dma_start3A_868 = arith.constant 1 : i32
        %dma_start3A_869 = arith.constant 1 : i32
        %dma_start3A_870 = arith.constant 0 : i32
        %dma_start3A_871 = tpu.memref_slice %arg6[%rem3A_501, %dma_start3A_869, %dma_start3A_870] : memref<2x6x128xi32, #tpu.memory_space<vmem>> -> memref<1x1x128xi32, #tpu.memory_space<vmem>>
        %dma_start3A_872 = tpu.memref_squeeze %dma_start3A_871 : memref<1x1x128xi32, #tpu.memory_space<vmem>> -> memref<128xi32, #tpu.memory_space<vmem>>
        %dma_start3A_873 = tpu.memref_slice %arg3[%dma_start3A_868, %multiple_of3A_867] : memref<2x320000xi32, #tpu.memory_space<hbm>> -> memref<1x128xi32, #tpu.memory_space<hbm>>
        %dma_start3A_874 = tpu.memref_squeeze %dma_start3A_873 : memref<1x128xi32, #tpu.memory_space<hbm>> -> memref<128xi32, #tpu.memory_space<hbm>>
        %dma_start3A_875 = arith.constant 0 : i32
        %dma_start3A_876 = tpu.memref_slice %arg6[%rem3A_501, %dma_start3A_869, %dma_start3A_875] : memref<2x6x128xi32, #tpu.memory_space<vmem>> -> memref<1x1x128xi32, #tpu.memory_space<vmem>>
        %dma_start3A_877 = tpu.memref_squeeze %dma_start3A_876 : memref<1x1x128xi32, #tpu.memory_space<vmem>> -> memref<128xi32, #tpu.memory_space<vmem>>
        %dma_start3A_878 = tpu.memref_slice %arg3[%dma_start3A_868, %multiple_of3A_867] : memref<2x320000xi32, #tpu.memory_space<hbm>> -> memref<1x128xi32, #tpu.memory_space<hbm>>
        %dma_start3A_879 = tpu.memref_squeeze %dma_start3A_878 : memref<1x128xi32, #tpu.memory_space<hbm>> -> memref<128xi32, #tpu.memory_space<hbm>>
        tpu.enqueue_dma source(%dma_start3A_879 : memref<128xi32, #tpu.memory_space<hbm>>) target(%dma_start3A_877 : memref<128xi32, #tpu.memory_space<vmem>>) target_semaphore(%arg9 : memref<!tpu.dma_semaphore, #tpu.memory_space<semaphore_mem>>)
        %mul3A_880 = arith.constant 78 : i32
        %mul3A_881 = arith.muli %add3A, %mul3A_880 : i32
        %mul3A_882 = arith.constant 6 : i32
        %mul3A_883 = arith.muli %add3A_791, %mul3A_882 : i32
        %add3A_884 = arith.addi %mul3A_881, %mul3A_883 : i32
        %add3A_885 = arith.constant 2 : i32
        %add3A_886 = arith.addi %add3A_884, %add3A_885 : i32
        %mul3A_887 = arith.constant 128 : i32
        %mul3A_888 = arith.muli %add3A_886, %mul3A_887 : i32
        %multiple_of3A_889 = tpu.assume_multiple %mul3A_888, 128 : i32
        %dma_start3A_890 = arith.constant 0 : i32
        %dma_start3A_891 = arith.constant 2 : i32
        %dma_start3A_892 = arith.constant 0 : i32
        %dma_start3A_893 = tpu.memref_slice %arg5[%rem3A_501, %dma_start3A_891, %dma_start3A_892] : memref<2x6x128xi32, #tpu.memory_space<vmem>> -> memref<1x1x128xi32, #tpu.memory_space<vmem>>
        %dma_start3A_894 = tpu.memref_squeeze %dma_start3A_893 : memref<1x1x128xi32, #tpu.memory_space<vmem>> -> memref<128xi32, #tpu.memory_space<vmem>>
        %dma_start3A_895 = tpu.memref_slice %arg3[%dma_start3A_890, %multiple_of3A_889] : memref<2x320000xi32, #tpu.memory_space<hbm>> -> memref<1x128xi32, #tpu.memory_space<hbm>>
        %dma_start3A_896 = tpu.memref_squeeze %dma_start3A_895 : memref<1x128xi32, #tpu.memory_space<hbm>> -> memref<128xi32, #tpu.memory_space<hbm>>
        %dma_start3A_897 = arith.constant 0 : i32
        %dma_start3A_898 = tpu.memref_slice %arg5[%rem3A_501, %dma_start3A_891, %dma_start3A_897] : memref<2x6x128xi32, #tpu.memory_space<vmem>> -> memref<1x1x128xi32, #tpu.memory_space<vmem>>
        %dma_start3A_899 = tpu.memref_squeeze %dma_start3A_898 : memref<1x1x128xi32, #tpu.memory_space<vmem>> -> memref<128xi32, #tpu.memory_space<vmem>>
        %dma_start3A_900 = tpu.memref_slice %arg3[%dma_start3A_890, %multiple_of3A_889] : memref<2x320000xi32, #tpu.memory_space<hbm>> -> memref<1x128xi32, #tpu.memory_space<hbm>>
        %dma_start3A_901 = tpu.memref_squeeze %dma_start3A_900 : memref<1x128xi32, #tpu.memory_space<hbm>> -> memref<128xi32, #tpu.memory_space<hbm>>
        tpu.enqueue_dma source(%dma_start3A_901 : memref<128xi32, #tpu.memory_space<hbm>>) target(%dma_start3A_899 : memref<128xi32, #tpu.memory_space<vmem>>) target_semaphore(%arg9 : memref<!tpu.dma_semaphore, #tpu.memory_space<semaphore_mem>>)
        %mul3A_902 = arith.constant 78 : i32
        %mul3A_903 = arith.muli %add3A, %mul3A_902 : i32
        %mul3A_904 = arith.constant 6 : i32
        %mul3A_905 = arith.muli %add3A_791, %mul3A_904 : i32
        %add3A_906 = arith.addi %mul3A_903, %mul3A_905 : i32
        %add3A_907 = arith.constant 2 : i32
        %add3A_908 = arith.addi %add3A_906, %add3A_907 : i32
        %mul3A_909 = arith.constant 128 : i32
        %mul3A_910 = arith.muli %add3A_908, %mul3A_909 : i32
        %multiple_of3A_911 = tpu.assume_multiple %mul3A_910, 128 : i32
        %dma_start3A_912 = arith.constant 1 : i32
        %dma_start3A_913 = arith.constant 2 : i32
        %dma_start3A_914 = arith.constant 0 : i32
        %dma_start3A_915 = tpu.memref_slice %arg6[%rem3A_501, %dma_start3A_913, %dma_start3A_914] : memref<2x6x128xi32, #tpu.memory_space<vmem>> -> memref<1x1x128xi32, #tpu.memory_space<vmem>>
        %dma_start3A_916 = tpu.memref_squeeze %dma_start3A_915 : memref<1x1x128xi32, #tpu.memory_space<vmem>> -> memref<128xi32, #tpu.memory_space<vmem>>
        %dma_start3A_917 = tpu.memref_slice %arg3[%dma_start3A_912, %multiple_of3A_911] : memref<2x320000xi32, #tpu.memory_space<hbm>> -> memref<1x128xi32, #tpu.memory_space<hbm>>
        %dma_start3A_918 = tpu.memref_squeeze %dma_start3A_917 : memref<1x128xi32, #tpu.memory_space<hbm>> -> memref<128xi32, #tpu.memory_space<hbm>>
        %dma_start3A_919 = arith.constant 0 : i32
        %dma_start3A_920 = tpu.memref_slice %arg6[%rem3A_501, %dma_start3A_913, %dma_start3A_919] : memref<2x6x128xi32, #tpu.memory_space<vmem>> -> memref<1x1x128xi32, #tpu.memory_space<vmem>>
        %dma_start3A_921 = tpu.memref_squeeze %dma_start3A_920 : memref<1x1x128xi32, #tpu.memory_space<vmem>> -> memref<128xi32, #tpu.memory_space<vmem>>
        %dma_start3A_922 = tpu.memref_slice %arg3[%dma_start3A_912, %multiple_of3A_911] : memref<2x320000xi32, #tpu.memory_space<hbm>> -> memref<1x128xi32, #tpu.memory_space<hbm>>
        %dma_start3A_923 = tpu.memref_squeeze %dma_start3A_922 : memref<1x128xi32, #tpu.memory_space<hbm>> -> memref<128xi32, #tpu.memory_space<hbm>>
        tpu.enqueue_dma source(%dma_start3A_923 : memref<128xi32, #tpu.memory_space<hbm>>) target(%dma_start3A_921 : memref<128xi32, #tpu.memory_space<vmem>>) target_semaphore(%arg9 : memref<!tpu.dma_semaphore, #tpu.memory_space<semaphore_mem>>)
        %mul3A_924 = arith.constant 78 : i32
        %mul3A_925 = arith.muli %add3A, %mul3A_924 : i32
        %mul3A_926 = arith.constant 6 : i32
        %mul3A_927 = arith.muli %add3A_791, %mul3A_926 : i32
        %add3A_928 = arith.addi %mul3A_925, %mul3A_927 : i32
        %add3A_929 = arith.constant 3 : i32
        %add3A_930 = arith.addi %add3A_928, %add3A_929 : i32
        %mul3A_931 = arith.constant 128 : i32
        %mul3A_932 = arith.muli %add3A_930, %mul3A_931 : i32
        %multiple_of3A_933 = tpu.assume_multiple %mul3A_932, 128 : i32
        %dma_start3A_934 = arith.constant 0 : i32
        %dma_start3A_935 = arith.constant 3 : i32
        %dma_start3A_936 = arith.constant 0 : i32
        %dma_start3A_937 = tpu.memref_slice %arg5[%rem3A_501, %dma_start3A_935, %dma_start3A_936] : memref<2x6x128xi32, #tpu.memory_space<vmem>> -> memref<1x1x128xi32, #tpu.memory_space<vmem>>
        %dma_start3A_938 = tpu.memref_squeeze %dma_start3A_937 : memref<1x1x128xi32, #tpu.memory_space<vmem>> -> memref<128xi32, #tpu.memory_space<vmem>>
        %dma_start3A_939 = tpu.memref_slice %arg3[%dma_start3A_934, %multiple_of3A_933] : memref<2x320000xi32, #tpu.memory_space<hbm>> -> memref<1x128xi32, #tpu.memory_space<hbm>>
        %dma_start3A_940 = tpu.memref_squeeze %dma_start3A_939 : memref<1x128xi32, #tpu.memory_space<hbm>> -> memref<128xi32, #tpu.memory_space<hbm>>
        %dma_start3A_941 = arith.constant 0 : i32
        %dma_start3A_942 = tpu.memref_slice %arg5[%rem3A_501, %dma_start3A_935, %dma_start3A_941] : memref<2x6x128xi32, #tpu.memory_space<vmem>> -> memref<1x1x128xi32, #tpu.memory_space<vmem>>
        %dma_start3A_943 = tpu.memref_squeeze %dma_start3A_942 : memref<1x1x128xi32, #tpu.memory_space<vmem>> -> memref<128xi32, #tpu.memory_space<vmem>>
        %dma_start3A_944 = tpu.memref_slice %arg3[%dma_start3A_934, %multiple_of3A_933] : memref<2x320000xi32, #tpu.memory_space<hbm>> -> memref<1x128xi32, #tpu.memory_space<hbm>>
        %dma_start3A_945 = tpu.memref_squeeze %dma_start3A_944 : memref<1x128xi32, #tpu.memory_space<hbm>> -> memref<128xi32, #tpu.memory_space<hbm>>
        tpu.enqueue_dma source(%dma_start3A_945 : memref<128xi32, #tpu.memory_space<hbm>>) target(%dma_start3A_943 : memref<128xi32, #tpu.memory_space<vmem>>) target_semaphore(%arg9 : memref<!tpu.dma_semaphore, #tpu.memory_space<semaphore_mem>>)
        %mul3A_946 = arith.constant 78 : i32
        %mul3A_947 = arith.muli %add3A, %mul3A_946 : i32
        %mul3A_948 = arith.constant 6 : i32
        %mul3A_949 = arith.muli %add3A_791, %mul3A_948 : i32
        %add3A_950 = arith.addi %mul3A_947, %mul3A_949 : i32
        %add3A_951 = arith.constant 3 : i32
        %add3A_952 = arith.addi %add3A_950, %add3A_951 : i32
        %mul3A_953 = arith.constant 128 : i32
        %mul3A_954 = arith.muli %add3A_952, %mul3A_953 : i32
        %multiple_of3A_955 = tpu.assume_multiple %mul3A_954, 128 : i32
        %dma_start3A_956 = arith.constant 1 : i32
        %dma_start3A_957 = arith.constant 3 : i32
        %dma_start3A_958 = arith.constant 0 : i32
        %dma_start3A_959 = tpu.memref_slice %arg6[%rem3A_501, %dma_start3A_957, %dma_start3A_958] : memref<2x6x128xi32, #tpu.memory_space<vmem>> -> memref<1x1x128xi32, #tpu.memory_space<vmem>>
        %dma_start3A_960 = tpu.memref_squeeze %dma_start3A_959 : memref<1x1x128xi32, #tpu.memory_space<vmem>> -> memref<128xi32, #tpu.memory_space<vmem>>
        %dma_start3A_961 = tpu.memref_slice %arg3[%dma_start3A_956, %multiple_of3A_955] : memref<2x320000xi32, #tpu.memory_space<hbm>> -> memref<1x128xi32, #tpu.memory_space<hbm>>
        %dma_start3A_962 = tpu.memref_squeeze %dma_start3A_961 : memref<1x128xi32, #tpu.memory_space<hbm>> -> memref<128xi32, #tpu.memory_space<hbm>>
        %dma_start3A_963 = arith.constant 0 : i32
        %dma_start3A_964 = tpu.memref_slice %arg6[%rem3A_501, %dma_start3A_957, %dma_start3A_963] : memref<2x6x128xi32, #tpu.memory_space<vmem>> -> memref<1x1x128xi32, #tpu.memory_space<vmem>>
        %dma_start3A_965 = tpu.memref_squeeze %dma_start3A_964 : memref<1x1x128xi32, #tpu.memory_space<vmem>> -> memref<128xi32, #tpu.memory_space<vmem>>
        %dma_start3A_966 = tpu.memref_slice %arg3[%dma_start3A_956, %multiple_of3A_955] : memref<2x320000xi32, #tpu.memory_space<hbm>> -> memref<1x128xi32, #tpu.memory_space<hbm>>
        %dma_start3A_967 = tpu.memref_squeeze %dma_start3A_966 : memref<1x128xi32, #tpu.memory_space<hbm>> -> memref<128xi32, #tpu.memory_space<hbm>>
        tpu.enqueue_dma source(%dma_start3A_967 : memref<128xi32, #tpu.memory_space<hbm>>) target(%dma_start3A_965 : memref<128xi32, #tpu.memory_space<vmem>>) target_semaphore(%arg9 : memref<!tpu.dma_semaphore, #tpu.memory_space<semaphore_mem>>)
        %mul3A_968 = arith.constant 78 : i32
        %mul3A_969 = arith.muli %add3A, %mul3A_968 : i32
        %mul3A_970 = arith.constant 6 : i32
        %mul3A_971 = arith.muli %add3A_791, %mul3A_970 : i32
        %add3A_972 = arith.addi %mul3A_969, %mul3A_971 : i32
        %add3A_973 = arith.constant 4 : i32
        %add3A_974 = arith.addi %add3A_972, %add3A_973 : i32
        %mul3A_975 = arith.constant 128 : i32
        %mul3A_976 = arith.muli %add3A_974, %mul3A_975 : i32
        %multiple_of3A_977 = tpu.assume_multiple %mul3A_976, 128 : i32
        %dma_start3A_978 = arith.constant 0 : i32
        %dma_start3A_979 = arith.constant 4 : i32
        %dma_start3A_980 = arith.constant 0 : i32
        %dma_start3A_981 = tpu.memref_slice %arg5[%rem3A_501, %dma_start3A_979, %dma_start3A_980] : memref<2x6x128xi32, #tpu.memory_space<vmem>> -> memref<1x1x128xi32, #tpu.memory_space<vmem>>
        %dma_start3A_982 = tpu.memref_squeeze %dma_start3A_981 : memref<1x1x128xi32, #tpu.memory_space<vmem>> -> memref<128xi32, #tpu.memory_space<vmem>>
        %dma_start3A_983 = tpu.memref_slice %arg3[%dma_start3A_978, %multiple_of3A_977] : memref<2x320000xi32, #tpu.memory_space<hbm>> -> memref<1x128xi32, #tpu.memory_space<hbm>>
        %dma_start3A_984 = tpu.memref_squeeze %dma_start3A_983 : memref<1x128xi32, #tpu.memory_space<hbm>> -> memref<128xi32, #tpu.memory_space<hbm>>
        %dma_start3A_985 = arith.constant 0 : i32
        %dma_start3A_986 = tpu.memref_slice %arg5[%rem3A_501, %dma_start3A_979, %dma_start3A_985] : memref<2x6x128xi32, #tpu.memory_space<vmem>> -> memref<1x1x128xi32, #tpu.memory_space<vmem>>
        %dma_start3A_987 = tpu.memref_squeeze %dma_start3A_986 : memref<1x1x128xi32, #tpu.memory_space<vmem>> -> memref<128xi32, #tpu.memory_space<vmem>>
        %dma_start3A_988 = tpu.memref_slice %arg3[%dma_start3A_978, %multiple_of3A_977] : memref<2x320000xi32, #tpu.memory_space<hbm>> -> memref<1x128xi32, #tpu.memory_space<hbm>>
        %dma_start3A_989 = tpu.memref_squeeze %dma_start3A_988 : memref<1x128xi32, #tpu.memory_space<hbm>> -> memref<128xi32, #tpu.memory_space<hbm>>
        tpu.enqueue_dma source(%dma_start3A_989 : memref<128xi32, #tpu.memory_space<hbm>>) target(%dma_start3A_987 : memref<128xi32, #tpu.memory_space<vmem>>) target_semaphore(%arg9 : memref<!tpu.dma_semaphore, #tpu.memory_space<semaphore_mem>>)
        %mul3A_990 = arith.constant 78 : i32
        %mul3A_991 = arith.muli %add3A, %mul3A_990 : i32
        %mul3A_992 = arith.constant 6 : i32
        %mul3A_993 = arith.muli %add3A_791, %mul3A_992 : i32
        %add3A_994 = arith.addi %mul3A_991, %mul3A_993 : i32
        %add3A_995 = arith.constant 4 : i32
        %add3A_996 = arith.addi %add3A_994, %add3A_995 : i32
        %mul3A_997 = arith.constant 128 : i32
        %mul3A_998 = arith.muli %add3A_996, %mul3A_997 : i32
        %multiple_of3A_999 = tpu.assume_multiple %mul3A_998, 128 : i32
        %dma_start3A_1000 = arith.constant 1 : i32
        %dma_start3A_1001 = arith.constant 4 : i32
        %dma_start3A_1002 = arith.constant 0 : i32
        %dma_start3A_1003 = tpu.memref_slice %arg6[%rem3A_501, %dma_start3A_1001, %dma_start3A_1002] : memref<2x6x128xi32, #tpu.memory_space<vmem>> -> memref<1x1x128xi32, #tpu.memory_space<vmem>>
        %dma_start3A_1004 = tpu.memref_squeeze %dma_start3A_1003 : memref<1x1x128xi32, #tpu.memory_space<vmem>> -> memref<128xi32, #tpu.memory_space<vmem>>
        %dma_start3A_1005 = tpu.memref_slice %arg3[%dma_start3A_1000, %multiple_of3A_999] : memref<2x320000xi32, #tpu.memory_space<hbm>> -> memref<1x128xi32, #tpu.memory_space<hbm>>
        %dma_start3A_1006 = tpu.memref_squeeze %dma_start3A_1005 : memref<1x128xi32, #tpu.memory_space<hbm>> -> memref<128xi32, #tpu.memory_space<hbm>>
        %dma_start3A_1007 = arith.constant 0 : i32
        %dma_start3A_1008 = tpu.memref_slice %arg6[%rem3A_501, %dma_start3A_1001, %dma_start3A_1007] : memref<2x6x128xi32, #tpu.memory_space<vmem>> -> memref<1x1x128xi32, #tpu.memory_space<vmem>>
        %dma_start3A_1009 = tpu.memref_squeeze %dma_start3A_1008 : memref<1x1x128xi32, #tpu.memory_space<vmem>> -> memref<128xi32, #tpu.memory_space<vmem>>
        %dma_start3A_1010 = tpu.memref_slice %arg3[%dma_start3A_1000, %multiple_of3A_999] : memref<2x320000xi32, #tpu.memory_space<hbm>> -> memref<1x128xi32, #tpu.memory_space<hbm>>
        %dma_start3A_1011 = tpu.memref_squeeze %dma_start3A_1010 : memref<1x128xi32, #tpu.memory_space<hbm>> -> memref<128xi32, #tpu.memory_space<hbm>>
        tpu.enqueue_dma source(%dma_start3A_1011 : memref<128xi32, #tpu.memory_space<hbm>>) target(%dma_start3A_1009 : memref<128xi32, #tpu.memory_space<vmem>>) target_semaphore(%arg9 : memref<!tpu.dma_semaphore, #tpu.memory_space<semaphore_mem>>)
        %mul3A_1012 = arith.constant 78 : i32
        %mul3A_1013 = arith.muli %add3A, %mul3A_1012 : i32
        %mul3A_1014 = arith.constant 6 : i32
        %mul3A_1015 = arith.muli %add3A_791, %mul3A_1014 : i32
        %add3A_1016 = arith.addi %mul3A_1013, %mul3A_1015 : i32
        %add3A_1017 = arith.constant 5 : i32
        %add3A_1018 = arith.addi %add3A_1016, %add3A_1017 : i32
        %mul3A_1019 = arith.constant 128 : i32
        %mul3A_1020 = arith.muli %add3A_1018, %mul3A_1019 : i32
        %multiple_of3A_1021 = tpu.assume_multiple %mul3A_1020, 128 : i32
        %dma_start3A_1022 = arith.constant 0 : i32
        %dma_start3A_1023 = arith.constant 5 : i32
        %dma_start3A_1024 = arith.constant 0 : i32
        %dma_start3A_1025 = tpu.memref_slice %arg5[%rem3A_501, %dma_start3A_1023, %dma_start3A_1024] : memref<2x6x128xi32, #tpu.memory_space<vmem>> -> memref<1x1x128xi32, #tpu.memory_space<vmem>>
        %dma_start3A_1026 = tpu.memref_squeeze %dma_start3A_1025 : memref<1x1x128xi32, #tpu.memory_space<vmem>> -> memref<128xi32, #tpu.memory_space<vmem>>
        %dma_start3A_1027 = tpu.memref_slice %arg3[%dma_start3A_1022, %multiple_of3A_1021] : memref<2x320000xi32, #tpu.memory_space<hbm>> -> memref<1x128xi32, #tpu.memory_space<hbm>>
        %dma_start3A_1028 = tpu.memref_squeeze %dma_start3A_1027 : memref<1x128xi32, #tpu.memory_space<hbm>> -> memref<128xi32, #tpu.memory_space<hbm>>
        %dma_start3A_1029 = arith.constant 0 : i32
        %dma_start3A_1030 = tpu.memref_slice %arg5[%rem3A_501, %dma_start3A_1023, %dma_start3A_1029] : memref<2x6x128xi32, #tpu.memory_space<vmem>> -> memref<1x1x128xi32, #tpu.memory_space<vmem>>
        %dma_start3A_1031 = tpu.memref_squeeze %dma_start3A_1030 : memref<1x1x128xi32, #tpu.memory_space<vmem>> -> memref<128xi32, #tpu.memory_space<vmem>>
        %dma_start3A_1032 = tpu.memref_slice %arg3[%dma_start3A_1022, %multiple_of3A_1021] : memref<2x320000xi32, #tpu.memory_space<hbm>> -> memref<1x128xi32, #tpu.memory_space<hbm>>
        %dma_start3A_1033 = tpu.memref_squeeze %dma_start3A_1032 : memref<1x128xi32, #tpu.memory_space<hbm>> -> memref<128xi32, #tpu.memory_space<hbm>>
        tpu.enqueue_dma source(%dma_start3A_1033 : memref<128xi32, #tpu.memory_space<hbm>>) target(%dma_start3A_1031 : memref<128xi32, #tpu.memory_space<vmem>>) target_semaphore(%arg9 : memref<!tpu.dma_semaphore, #tpu.memory_space<semaphore_mem>>)
        %mul3A_1034 = arith.constant 78 : i32
        %mul3A_1035 = arith.muli %add3A, %mul3A_1034 : i32
        %mul3A_1036 = arith.constant 6 : i32
        %mul3A_1037 = arith.muli %add3A_791, %mul3A_1036 : i32
        %add3A_1038 = arith.addi %mul3A_1035, %mul3A_1037 : i32
        %add3A_1039 = arith.constant 5 : i32
        %add3A_1040 = arith.addi %add3A_1038, %add3A_1039 : i32
        %mul3A_1041 = arith.constant 128 : i32
        %mul3A_1042 = arith.muli %add3A_1040, %mul3A_1041 : i32
        %multiple_of3A_1043 = tpu.assume_multiple %mul3A_1042, 128 : i32
        %dma_start3A_1044 = arith.constant 1 : i32
        %dma_start3A_1045 = arith.constant 5 : i32
        %dma_start3A_1046 = arith.constant 0 : i32
        %dma_start3A_1047 = tpu.memref_slice %arg6[%rem3A_501, %dma_start3A_1045, %dma_start3A_1046] : memref<2x6x128xi32, #tpu.memory_space<vmem>> -> memref<1x1x128xi32, #tpu.memory_space<vmem>>
        %dma_start3A_1048 = tpu.memref_squeeze %dma_start3A_1047 : memref<1x1x128xi32, #tpu.memory_space<vmem>> -> memref<128xi32, #tpu.memory_space<vmem>>
        %dma_start3A_1049 = tpu.memref_slice %arg3[%dma_start3A_1044, %multiple_of3A_1043] : memref<2x320000xi32, #tpu.memory_space<hbm>> -> memref<1x128xi32, #tpu.memory_space<hbm>>
        %dma_start3A_1050 = tpu.memref_squeeze %dma_start3A_1049 : memref<1x128xi32, #tpu.memory_space<hbm>> -> memref<128xi32, #tpu.memory_space<hbm>>
        %dma_start3A_1051 = arith.constant 0 : i32
        %dma_start3A_1052 = tpu.memref_slice %arg6[%rem3A_501, %dma_start3A_1045, %dma_start3A_1051] : memref<2x6x128xi32, #tpu.memory_space<vmem>> -> memref<1x1x128xi32, #tpu.memory_space<vmem>>
        %dma_start3A_1053 = tpu.memref_squeeze %dma_start3A_1052 : memref<1x1x128xi32, #tpu.memory_space<vmem>> -> memref<128xi32, #tpu.memory_space<vmem>>
        %dma_start3A_1054 = tpu.memref_slice %arg3[%dma_start3A_1044, %multiple_of3A_1043] : memref<2x320000xi32, #tpu.memory_space<hbm>> -> memref<1x128xi32, #tpu.memory_space<hbm>>
        %dma_start3A_1055 = tpu.memref_squeeze %dma_start3A_1054 : memref<1x128xi32, #tpu.memory_space<hbm>> -> memref<128xi32, #tpu.memory_space<hbm>>
        tpu.enqueue_dma source(%dma_start3A_1055 : memref<128xi32, #tpu.memory_space<hbm>>) target(%dma_start3A_1053 : memref<128xi32, #tpu.memory_space<vmem>>) target_semaphore(%arg9 : memref<!tpu.dma_semaphore, #tpu.memory_space<semaphore_mem>>)
      } else {
      }
      %dma_wait3A_509 = arith.constant 0 : i32
      %dma_wait3A_510 = arith.constant 0 : i32
      %dma_wait3A_511 = arith.constant 0 : i32
      %dma_wait3A_512 = arith.constant 0 : i32
      %dma_wait3A_513 = tpu.memref_slice %arg7[%dma_wait3A_510, %dma_wait3A_511, %dma_wait3A_512] : memref<2x128x128xf32, #tpu.memory_space<vmem>> -> memref<1x128x128xf32, #tpu.memory_space<vmem>>
      %dma_wait3A_514 = tpu.memref_squeeze %dma_wait3A_513 : memref<1x128x128xf32, #tpu.memory_space<vmem>> -> memref<128x128xf32, #tpu.memory_space<vmem>>
      %dma_wait3A_515 = arith.constant 0 : i32
      %dma_wait3A_516 = tpu.memref_slice %arg5[%rem3A_497, %dma_wait3A_509, %dma_wait3A_515] : memref<2x6x128xi32, #tpu.memory_space<vmem>> -> memref<1x1x128xi32, #tpu.memory_space<vmem>>
      %dma_wait3A_517 = tpu.memref_squeeze %dma_wait3A_516 : memref<1x1x128xi32, #tpu.memory_space<vmem>> -> memref<128xi32, #tpu.memory_space<vmem>>
      %dma_wait3A_518 = arith.constant 0 : i32
      %dma_wait3A_519 = arith.constant 0 : i32
      %dma_wait3A_520 = tpu.memref_slice %arg2[%dma_wait3A_518, %dma_wait3A_519] : memref<10000x128xf32, #tpu.memory_space<hbm>> -> memref<10000x128xf32, #tpu.memory_space<hbm>>
      tpu.wait_indirect_dma semaphore(%arg10 : memref<!tpu.dma_semaphore, #tpu.memory_space<semaphore_mem>>) src(%dma_wait3A_520 : memref<10000x128xf32, #tpu.memory_space<hbm>>) dst(%dma_wait3A_514 : memref<128x128xf32, #tpu.memory_space<vmem>>)
      %dma_start3A_521 = arith.constant 0 : i32
      %dma_start3A_522 = arith.constant 0 : i32
      %dma_start3A_523 = arith.constant 0 : i32
      %dma_start3A_524 = arith.constant 0 : i32
      %dma_start3A_525 = tpu.memref_slice %arg7[%dma_start3A_521, %dma_start3A_523, %dma_start3A_524] : memref<2x128x128xf32, #tpu.memory_space<vmem>> -> memref<1x128x128xf32, #tpu.memory_space<vmem>>
      %dma_start3A_526 = tpu.memref_squeeze %dma_start3A_525 : memref<1x128x128xf32, #tpu.memory_space<vmem>> -> memref<128x128xf32, #tpu.memory_space<vmem>>
      %dma_start3A_527 = arith.constant 0 : i32
      %dma_start3A_528 = tpu.memref_slice %arg6[%rem3A_497, %dma_start3A_522, %dma_start3A_527] : memref<2x6x128xi32, #tpu.memory_space<vmem>> -> memref<1x1x128xi32, #tpu.memory_space<vmem>>
      %dma_start3A_529 = tpu.memref_squeeze %dma_start3A_528 : memref<1x1x128xi32, #tpu.memory_space<vmem>> -> memref<128xi32, #tpu.memory_space<vmem>>
      %dma_start3A_530 = arith.constant 0 : i32
      %dma_start3A_531 = arith.constant 0 : i32
      %dma_start3A_532 = tpu.memref_slice %arg8[%dma_start3A_530, %dma_start3A_531] : memref<10240x128xf32, #tpu.memory_space<vmem_shared>> -> memref<10240x128xf32, #tpu.memory_space<vmem_shared>>
      tpu.enqueue_indirect_dma source(%dma_start3A_526 : memref<128x128xf32, #tpu.memory_space<vmem>>) target(%dma_start3A_532 : memref<10240x128xf32, #tpu.memory_space<vmem_shared>>) offsets(%dma_start3A_529 : memref<128xi32, #tpu.memory_space<vmem>>) semaphore(%arg12 : memref<!tpu.dma_semaphore, #tpu.memory_space<semaphore_mem>>) {add = true}
      %gt3A = arith.constant 0 : i32
      %gt3A_533 = arith.cmpi sgt, %scan3A_495, %gt3A : i32
      %convert_element_type3A_534 = arith.extui %gt3A_533 : i1 to i32
      %cond3A_535 = arith.constant 0 : i32
      %cond3A_536 = arith.cmpi ne, %convert_element_type3A_534, %cond3A_535 : i32
      scf.if %cond3A_536 {
        %dma_wait3A_790 = arith.constant 1 : i32
        %dma_wait3A_791 = arith.constant 0 : i32
        %dma_wait3A_792 = arith.constant 0 : i32
        %dma_wait3A_793 = arith.constant 0 : i32
        %dma_wait3A_794 = arith.constant 0 : i32
        %dma_wait3A_795 = tpu.memref_slice %arg7[%dma_wait3A_790, %dma_wait3A_793, %dma_wait3A_794] : memref<2x128x128xf32, #tpu.memory_space<vmem>> -> memref<1x128x128xf32, #tpu.memory_space<vmem>>
        %dma_wait3A_796 = tpu.memref_squeeze %dma_wait3A_795 : memref<1x128x128xf32, #tpu.memory_space<vmem>> -> memref<128x128xf32, #tpu.memory_space<vmem>>
        %dma_wait3A_797 = arith.constant 0 : i32
        %dma_wait3A_798 = tpu.memref_slice %arg6[%dma_wait3A_791, %dma_wait3A_792, %dma_wait3A_797] : memref<2x6x128xi32, #tpu.memory_space<vmem>> -> memref<1x1x128xi32, #tpu.memory_space<vmem>>
        %dma_wait3A_799 = tpu.memref_squeeze %dma_wait3A_798 : memref<1x1x128xi32, #tpu.memory_space<vmem>> -> memref<128xi32, #tpu.memory_space<vmem>>
        %dma_wait3A_800 = arith.constant 0 : i32
        %dma_wait3A_801 = arith.constant 0 : i32
        %dma_wait3A_802 = tpu.memref_slice %arg8[%dma_wait3A_800, %dma_wait3A_801] : memref<10240x128xf32, #tpu.memory_space<vmem_shared>> -> memref<10240x128xf32, #tpu.memory_space<vmem_shared>>
        tpu.wait_indirect_dma semaphore(%arg13 : memref<!tpu.dma_semaphore, #tpu.memory_space<semaphore_mem>>) src(%dma_wait3A_796 : memref<128x128xf32, #tpu.memory_space<vmem>>) dst(%dma_wait3A_802 : memref<10240x128xf32, #tpu.memory_space<vmem_shared>>)
      } else {
      }
      %dma_start3A_537 = arith.constant 1 : i32
      %dma_start3A_538 = arith.constant 1 : i32
      %dma_start3A_539 = arith.constant 0 : i32
      %dma_start3A_540 = arith.constant 0 : i32
      %dma_start3A_541 = tpu.memref_slice %arg7[%dma_start3A_538, %dma_start3A_539, %dma_start3A_540] : memref<2x128x128xf32, #tpu.memory_space<vmem>> -> memref<1x128x128xf32, #tpu.memory_space<vmem>>
      %dma_start3A_542 = tpu.memref_squeeze %dma_start3A_541 : memref<1x128x128xf32, #tpu.memory_space<vmem>> -> memref<128x128xf32, #tpu.memory_space<vmem>>
      %dma_start3A_543 = arith.constant 0 : i32
      %dma_start3A_544 = tpu.memref_slice %arg5[%rem3A_497, %dma_start3A_537, %dma_start3A_543] : memref<2x6x128xi32, #tpu.memory_space<vmem>> -> memref<1x1x128xi32, #tpu.memory_space<vmem>>
      %dma_start3A_545 = tpu.memref_squeeze %dma_start3A_544 : memref<1x1x128xi32, #tpu.memory_space<vmem>> -> memref<128xi32, #tpu.memory_space<vmem>>
      %dma_start3A_546 = arith.constant 0 : i32
      %dma_start3A_547 = arith.constant 0 : i32
      %dma_start3A_548 = tpu.memref_slice %arg2[%dma_start3A_546, %dma_start3A_547] : memref<10000x128xf32, #tpu.memory_space<hbm>> -> memref<10000x128xf32, #tpu.memory_space<hbm>>
      tpu.enqueue_indirect_dma source(%dma_start3A_548 : memref<10000x128xf32, #tpu.memory_space<hbm>>) target(%dma_start3A_542 : memref<128x128xf32, #tpu.memory_space<vmem>>) offsets(%dma_start3A_545 : memref<128xi32, #tpu.memory_space<vmem>>) semaphore(%arg11 : memref<!tpu.dma_semaphore, #tpu.memory_space<semaphore_mem>>)
      %dma_wait3A_549 = arith.constant 1 : i32
      %dma_wait3A_550 = arith.constant 1 : i32
      %dma_wait3A_551 = arith.constant 0 : i32
      %dma_wait3A_552 = arith.constant 0 : i32
      %dma_wait3A_553 = tpu.memref_slice %arg7[%dma_wait3A_550, %dma_wait3A_551, %dma_wait3A_552] : memref<2x128x128xf32, #tpu.memory_space<vmem>> -> memref<1x128x128xf32, #tpu.memory_space<vmem>>
      %dma_wait3A_554 = tpu.memref_squeeze %dma_wait3A_553 : memref<1x128x128xf32, #tpu.memory_space<vmem>> -> memref<128x128xf32, #tpu.memory_space<vmem>>
      %dma_wait3A_555 = arith.constant 0 : i32
      %dma_wait3A_556 = tpu.memref_slice %arg5[%rem3A_497, %dma_wait3A_549, %dma_wait3A_555] : memref<2x6x128xi32, #tpu.memory_space<vmem>> -> memref<1x1x128xi32, #tpu.memory_space<vmem>>
      %dma_wait3A_557 = tpu.memref_squeeze %dma_wait3A_556 : memref<1x1x128xi32, #tpu.memory_space<vmem>> -> memref<128xi32, #tpu.memory_space<vmem>>
      %dma_wait3A_558 = arith.constant 0 : i32
      %dma_wait3A_559 = arith.constant 0 : i32
      %dma_wait3A_560 = tpu.memref_slice %arg2[%dma_wait3A_558, %dma_wait3A_559] : memref<10000x128xf32, #tpu.memory_space<hbm>> -> memref<10000x128xf32, #tpu.memory_space<hbm>>
      tpu.wait_indirect_dma semaphore(%arg11 : memref<!tpu.dma_semaphore, #tpu.memory_space<semaphore_mem>>) src(%dma_wait3A_560 : memref<10000x128xf32, #tpu.memory_space<hbm>>) dst(%dma_wait3A_554 : memref<128x128xf32, #tpu.memory_space<vmem>>)
      %dma_start3A_561 = arith.constant 1 : i32
      %dma_start3A_562 = arith.constant 1 : i32
      %dma_start3A_563 = arith.constant 0 : i32
      %dma_start3A_564 = arith.constant 0 : i32
      %dma_start3A_565 = tpu.memref_slice %arg7[%dma_start3A_561, %dma_start3A_563, %dma_start3A_564] : memref<2x128x128xf32, #tpu.memory_space<vmem>> -> memref<1x128x128xf32, #tpu.memory_space<vmem>>
      %dma_start3A_566 = tpu.memref_squeeze %dma_start3A_565 : memref<1x128x128xf32, #tpu.memory_space<vmem>> -> memref<128x128xf32, #tpu.memory_space<vmem>>
      %dma_start3A_567 = arith.constant 0 : i32
      %dma_start3A_568 = tpu.memref_slice %arg6[%rem3A_497, %dma_start3A_562, %dma_start3A_567] : memref<2x6x128xi32, #tpu.memory_space<vmem>> -> memref<1x1x128xi32, #tpu.memory_space<vmem>>
      %dma_start3A_569 = tpu.memref_squeeze %dma_start3A_568 : memref<1x1x128xi32, #tpu.memory_space<vmem>> -> memref<128xi32, #tpu.memory_space<vmem>>
      %dma_start3A_570 = arith.constant 0 : i32
      %dma_start3A_571 = arith.constant 0 : i32
      %dma_start3A_572 = tpu.memref_slice %arg8[%dma_start3A_570, %dma_start3A_571] : memref<10240x128xf32, #tpu.memory_space<vmem_shared>> -> memref<10240x128xf32, #tpu.memory_space<vmem_shared>>
      tpu.enqueue_indirect_dma source(%dma_start3A_566 : memref<128x128xf32, #tpu.memory_space<vmem>>) target(%dma_start3A_572 : memref<10240x128xf32, #tpu.memory_space<vmem_shared>>) offsets(%dma_start3A_569 : memref<128xi32, #tpu.memory_space<vmem>>) semaphore(%arg13 : memref<!tpu.dma_semaphore, #tpu.memory_space<semaphore_mem>>) {add = true}
      %dma_wait3A_573 = arith.constant 0 : i32
      %dma_wait3A_574 = arith.constant 0 : i32
      %dma_wait3A_575 = arith.constant 0 : i32
      %dma_wait3A_576 = arith.constant 0 : i32
      %dma_wait3A_577 = arith.constant 0 : i32
      %dma_wait3A_578 = tpu.memref_slice %arg7[%dma_wait3A_573, %dma_wait3A_576, %dma_wait3A_577] : memref<2x128x128xf32, #tpu.memory_space<vmem>> -> memref<1x128x128xf32, #tpu.memory_space<vmem>>
      %dma_wait3A_579 = tpu.memref_squeeze %dma_wait3A_578 : memref<1x128x128xf32, #tpu.memory_space<vmem>> -> memref<128x128xf32, #tpu.memory_space<vmem>>
      %dma_wait3A_580 = arith.constant 0 : i32
      %dma_wait3A_581 = tpu.memref_slice %arg6[%dma_wait3A_574, %dma_wait3A_575, %dma_wait3A_580] : memref<2x6x128xi32, #tpu.memory_space<vmem>> -> memref<1x1x128xi32, #tpu.memory_space<vmem>>
      %dma_wait3A_582 = tpu.memref_squeeze %dma_wait3A_581 : memref<1x1x128xi32, #tpu.memory_space<vmem>> -> memref<128xi32, #tpu.memory_space<vmem>>
      %dma_wait3A_583 = arith.constant 0 : i32
      %dma_wait3A_584 = arith.constant 0 : i32
      %dma_wait3A_585 = tpu.memref_slice %arg8[%dma_wait3A_583, %dma_wait3A_584] : memref<10240x128xf32, #tpu.memory_space<vmem_shared>> -> memref<10240x128xf32, #tpu.memory_space<vmem_shared>>
      tpu.wait_indirect_dma semaphore(%arg12 : memref<!tpu.dma_semaphore, #tpu.memory_space<semaphore_mem>>) src(%dma_wait3A_579 : memref<128x128xf32, #tpu.memory_space<vmem>>) dst(%dma_wait3A_585 : memref<10240x128xf32, #tpu.memory_space<vmem_shared>>)
      %dma_start3A_586 = arith.constant 2 : i32
      %dma_start3A_587 = arith.constant 0 : i32
      %dma_start3A_588 = arith.constant 0 : i32
      %dma_start3A_589 = arith.constant 0 : i32
      %dma_start3A_590 = tpu.memref_slice %arg7[%dma_start3A_587, %dma_start3A_588, %dma_start3A_589] : memref<2x128x128xf32, #tpu.memory_space<vmem>> -> memref<1x128x128xf32, #tpu.memory_space<vmem>>
      %dma_start3A_591 = tpu.memref_squeeze %dma_start3A_590 : memref<1x128x128xf32, #tpu.memory_space<vmem>> -> memref<128x128xf32, #tpu.memory_space<vmem>>
      %dma_start3A_592 = arith.constant 0 : i32
      %dma_start3A_593 = tpu.memref_slice %arg5[%rem3A_497, %dma_start3A_586, %dma_start3A_592] : memref<2x6x128xi32, #tpu.memory_space<vmem>> -> memref<1x1x128xi32, #tpu.memory_space<vmem>>
      %dma_start3A_594 = tpu.memref_squeeze %dma_start3A_593 : memref<1x1x128xi32, #tpu.memory_space<vmem>> -> memref<128xi32, #tpu.memory_space<vmem>>
      %dma_start3A_595 = arith.constant 0 : i32
      %dma_start3A_596 = arith.constant 0 : i32
      %dma_start3A_597 = tpu.memref_slice %arg2[%dma_start3A_595, %dma_start3A_596] : memref<10000x128xf32, #tpu.memory_space<hbm>> -> memref<10000x128xf32, #tpu.memory_space<hbm>>
      tpu.enqueue_indirect_dma source(%dma_start3A_597 : memref<10000x128xf32, #tpu.memory_space<hbm>>) target(%dma_start3A_591 : memref<128x128xf32, #tpu.memory_space<vmem>>) offsets(%dma_start3A_594 : memref<128xi32, #tpu.memory_space<vmem>>) semaphore(%arg10 : memref<!tpu.dma_semaphore, #tpu.memory_space<semaphore_mem>>)
      %dma_wait3A_598 = arith.constant 2 : i32
      %dma_wait3A_599 = arith.constant 0 : i32
      %dma_wait3A_600 = arith.constant 0 : i32
      %dma_wait3A_601 = arith.constant 0 : i32
      %dma_wait3A_602 = tpu.memref_slice %arg7[%dma_wait3A_599, %dma_wait3A_600, %dma_wait3A_601] : memref<2x128x128xf32, #tpu.memory_space<vmem>> -> memref<1x128x128xf32, #tpu.memory_space<vmem>>
      %dma_wait3A_603 = tpu.memref_squeeze %dma_wait3A_602 : memref<1x128x128xf32, #tpu.memory_space<vmem>> -> memref<128x128xf32, #tpu.memory_space<vmem>>
      %dma_wait3A_604 = arith.constant 0 : i32
      %dma_wait3A_605 = tpu.memref_slice %arg5[%rem3A_497, %dma_wait3A_598, %dma_wait3A_604] : memref<2x6x128xi32, #tpu.memory_space<vmem>> -> memref<1x1x128xi32, #tpu.memory_space<vmem>>
      %dma_wait3A_606 = tpu.memref_squeeze %dma_wait3A_605 : memref<1x1x128xi32, #tpu.memory_space<vmem>> -> memref<128xi32, #tpu.memory_space<vmem>>
      %dma_wait3A_607 = arith.constant 0 : i32
      %dma_wait3A_608 = arith.constant 0 : i32
      %dma_wait3A_609 = tpu.memref_slice %arg2[%dma_wait3A_607, %dma_wait3A_608] : memref<10000x128xf32, #tpu.memory_space<hbm>> -> memref<10000x128xf32, #tpu.memory_space<hbm>>
      tpu.wait_indirect_dma semaphore(%arg10 : memref<!tpu.dma_semaphore, #tpu.memory_space<semaphore_mem>>) src(%dma_wait3A_609 : memref<10000x128xf32, #tpu.memory_space<hbm>>) dst(%dma_wait3A_603 : memref<128x128xf32, #tpu.memory_space<vmem>>)
      %dma_start3A_610 = arith.constant 0 : i32
      %dma_start3A_611 = arith.constant 2 : i32
      %dma_start3A_612 = arith.constant 0 : i32
      %dma_start3A_613 = arith.constant 0 : i32
      %dma_start3A_614 = tpu.memref_slice %arg7[%dma_start3A_610, %dma_start3A_612, %dma_start3A_613] : memref<2x128x128xf32, #tpu.memory_space<vmem>> -> memref<1x128x128xf32, #tpu.memory_space<vmem>>
      %dma_start3A_615 = tpu.memref_squeeze %dma_start3A_614 : memref<1x128x128xf32, #tpu.memory_space<vmem>> -> memref<128x128xf32, #tpu.memory_space<vmem>>
      %dma_start3A_616 = arith.constant 0 : i32
      %dma_start3A_617 = tpu.memref_slice %arg6[%rem3A_497, %dma_start3A_611, %dma_start3A_616] : memref<2x6x128xi32, #tpu.memory_space<vmem>> -> memref<1x1x128xi32, #tpu.memory_space<vmem>>
      %dma_start3A_618 = tpu.memref_squeeze %dma_start3A_617 : memref<1x1x128xi32, #tpu.memory_space<vmem>> -> memref<128xi32, #tpu.memory_space<vmem>>
      %dma_start3A_619 = arith.constant 0 : i32
      %dma_start3A_620 = arith.constant 0 : i32
      %dma_start3A_621 = tpu.memref_slice %arg8[%dma_start3A_619, %dma_start3A_620] : memref<10240x128xf32, #tpu.memory_space<vmem_shared>> -> memref<10240x128xf32, #tpu.memory_space<vmem_shared>>
      tpu.enqueue_indirect_dma source(%dma_start3A_615 : memref<128x128xf32, #tpu.memory_space<vmem>>) target(%dma_start3A_621 : memref<10240x128xf32, #tpu.memory_space<vmem_shared>>) offsets(%dma_start3A_618 : memref<128xi32, #tpu.memory_space<vmem>>) semaphore(%arg12 : memref<!tpu.dma_semaphore, #tpu.memory_space<semaphore_mem>>) {add = true}
      %dma_wait3A_622 = arith.constant 1 : i32
      %dma_wait3A_623 = arith.constant 0 : i32
      %dma_wait3A_624 = arith.constant 0 : i32
      %dma_wait3A_625 = arith.constant 0 : i32
      %dma_wait3A_626 = arith.constant 0 : i32
      %dma_wait3A_627 = tpu.memref_slice %arg7[%dma_wait3A_622, %dma_wait3A_625, %dma_wait3A_626] : memref<2x128x128xf32, #tpu.memory_space<vmem>> -> memref<1x128x128xf32, #tpu.memory_space<vmem>>
      %dma_wait3A_628 = tpu.memref_squeeze %dma_wait3A_627 : memref<1x128x128xf32, #tpu.memory_space<vmem>> -> memref<128x128xf32, #tpu.memory_space<vmem>>
      %dma_wait3A_629 = arith.constant 0 : i32
      %dma_wait3A_630 = tpu.memref_slice %arg6[%dma_wait3A_623, %dma_wait3A_624, %dma_wait3A_629] : memref<2x6x128xi32, #tpu.memory_space<vmem>> -> memref<1x1x128xi32, #tpu.memory_space<vmem>>
      %dma_wait3A_631 = tpu.memref_squeeze %dma_wait3A_630 : memref<1x1x128xi32, #tpu.memory_space<vmem>> -> memref<128xi32, #tpu.memory_space<vmem>>
      %dma_wait3A_632 = arith.constant 0 : i32
      %dma_wait3A_633 = arith.constant 0 : i32
      %dma_wait3A_634 = tpu.memref_slice %arg8[%dma_wait3A_632, %dma_wait3A_633] : memref<10240x128xf32, #tpu.memory_space<vmem_shared>> -> memref<10240x128xf32, #tpu.memory_space<vmem_shared>>
      tpu.wait_indirect_dma semaphore(%arg13 : memref<!tpu.dma_semaphore, #tpu.memory_space<semaphore_mem>>) src(%dma_wait3A_628 : memref<128x128xf32, #tpu.memory_space<vmem>>) dst(%dma_wait3A_634 : memref<10240x128xf32, #tpu.memory_space<vmem_shared>>)
      %dma_start3A_635 = arith.constant 3 : i32
      %dma_start3A_636 = arith.constant 1 : i32
      %dma_start3A_637 = arith.constant 0 : i32
      %dma_start3A_638 = arith.constant 0 : i32
      %dma_start3A_639 = tpu.memref_slice %arg7[%dma_start3A_636, %dma_start3A_637, %dma_start3A_638] : memref<2x128x128xf32, #tpu.memory_space<vmem>> -> memref<1x128x128xf32, #tpu.memory_space<vmem>>
      %dma_start3A_640 = tpu.memref_squeeze %dma_start3A_639 : memref<1x128x128xf32, #tpu.memory_space<vmem>> -> memref<128x128xf32, #tpu.memory_space<vmem>>
      %dma_start3A_641 = arith.constant 0 : i32
      %dma_start3A_642 = tpu.memref_slice %arg5[%rem3A_497, %dma_start3A_635, %dma_start3A_641] : memref<2x6x128xi32, #tpu.memory_space<vmem>> -> memref<1x1x128xi32, #tpu.memory_space<vmem>>
      %dma_start3A_643 = tpu.memref_squeeze %dma_start3A_642 : memref<1x1x128xi32, #tpu.memory_space<vmem>> -> memref<128xi32, #tpu.memory_space<vmem>>
      %dma_start3A_644 = arith.constant 0 : i32
      %dma_start3A_645 = arith.constant 0 : i32
      %dma_start3A_646 = tpu.memref_slice %arg2[%dma_start3A_644, %dma_start3A_645] : memref<10000x128xf32, #tpu.memory_space<hbm>> -> memref<10000x128xf32, #tpu.memory_space<hbm>>
      tpu.enqueue_indirect_dma source(%dma_start3A_646 : memref<10000x128xf32, #tpu.memory_space<hbm>>) target(%dma_start3A_640 : memref<128x128xf32, #tpu.memory_space<vmem>>) offsets(%dma_start3A_643 : memref<128xi32, #tpu.memory_space<vmem>>) semaphore(%arg11 : memref<!tpu.dma_semaphore, #tpu.memory_space<semaphore_mem>>)
      %dma_wait3A_647 = arith.constant 3 : i32
      %dma_wait3A_648 = arith.constant 1 : i32
      %dma_wait3A_649 = arith.constant 0 : i32
      %dma_wait3A_650 = arith.constant 0 : i32
      %dma_wait3A_651 = tpu.memref_slice %arg7[%dma_wait3A_648, %dma_wait3A_649, %dma_wait3A_650] : memref<2x128x128xf32, #tpu.memory_space<vmem>> -> memref<1x128x128xf32, #tpu.memory_space<vmem>>
      %dma_wait3A_652 = tpu.memref_squeeze %dma_wait3A_651 : memref<1x128x128xf32, #tpu.memory_space<vmem>> -> memref<128x128xf32, #tpu.memory_space<vmem>>
      %dma_wait3A_653 = arith.constant 0 : i32
      %dma_wait3A_654 = tpu.memref_slice %arg5[%rem3A_497, %dma_wait3A_647, %dma_wait3A_653] : memref<2x6x128xi32, #tpu.memory_space<vmem>> -> memref<1x1x128xi32, #tpu.memory_space<vmem>>
      %dma_wait3A_655 = tpu.memref_squeeze %dma_wait3A_654 : memref<1x1x128xi32, #tpu.memory_space<vmem>> -> memref<128xi32, #tpu.memory_space<vmem>>
      %dma_wait3A_656 = arith.constant 0 : i32
      %dma_wait3A_657 = arith.constant 0 : i32
      %dma_wait3A_658 = tpu.memref_slice %arg2[%dma_wait3A_656, %dma_wait3A_657] : memref<10000x128xf32, #tpu.memory_space<hbm>> -> memref<10000x128xf32, #tpu.memory_space<hbm>>
      tpu.wait_indirect_dma semaphore(%arg11 : memref<!tpu.dma_semaphore, #tpu.memory_space<semaphore_mem>>) src(%dma_wait3A_658 : memref<10000x128xf32, #tpu.memory_space<hbm>>) dst(%dma_wait3A_652 : memref<128x128xf32, #tpu.memory_space<vmem>>)
      %dma_start3A_659 = arith.constant 1 : i32
      %dma_start3A_660 = arith.constant 3 : i32
      %dma_start3A_661 = arith.constant 0 : i32
      %dma_start3A_662 = arith.constant 0 : i32
      %dma_start3A_663 = tpu.memref_slice %arg7[%dma_start3A_659, %dma_start3A_661, %dma_start3A_662] : memref<2x128x128xf32, #tpu.memory_space<vmem>> -> memref<1x128x128xf32, #tpu.memory_space<vmem>>
      %dma_start3A_664 = tpu.memref_squeeze %dma_start3A_663 : memref<1x128x128xf32, #tpu.memory_space<vmem>> -> memref<128x128xf32, #tpu.memory_space<vmem>>
      %dma_start3A_665 = arith.constant 0 : i32
      %dma_start3A_666 = tpu.memref_slice %arg6[%rem3A_497, %dma_start3A_660, %dma_start3A_665] : memref<2x6x128xi32, #tpu.memory_space<vmem>> -> memref<1x1x128xi32, #tpu.memory_space<vmem>>
      %dma_start3A_667 = tpu.memref_squeeze %dma_start3A_666 : memref<1x1x128xi32, #tpu.memory_space<vmem>> -> memref<128xi32, #tpu.memory_space<vmem>>
      %dma_start3A_668 = arith.constant 0 : i32
      %dma_start3A_669 = arith.constant 0 : i32
      %dma_start3A_670 = tpu.memref_slice %arg8[%dma_start3A_668, %dma_start3A_669] : memref<10240x128xf32, #tpu.memory_space<vmem_shared>> -> memref<10240x128xf32, #tpu.memory_space<vmem_shared>>
      tpu.enqueue_indirect_dma source(%dma_start3A_664 : memref<128x128xf32, #tpu.memory_space<vmem>>) target(%dma_start3A_670 : memref<10240x128xf32, #tpu.memory_space<vmem_shared>>) offsets(%dma_start3A_667 : memref<128xi32, #tpu.memory_space<vmem>>) semaphore(%arg13 : memref<!tpu.dma_semaphore, #tpu.memory_space<semaphore_mem>>) {add = true}
      %dma_wait3A_671 = arith.constant 0 : i32
      %dma_wait3A_672 = arith.constant 0 : i32
      %dma_wait3A_673 = arith.constant 0 : i32
      %dma_wait3A_674 = arith.constant 0 : i32
      %dma_wait3A_675 = arith.constant 0 : i32
      %dma_wait3A_676 = tpu.memref_slice %arg7[%dma_wait3A_671, %dma_wait3A_674, %dma_wait3A_675] : memref<2x128x128xf32, #tpu.memory_space<vmem>> -> memref<1x128x128xf32, #tpu.memory_space<vmem>>
      %dma_wait3A_677 = tpu.memref_squeeze %dma_wait3A_676 : memref<1x128x128xf32, #tpu.memory_space<vmem>> -> memref<128x128xf32, #tpu.memory_space<vmem>>
      %dma_wait3A_678 = arith.constant 0 : i32
      %dma_wait3A_679 = tpu.memref_slice %arg6[%dma_wait3A_672, %dma_wait3A_673, %dma_wait3A_678] : memref<2x6x128xi32, #tpu.memory_space<vmem>> -> memref<1x1x128xi32, #tpu.memory_space<vmem>>
      %dma_wait3A_680 = tpu.memref_squeeze %dma_wait3A_679 : memref<1x1x128xi32, #tpu.memory_space<vmem>> -> memref<128xi32, #tpu.memory_space<vmem>>
      %dma_wait3A_681 = arith.constant 0 : i32
      %dma_wait3A_682 = arith.constant 0 : i32
      %dma_wait3A_683 = tpu.memref_slice %arg8[%dma_wait3A_681, %dma_wait3A_682] : memref<10240x128xf32, #tpu.memory_space<vmem_shared>> -> memref<10240x128xf32, #tpu.memory_space<vmem_shared>>
      tpu.wait_indirect_dma semaphore(%arg12 : memref<!tpu.dma_semaphore, #tpu.memory_space<semaphore_mem>>) src(%dma_wait3A_677 : memref<128x128xf32, #tpu.memory_space<vmem>>) dst(%dma_wait3A_683 : memref<10240x128xf32, #tpu.memory_space<vmem_shared>>)
      %dma_start3A_684 = arith.constant 4 : i32
      %dma_start3A_685 = arith.constant 0 : i32
      %dma_start3A_686 = arith.constant 0 : i32
      %dma_start3A_687 = arith.constant 0 : i32
      %dma_start3A_688 = tpu.memref_slice %arg7[%dma_start3A_685, %dma_start3A_686, %dma_start3A_687] : memref<2x128x128xf32, #tpu.memory_space<vmem>> -> memref<1x128x128xf32, #tpu.memory_space<vmem>>
      %dma_start3A_689 = tpu.memref_squeeze %dma_start3A_688 : memref<1x128x128xf32, #tpu.memory_space<vmem>> -> memref<128x128xf32, #tpu.memory_space<vmem>>
      %dma_start3A_690 = arith.constant 0 : i32
      %dma_start3A_691 = tpu.memref_slice %arg5[%rem3A_497, %dma_start3A_684, %dma_start3A_690] : memref<2x6x128xi32, #tpu.memory_space<vmem>> -> memref<1x1x128xi32, #tpu.memory_space<vmem>>
      %dma_start3A_692 = tpu.memref_squeeze %dma_start3A_691 : memref<1x1x128xi32, #tpu.memory_space<vmem>> -> memref<128xi32, #tpu.memory_space<vmem>>
      %dma_start3A_693 = arith.constant 0 : i32
      %dma_start3A_694 = arith.constant 0 : i32
      %dma_start3A_695 = tpu.memref_slice %arg2[%dma_start3A_693, %dma_start3A_694] : memref<10000x128xf32, #tpu.memory_space<hbm>> -> memref<10000x128xf32, #tpu.memory_space<hbm>>
      tpu.enqueue_indirect_dma source(%dma_start3A_695 : memref<10000x128xf32, #tpu.memory_space<hbm>>) target(%dma_start3A_689 : memref<128x128xf32, #tpu.memory_space<vmem>>) offsets(%dma_start3A_692 : memref<128xi32, #tpu.memory_space<vmem>>) semaphore(%arg10 : memref<!tpu.dma_semaphore, #tpu.memory_space<semaphore_mem>>)
      %dma_wait3A_696 = arith.constant 4 : i32
      %dma_wait3A_697 = arith.constant 0 : i32
      %dma_wait3A_698 = arith.constant 0 : i32
      %dma_wait3A_699 = arith.constant 0 : i32
      %dma_wait3A_700 = tpu.memref_slice %arg7[%dma_wait3A_697, %dma_wait3A_698, %dma_wait3A_699] : memref<2x128x128xf32, #tpu.memory_space<vmem>> -> memref<1x128x128xf32, #tpu.memory_space<vmem>>
      %dma_wait3A_701 = tpu.memref_squeeze %dma_wait3A_700 : memref<1x128x128xf32, #tpu.memory_space<vmem>> -> memref<128x128xf32, #tpu.memory_space<vmem>>
      %dma_wait3A_702 = arith.constant 0 : i32
      %dma_wait3A_703 = tpu.memref_slice %arg5[%rem3A_497, %dma_wait3A_696, %dma_wait3A_702] : memref<2x6x128xi32, #tpu.memory_space<vmem>> -> memref<1x1x128xi32, #tpu.memory_space<vmem>>
      %dma_wait3A_704 = tpu.memref_squeeze %dma_wait3A_703 : memref<1x1x128xi32, #tpu.memory_space<vmem>> -> memref<128xi32, #tpu.memory_space<vmem>>
      %dma_wait3A_705 = arith.constant 0 : i32
      %dma_wait3A_706 = arith.constant 0 : i32
      %dma_wait3A_707 = tpu.memref_slice %arg2[%dma_wait3A_705, %dma_wait3A_706] : memref<10000x128xf32, #tpu.memory_space<hbm>> -> memref<10000x128xf32, #tpu.memory_space<hbm>>
      tpu.wait_indirect_dma semaphore(%arg10 : memref<!tpu.dma_semaphore, #tpu.memory_space<semaphore_mem>>) src(%dma_wait3A_707 : memref<10000x128xf32, #tpu.memory_space<hbm>>) dst(%dma_wait3A_701 : memref<128x128xf32, #tpu.memory_space<vmem>>)
      %dma_start3A_708 = arith.constant 0 : i32
      %dma_start3A_709 = arith.constant 4 : i32
      %dma_start3A_710 = arith.constant 0 : i32
      %dma_start3A_711 = arith.constant 0 : i32
      %dma_start3A_712 = tpu.memref_slice %arg7[%dma_start3A_708, %dma_start3A_710, %dma_start3A_711] : memref<2x128x128xf32, #tpu.memory_space<vmem>> -> memref<1x128x128xf32, #tpu.memory_space<vmem>>
      %dma_start3A_713 = tpu.memref_squeeze %dma_start3A_712 : memref<1x128x128xf32, #tpu.memory_space<vmem>> -> memref<128x128xf32, #tpu.memory_space<vmem>>
      %dma_start3A_714 = arith.constant 0 : i32
      %dma_start3A_715 = tpu.memref_slice %arg6[%rem3A_497, %dma_start3A_709, %dma_start3A_714] : memref<2x6x128xi32, #tpu.memory_space<vmem>> -> memref<1x1x128xi32, #tpu.memory_space<vmem>>
      %dma_start3A_716 = tpu.memref_squeeze %dma_start3A_715 : memref<1x1x128xi32, #tpu.memory_space<vmem>> -> memref<128xi32, #tpu.memory_space<vmem>>
      %dma_start3A_717 = arith.constant 0 : i32
      %dma_start3A_718 = arith.constant 0 : i32
      %dma_start3A_719 = tpu.memref_slice %arg8[%dma_start3A_717, %dma_start3A_718] : memref<10240x128xf32, #tpu.memory_space<vmem_shared>> -> memref<10240x128xf32, #tpu.memory_space<vmem_shared>>
      tpu.enqueue_indirect_dma source(%dma_start3A_713 : memref<128x128xf32, #tpu.memory_space<vmem>>) target(%dma_start3A_719 : memref<10240x128xf32, #tpu.memory_space<vmem_shared>>) offsets(%dma_start3A_716 : memref<128xi32, #tpu.memory_space<vmem>>) semaphore(%arg12 : memref<!tpu.dma_semaphore, #tpu.memory_space<semaphore_mem>>) {add = true}
      %dma_wait3A_720 = arith.constant 1 : i32
      %dma_wait3A_721 = arith.constant 0 : i32
      %dma_wait3A_722 = arith.constant 0 : i32
      %dma_wait3A_723 = arith.constant 0 : i32
      %dma_wait3A_724 = arith.constant 0 : i32
      %dma_wait3A_725 = tpu.memref_slice %arg7[%dma_wait3A_720, %dma_wait3A_723, %dma_wait3A_724] : memref<2x128x128xf32, #tpu.memory_space<vmem>> -> memref<1x128x128xf32, #tpu.memory_space<vmem>>
      %dma_wait3A_726 = tpu.memref_squeeze %dma_wait3A_725 : memref<1x128x128xf32, #tpu.memory_space<vmem>> -> memref<128x128xf32, #tpu.memory_space<vmem>>
      %dma_wait3A_727 = arith.constant 0 : i32
      %dma_wait3A_728 = tpu.memref_slice %arg6[%dma_wait3A_721, %dma_wait3A_722, %dma_wait3A_727] : memref<2x6x128xi32, #tpu.memory_space<vmem>> -> memref<1x1x128xi32, #tpu.memory_space<vmem>>
      %dma_wait3A_729 = tpu.memref_squeeze %dma_wait3A_728 : memref<1x1x128xi32, #tpu.memory_space<vmem>> -> memref<128xi32, #tpu.memory_space<vmem>>
      %dma_wait3A_730 = arith.constant 0 : i32
      %dma_wait3A_731 = arith.constant 0 : i32
      %dma_wait3A_732 = tpu.memref_slice %arg8[%dma_wait3A_730, %dma_wait3A_731] : memref<10240x128xf32, #tpu.memory_space<vmem_shared>> -> memref<10240x128xf32, #tpu.memory_space<vmem_shared>>
      tpu.wait_indirect_dma semaphore(%arg13 : memref<!tpu.dma_semaphore, #tpu.memory_space<semaphore_mem>>) src(%dma_wait3A_726 : memref<128x128xf32, #tpu.memory_space<vmem>>) dst(%dma_wait3A_732 : memref<10240x128xf32, #tpu.memory_space<vmem_shared>>)
      %dma_start3A_733 = arith.constant 5 : i32
      %dma_start3A_734 = arith.constant 1 : i32
      %dma_start3A_735 = arith.constant 0 : i32
      %dma_start3A_736 = arith.constant 0 : i32
      %dma_start3A_737 = tpu.memref_slice %arg7[%dma_start3A_734, %dma_start3A_735, %dma_start3A_736] : memref<2x128x128xf32, #tpu.memory_space<vmem>> -> memref<1x128x128xf32, #tpu.memory_space<vmem>>
      %dma_start3A_738 = tpu.memref_squeeze %dma_start3A_737 : memref<1x128x128xf32, #tpu.memory_space<vmem>> -> memref<128x128xf32, #tpu.memory_space<vmem>>
      %dma_start3A_739 = arith.constant 0 : i32
      %dma_start3A_740 = tpu.memref_slice %arg5[%rem3A_497, %dma_start3A_733, %dma_start3A_739] : memref<2x6x128xi32, #tpu.memory_space<vmem>> -> memref<1x1x128xi32, #tpu.memory_space<vmem>>
      %dma_start3A_741 = tpu.memref_squeeze %dma_start3A_740 : memref<1x1x128xi32, #tpu.memory_space<vmem>> -> memref<128xi32, #tpu.memory_space<vmem>>
      %dma_start3A_742 = arith.constant 0 : i32
      %dma_start3A_743 = arith.constant 0 : i32
      %dma_start3A_744 = tpu.memref_slice %arg2[%dma_start3A_742, %dma_start3A_743] : memref<10000x128xf32, #tpu.memory_space<hbm>> -> memref<10000x128xf32, #tpu.memory_space<hbm>>
      tpu.enqueue_indirect_dma source(%dma_start3A_744 : memref<10000x128xf32, #tpu.memory_space<hbm>>) target(%dma_start3A_738 : memref<128x128xf32, #tpu.memory_space<vmem>>) offsets(%dma_start3A_741 : memref<128xi32, #tpu.memory_space<vmem>>) semaphore(%arg11 : memref<!tpu.dma_semaphore, #tpu.memory_space<semaphore_mem>>)
      %dma_wait3A_745 = arith.constant 5 : i32
      %dma_wait3A_746 = arith.constant 1 : i32
      %dma_wait3A_747 = arith.constant 0 : i32
      %dma_wait3A_748 = arith.constant 0 : i32
      %dma_wait3A_749 = tpu.memref_slice %arg7[%dma_wait3A_746, %dma_wait3A_747, %dma_wait3A_748] : memref<2x128x128xf32, #tpu.memory_space<vmem>> -> memref<1x128x128xf32, #tpu.memory_space<vmem>>
      %dma_wait3A_750 = tpu.memref_squeeze %dma_wait3A_749 : memref<1x128x128xf32, #tpu.memory_space<vmem>> -> memref<128x128xf32, #tpu.memory_space<vmem>>
      %dma_wait3A_751 = arith.constant 0 : i32
      %dma_wait3A_752 = tpu.memref_slice %arg5[%rem3A_497, %dma_wait3A_745, %dma_wait3A_751] : memref<2x6x128xi32, #tpu.memory_space<vmem>> -> memref<1x1x128xi32, #tpu.memory_space<vmem>>
      %dma_wait3A_753 = tpu.memref_squeeze %dma_wait3A_752 : memref<1x1x128xi32, #tpu.memory_space<vmem>> -> memref<128xi32, #tpu.memory_space<vmem>>
      %dma_wait3A_754 = arith.constant 0 : i32
      %dma_wait3A_755 = arith.constant 0 : i32
      %dma_wait3A_756 = tpu.memref_slice %arg2[%dma_wait3A_754, %dma_wait3A_755] : memref<10000x128xf32, #tpu.memory_space<hbm>> -> memref<10000x128xf32, #tpu.memory_space<hbm>>
      tpu.wait_indirect_dma semaphore(%arg11 : memref<!tpu.dma_semaphore, #tpu.memory_space<semaphore_mem>>) src(%dma_wait3A_756 : memref<10000x128xf32, #tpu.memory_space<hbm>>) dst(%dma_wait3A_750 : memref<128x128xf32, #tpu.memory_space<vmem>>)
      %dma_start3A_757 = arith.constant 1 : i32
      %dma_start3A_758 = arith.constant 5 : i32
      %dma_start3A_759 = arith.constant 0 : i32
      %dma_start3A_760 = arith.constant 0 : i32
      %dma_start3A_761 = tpu.memref_slice %arg7[%dma_start3A_757, %dma_start3A_759, %dma_start3A_760] : memref<2x128x128xf32, #tpu.memory_space<vmem>> -> memref<1x128x128xf32, #tpu.memory_space<vmem>>
      %dma_start3A_762 = tpu.memref_squeeze %dma_start3A_761 : memref<1x128x128xf32, #tpu.memory_space<vmem>> -> memref<128x128xf32, #tpu.memory_space<vmem>>
      %dma_start3A_763 = arith.constant 0 : i32
      %dma_start3A_764 = tpu.memref_slice %arg6[%rem3A_497, %dma_start3A_758, %dma_start3A_763] : memref<2x6x128xi32, #tpu.memory_space<vmem>> -> memref<1x1x128xi32, #tpu.memory_space<vmem>>
      %dma_start3A_765 = tpu.memref_squeeze %dma_start3A_764 : memref<1x1x128xi32, #tpu.memory_space<vmem>> -> memref<128xi32, #tpu.memory_space<vmem>>
      %dma_start3A_766 = arith.constant 0 : i32
      %dma_start3A_767 = arith.constant 0 : i32
      %dma_start3A_768 = tpu.memref_slice %arg8[%dma_start3A_766, %dma_start3A_767] : memref<10240x128xf32, #tpu.memory_space<vmem_shared>> -> memref<10240x128xf32, #tpu.memory_space<vmem_shared>>
      tpu.enqueue_indirect_dma source(%dma_start3A_762 : memref<128x128xf32, #tpu.memory_space<vmem>>) target(%dma_start3A_768 : memref<10240x128xf32, #tpu.memory_space<vmem_shared>>) offsets(%dma_start3A_765 : memref<128xi32, #tpu.memory_space<vmem>>) semaphore(%arg13 : memref<!tpu.dma_semaphore, #tpu.memory_space<semaphore_mem>>) {add = true}
      %dma_wait3A_769 = arith.constant 0 : i32
      %dma_wait3A_770 = arith.constant 0 : i32
      %dma_wait3A_771 = arith.constant 0 : i32
      %dma_wait3A_772 = arith.constant 0 : i32
      %dma_wait3A_773 = arith.constant 0 : i32
      %dma_wait3A_774 = tpu.memref_slice %arg7[%dma_wait3A_769, %dma_wait3A_772, %dma_wait3A_773] : memref<2x128x128xf32, #tpu.memory_space<vmem>> -> memref<1x128x128xf32, #tpu.memory_space<vmem>>
      %dma_wait3A_775 = tpu.memref_squeeze %dma_wait3A_774 : memref<1x128x128xf32, #tpu.memory_space<vmem>> -> memref<128x128xf32, #tpu.memory_space<vmem>>
      %dma_wait3A_776 = arith.constant 0 : i32
      %dma_wait3A_777 = tpu.memref_slice %arg6[%dma_wait3A_770, %dma_wait3A_771, %dma_wait3A_776] : memref<2x6x128xi32, #tpu.memory_space<vmem>> -> memref<1x1x128xi32, #tpu.memory_space<vmem>>
      %dma_wait3A_778 = tpu.memref_squeeze %dma_wait3A_777 : memref<1x1x128xi32, #tpu.memory_space<vmem>> -> memref<128xi32, #tpu.memory_space<vmem>>
      %dma_wait3A_779 = arith.constant 0 : i32
      %dma_wait3A_780 = arith.constant 0 : i32
      %dma_wait3A_781 = tpu.memref_slice %arg8[%dma_wait3A_779, %dma_wait3A_780] : memref<10240x128xf32, #tpu.memory_space<vmem_shared>> -> memref<10240x128xf32, #tpu.memory_space<vmem_shared>>
      tpu.wait_indirect_dma semaphore(%arg12 : memref<!tpu.dma_semaphore, #tpu.memory_space<semaphore_mem>>) src(%dma_wait3A_775 : memref<128x128xf32, #tpu.memory_space<vmem>>) dst(%dma_wait3A_781 : memref<10240x128xf32, #tpu.memory_space<vmem_shared>>)
      %add3A_782 = arith.constant 1 : i32
      %add3A_783 = arith.addi %scan3A_495, %add3A_782 : i32
      %lt3A_784 = arith.constant 13 : i32
      %lt3A_785 = arith.cmpi slt, %add3A_783, %lt3A_784 : i32
      %convert_element_type3A_786 = arith.extui %lt3A_785 : i1 to i32
      %cond3A_787 = arith.constant 0 : i32
      %cond3A_788 = arith.cmpi ne, %convert_element_type3A_786, %cond3A_787 : i32
      scf.if %cond3A_788 {
        %dma_wait3A_790 = arith.constant 0 : i32
        %dma_wait3A_791 = arith.constant 0 : i32
        %dma_wait3A_792 = arith.constant 0 : i32
        %dma_wait3A_793 = arith.constant 0 : i32
        %dma_wait3A_794 = tpu.memref_slice %arg5[%dma_wait3A_791, %dma_wait3A_792, %dma_wait3A_793] : memref<2x6x128xi32, #tpu.memory_space<vmem>> -> memref<1x1x128xi32, #tpu.memory_space<vmem>>
        %dma_wait3A_795 = tpu.memref_squeeze %dma_wait3A_794 : memref<1x1x128xi32, #tpu.memory_space<vmem>> -> memref<128xi32, #tpu.memory_space<vmem>>
        %dma_wait3A_796 = arith.constant 0 : i32
        %dma_wait3A_797 = tpu.memref_slice %arg3[%dma_wait3A_790, %dma_wait3A_796] : memref<2x320000xi32, #tpu.memory_space<hbm>> -> memref<1x128xi32, #tpu.memory_space<hbm>>
        %dma_wait3A_798 = tpu.memref_squeeze %dma_wait3A_797 : memref<1x128xi32, #tpu.memory_space<hbm>> -> memref<128xi32, #tpu.memory_space<hbm>>
        %dma_wait3A_799 = arith.constant 0 : i32
        %dma_wait3A_800 = tpu.memref_slice %arg5[%dma_wait3A_791, %dma_wait3A_792, %dma_wait3A_799] : memref<2x6x128xi32, #tpu.memory_space<vmem>> -> memref<1x1x128xi32, #tpu.memory_space<vmem>>
        %dma_wait3A_801 = tpu.memref_squeeze %dma_wait3A_800 : memref<1x1x128xi32, #tpu.memory_space<vmem>> -> memref<128xi32, #tpu.memory_space<vmem>>
        %dma_wait3A_802 = arith.constant 0 : i32
        %dma_wait3A_803 = tpu.memref_slice %arg3[%dma_wait3A_790, %dma_wait3A_802] : memref<2x320000xi32, #tpu.memory_space<hbm>> -> memref<1x128xi32, #tpu.memory_space<hbm>>
        %dma_wait3A_804 = tpu.memref_squeeze %dma_wait3A_803 : memref<1x128xi32, #tpu.memory_space<hbm>> -> memref<128xi32, #tpu.memory_space<hbm>>
        tpu.wait_dma2 semaphore(%arg9 : memref<!tpu.dma_semaphore, #tpu.memory_space<semaphore_mem>>) src(%dma_wait3A_804 : memref<128xi32, #tpu.memory_space<hbm>>) dst(%dma_wait3A_801 : memref<128xi32, #tpu.memory_space<vmem>>)
        %dma_wait3A_805 = arith.constant 0 : i32
        %dma_wait3A_806 = arith.constant 0 : i32
        %dma_wait3A_807 = arith.constant 0 : i32
        %dma_wait3A_808 = arith.constant 0 : i32
        %dma_wait3A_809 = tpu.memref_slice %arg5[%dma_wait3A_806, %dma_wait3A_807, %dma_wait3A_808] : memref<2x6x128xi32, #tpu.memory_space<vmem>> -> memref<1x1x128xi32, #tpu.memory_space<vmem>>
        %dma_wait3A_810 = tpu.memref_squeeze %dma_wait3A_809 : memref<1x1x128xi32, #tpu.memory_space<vmem>> -> memref<128xi32, #tpu.memory_space<vmem>>
        %dma_wait3A_811 = arith.constant 0 : i32
        %dma_wait3A_812 = tpu.memref_slice %arg3[%dma_wait3A_805, %dma_wait3A_811] : memref<2x320000xi32, #tpu.memory_space<hbm>> -> memref<1x128xi32, #tpu.memory_space<hbm>>
        %dma_wait3A_813 = tpu.memref_squeeze %dma_wait3A_812 : memref<1x128xi32, #tpu.memory_space<hbm>> -> memref<128xi32, #tpu.memory_space<hbm>>
        %dma_wait3A_814 = arith.constant 0 : i32
        %dma_wait3A_815 = tpu.memref_slice %arg5[%dma_wait3A_806, %dma_wait3A_807, %dma_wait3A_814] : memref<2x6x128xi32, #tpu.memory_space<vmem>> -> memref<1x1x128xi32, #tpu.memory_space<vmem>>
        %dma_wait3A_816 = tpu.memref_squeeze %dma_wait3A_815 : memref<1x1x128xi32, #tpu.memory_space<vmem>> -> memref<128xi32, #tpu.memory_space<vmem>>
        %dma_wait3A_817 = arith.constant 0 : i32
        %dma_wait3A_818 = tpu.memref_slice %arg3[%dma_wait3A_805, %dma_wait3A_817] : memref<2x320000xi32, #tpu.memory_space<hbm>> -> memref<1x128xi32, #tpu.memory_space<hbm>>
        %dma_wait3A_819 = tpu.memref_squeeze %dma_wait3A_818 : memref<1x128xi32, #tpu.memory_space<hbm>> -> memref<128xi32, #tpu.memory_space<hbm>>
        tpu.wait_dma2 semaphore(%arg9 : memref<!tpu.dma_semaphore, #tpu.memory_space<semaphore_mem>>) src(%dma_wait3A_819 : memref<128xi32, #tpu.memory_space<hbm>>) dst(%dma_wait3A_816 : memref<128xi32, #tpu.memory_space<vmem>>)
        %dma_wait3A_820 = arith.constant 0 : i32
        %dma_wait3A_821 = arith.constant 0 : i32
        %dma_wait3A_822 = arith.constant 0 : i32
        %dma_wait3A_823 = arith.constant 0 : i32
        %dma_wait3A_824 = tpu.memref_slice %arg5[%dma_wait3A_821, %dma_wait3A_822, %dma_wait3A_823] : memref<2x6x128xi32, #tpu.memory_space<vmem>> -> memref<1x1x128xi32, #tpu.memory_space<vmem>>
        %dma_wait3A_825 = tpu.memref_squeeze %dma_wait3A_824 : memref<1x1x128xi32, #tpu.memory_space<vmem>> -> memref<128xi32, #tpu.memory_space<vmem>>
        %dma_wait3A_826 = arith.constant 0 : i32
        %dma_wait3A_827 = tpu.memref_slice %arg3[%dma_wait3A_820, %dma_wait3A_826] : memref<2x320000xi32, #tpu.memory_space<hbm>> -> memref<1x128xi32, #tpu.memory_space<hbm>>
        %dma_wait3A_828 = tpu.memref_squeeze %dma_wait3A_827 : memref<1x128xi32, #tpu.memory_space<hbm>> -> memref<128xi32, #tpu.memory_space<hbm>>
        %dma_wait3A_829 = arith.constant 0 : i32
        %dma_wait3A_830 = tpu.memref_slice %arg5[%dma_wait3A_821, %dma_wait3A_822, %dma_wait3A_829] : memref<2x6x128xi32, #tpu.memory_space<vmem>> -> memref<1x1x128xi32, #tpu.memory_space<vmem>>
        %dma_wait3A_831 = tpu.memref_squeeze %dma_wait3A_830 : memref<1x1x128xi32, #tpu.memory_space<vmem>> -> memref<128xi32, #tpu.memory_space<vmem>>
        %dma_wait3A_832 = arith.constant 0 : i32
        %dma_wait3A_833 = tpu.memref_slice %arg3[%dma_wait3A_820, %dma_wait3A_832] : memref<2x320000xi32, #tpu.memory_space<hbm>> -> memref<1x128xi32, #tpu.memory_space<hbm>>
        %dma_wait3A_834 = tpu.memref_squeeze %dma_wait3A_833 : memref<1x128xi32, #tpu.memory_space<hbm>> -> memref<128xi32, #tpu.memory_space<hbm>>
        tpu.wait_dma2 semaphore(%arg9 : memref<!tpu.dma_semaphore, #tpu.memory_space<semaphore_mem>>) src(%dma_wait3A_834 : memref<128xi32, #tpu.memory_space<hbm>>) dst(%dma_wait3A_831 : memref<128xi32, #tpu.memory_space<vmem>>)
        %dma_wait3A_835 = arith.constant 0 : i32
        %dma_wait3A_836 = arith.constant 0 : i32
        %dma_wait3A_837 = arith.constant 0 : i32
        %dma_wait3A_838 = arith.constant 0 : i32
        %dma_wait3A_839 = tpu.memref_slice %arg5[%dma_wait3A_836, %dma_wait3A_837, %dma_wait3A_838] : memref<2x6x128xi32, #tpu.memory_space<vmem>> -> memref<1x1x128xi32, #tpu.memory_space<vmem>>
        %dma_wait3A_840 = tpu.memref_squeeze %dma_wait3A_839 : memref<1x1x128xi32, #tpu.memory_space<vmem>> -> memref<128xi32, #tpu.memory_space<vmem>>
        %dma_wait3A_841 = arith.constant 0 : i32
        %dma_wait3A_842 = tpu.memref_slice %arg3[%dma_wait3A_835, %dma_wait3A_841] : memref<2x320000xi32, #tpu.memory_space<hbm>> -> memref<1x128xi32, #tpu.memory_space<hbm>>
        %dma_wait3A_843 = tpu.memref_squeeze %dma_wait3A_842 : memref<1x128xi32, #tpu.memory_space<hbm>> -> memref<128xi32, #tpu.memory_space<hbm>>
        %dma_wait3A_844 = arith.constant 0 : i32
        %dma_wait3A_845 = tpu.memref_slice %arg5[%dma_wait3A_836, %dma_wait3A_837, %dma_wait3A_844] : memref<2x6x128xi32, #tpu.memory_space<vmem>> -> memref<1x1x128xi32, #tpu.memory_space<vmem>>
        %dma_wait3A_846 = tpu.memref_squeeze %dma_wait3A_845 : memref<1x1x128xi32, #tpu.memory_space<vmem>> -> memref<128xi32, #tpu.memory_space<vmem>>
        %dma_wait3A_847 = arith.constant 0 : i32
        %dma_wait3A_848 = tpu.memref_slice %arg3[%dma_wait3A_835, %dma_wait3A_847] : memref<2x320000xi32, #tpu.memory_space<hbm>> -> memref<1x128xi32, #tpu.memory_space<hbm>>
        %dma_wait3A_849 = tpu.memref_squeeze %dma_wait3A_848 : memref<1x128xi32, #tpu.memory_space<hbm>> -> memref<128xi32, #tpu.memory_space<hbm>>
        tpu.wait_dma2 semaphore(%arg9 : memref<!tpu.dma_semaphore, #tpu.memory_space<semaphore_mem>>) src(%dma_wait3A_849 : memref<128xi32, #tpu.memory_space<hbm>>) dst(%dma_wait3A_846 : memref<128xi32, #tpu.memory_space<vmem>>)
        %dma_wait3A_850 = arith.constant 0 : i32
        %dma_wait3A_851 = arith.constant 0 : i32
        %dma_wait3A_852 = arith.constant 0 : i32
        %dma_wait3A_853 = arith.constant 0 : i32
        %dma_wait3A_854 = tpu.memref_slice %arg5[%dma_wait3A_851, %dma_wait3A_852, %dma_wait3A_853] : memref<2x6x128xi32, #tpu.memory_space<vmem>> -> memref<1x1x128xi32, #tpu.memory_space<vmem>>
        %dma_wait3A_855 = tpu.memref_squeeze %dma_wait3A_854 : memref<1x1x128xi32, #tpu.memory_space<vmem>> -> memref<128xi32, #tpu.memory_space<vmem>>
        %dma_wait3A_856 = arith.constant 0 : i32
        %dma_wait3A_857 = tpu.memref_slice %arg3[%dma_wait3A_850, %dma_wait3A_856] : memref<2x320000xi32, #tpu.memory_space<hbm>> -> memref<1x128xi32, #tpu.memory_space<hbm>>
        %dma_wait3A_858 = tpu.memref_squeeze %dma_wait3A_857 : memref<1x128xi32, #tpu.memory_space<hbm>> -> memref<128xi32, #tpu.memory_space<hbm>>
        %dma_wait3A_859 = arith.constant 0 : i32
        %dma_wait3A_860 = tpu.memref_slice %arg5[%dma_wait3A_851, %dma_wait3A_852, %dma_wait3A_859] : memref<2x6x128xi32, #tpu.memory_space<vmem>> -> memref<1x1x128xi32, #tpu.memory_space<vmem>>
        %dma_wait3A_861 = tpu.memref_squeeze %dma_wait3A_860 : memref<1x1x128xi32, #tpu.memory_space<vmem>> -> memref<128xi32, #tpu.memory_space<vmem>>
        %dma_wait3A_862 = arith.constant 0 : i32
        %dma_wait3A_863 = tpu.memref_slice %arg3[%dma_wait3A_850, %dma_wait3A_862] : memref<2x320000xi32, #tpu.memory_space<hbm>> -> memref<1x128xi32, #tpu.memory_space<hbm>>
        %dma_wait3A_864 = tpu.memref_squeeze %dma_wait3A_863 : memref<1x128xi32, #tpu.memory_space<hbm>> -> memref<128xi32, #tpu.memory_space<hbm>>
        tpu.wait_dma2 semaphore(%arg9 : memref<!tpu.dma_semaphore, #tpu.memory_space<semaphore_mem>>) src(%dma_wait3A_864 : memref<128xi32, #tpu.memory_space<hbm>>) dst(%dma_wait3A_861 : memref<128xi32, #tpu.memory_space<vmem>>)
        %dma_wait3A_865 = arith.constant 0 : i32
        %dma_wait3A_866 = arith.constant 0 : i32
        %dma_wait3A_867 = arith.constant 0 : i32
        %dma_wait3A_868 = arith.constant 0 : i32
        %dma_wait3A_869 = tpu.memref_slice %arg5[%dma_wait3A_866, %dma_wait3A_867, %dma_wait3A_868] : memref<2x6x128xi32, #tpu.memory_space<vmem>> -> memref<1x1x128xi32, #tpu.memory_space<vmem>>
        %dma_wait3A_870 = tpu.memref_squeeze %dma_wait3A_869 : memref<1x1x128xi32, #tpu.memory_space<vmem>> -> memref<128xi32, #tpu.memory_space<vmem>>
        %dma_wait3A_871 = arith.constant 0 : i32
        %dma_wait3A_872 = tpu.memref_slice %arg3[%dma_wait3A_865, %dma_wait3A_871] : memref<2x320000xi32, #tpu.memory_space<hbm>> -> memref<1x128xi32, #tpu.memory_space<hbm>>
        %dma_wait3A_873 = tpu.memref_squeeze %dma_wait3A_872 : memref<1x128xi32, #tpu.memory_space<hbm>> -> memref<128xi32, #tpu.memory_space<hbm>>
        %dma_wait3A_874 = arith.constant 0 : i32
        %dma_wait3A_875 = tpu.memref_slice %arg5[%dma_wait3A_866, %dma_wait3A_867, %dma_wait3A_874] : memref<2x6x128xi32, #tpu.memory_space<vmem>> -> memref<1x1x128xi32, #tpu.memory_space<vmem>>
        %dma_wait3A_876 = tpu.memref_squeeze %dma_wait3A_875 : memref<1x1x128xi32, #tpu.memory_space<vmem>> -> memref<128xi32, #tpu.memory_space<vmem>>
        %dma_wait3A_877 = arith.constant 0 : i32
        %dma_wait3A_878 = tpu.memref_slice %arg3[%dma_wait3A_865, %dma_wait3A_877] : memref<2x320000xi32, #tpu.memory_space<hbm>> -> memref<1x128xi32, #tpu.memory_space<hbm>>
        %dma_wait3A_879 = tpu.memref_squeeze %dma_wait3A_878 : memref<1x128xi32, #tpu.memory_space<hbm>> -> memref<128xi32, #tpu.memory_space<hbm>>
        tpu.wait_dma2 semaphore(%arg9 : memref<!tpu.dma_semaphore, #tpu.memory_space<semaphore_mem>>) src(%dma_wait3A_879 : memref<128xi32, #tpu.memory_space<hbm>>) dst(%dma_wait3A_876 : memref<128xi32, #tpu.memory_space<vmem>>)
        %dma_wait3A_880 = arith.constant 0 : i32
        %dma_wait3A_881 = arith.constant 0 : i32
        %dma_wait3A_882 = arith.constant 0 : i32
        %dma_wait3A_883 = arith.constant 0 : i32
        %dma_wait3A_884 = tpu.memref_slice %arg5[%dma_wait3A_881, %dma_wait3A_882, %dma_wait3A_883] : memref<2x6x128xi32, #tpu.memory_space<vmem>> -> memref<1x1x128xi32, #tpu.memory_space<vmem>>
        %dma_wait3A_885 = tpu.memref_squeeze %dma_wait3A_884 : memref<1x1x128xi32, #tpu.memory_space<vmem>> -> memref<128xi32, #tpu.memory_space<vmem>>
        %dma_wait3A_886 = arith.constant 0 : i32
        %dma_wait3A_887 = tpu.memref_slice %arg3[%dma_wait3A_880, %dma_wait3A_886] : memref<2x320000xi32, #tpu.memory_space<hbm>> -> memref<1x128xi32, #tpu.memory_space<hbm>>
        %dma_wait3A_888 = tpu.memref_squeeze %dma_wait3A_887 : memref<1x128xi32, #tpu.memory_space<hbm>> -> memref<128xi32, #tpu.memory_space<hbm>>
        %dma_wait3A_889 = arith.constant 0 : i32
        %dma_wait3A_890 = tpu.memref_slice %arg5[%dma_wait3A_881, %dma_wait3A_882, %dma_wait3A_889] : memref<2x6x128xi32, #tpu.memory_space<vmem>> -> memref<1x1x128xi32, #tpu.memory_space<vmem>>
        %dma_wait3A_891 = tpu.memref_squeeze %dma_wait3A_890 : memref<1x1x128xi32, #tpu.memory_space<vmem>> -> memref<128xi32, #tpu.memory_space<vmem>>
        %dma_wait3A_892 = arith.constant 0 : i32
        %dma_wait3A_893 = tpu.memref_slice %arg3[%dma_wait3A_880, %dma_wait3A_892] : memref<2x320000xi32, #tpu.memory_space<hbm>> -> memref<1x128xi32, #tpu.memory_space<hbm>>
        %dma_wait3A_894 = tpu.memref_squeeze %dma_wait3A_893 : memref<1x128xi32, #tpu.memory_space<hbm>> -> memref<128xi32, #tpu.memory_space<hbm>>
        tpu.wait_dma2 semaphore(%arg9 : memref<!tpu.dma_semaphore, #tpu.memory_space<semaphore_mem>>) src(%dma_wait3A_894 : memref<128xi32, #tpu.memory_space<hbm>>) dst(%dma_wait3A_891 : memref<128xi32, #tpu.memory_space<vmem>>)
        %dma_wait3A_895 = arith.constant 0 : i32
        %dma_wait3A_896 = arith.constant 0 : i32
        %dma_wait3A_897 = arith.constant 0 : i32
        %dma_wait3A_898 = arith.constant 0 : i32
        %dma_wait3A_899 = tpu.memref_slice %arg5[%dma_wait3A_896, %dma_wait3A_897, %dma_wait3A_898] : memref<2x6x128xi32, #tpu.memory_space<vmem>> -> memref<1x1x128xi32, #tpu.memory_space<vmem>>
        %dma_wait3A_900 = tpu.memref_squeeze %dma_wait3A_899 : memref<1x1x128xi32, #tpu.memory_space<vmem>> -> memref<128xi32, #tpu.memory_space<vmem>>
        %dma_wait3A_901 = arith.constant 0 : i32
        %dma_wait3A_902 = tpu.memref_slice %arg3[%dma_wait3A_895, %dma_wait3A_901] : memref<2x320000xi32, #tpu.memory_space<hbm>> -> memref<1x128xi32, #tpu.memory_space<hbm>>
        %dma_wait3A_903 = tpu.memref_squeeze %dma_wait3A_902 : memref<1x128xi32, #tpu.memory_space<hbm>> -> memref<128xi32, #tpu.memory_space<hbm>>
        %dma_wait3A_904 = arith.constant 0 : i32
        %dma_wait3A_905 = tpu.memref_slice %arg5[%dma_wait3A_896, %dma_wait3A_897, %dma_wait3A_904] : memref<2x6x128xi32, #tpu.memory_space<vmem>> -> memref<1x1x128xi32, #tpu.memory_space<vmem>>
        %dma_wait3A_906 = tpu.memref_squeeze %dma_wait3A_905 : memref<1x1x128xi32, #tpu.memory_space<vmem>> -> memref<128xi32, #tpu.memory_space<vmem>>
        %dma_wait3A_907 = arith.constant 0 : i32
        %dma_wait3A_908 = tpu.memref_slice %arg3[%dma_wait3A_895, %dma_wait3A_907] : memref<2x320000xi32, #tpu.memory_space<hbm>> -> memref<1x128xi32, #tpu.memory_space<hbm>>
        %dma_wait3A_909 = tpu.memref_squeeze %dma_wait3A_908 : memref<1x128xi32, #tpu.memory_space<hbm>> -> memref<128xi32, #tpu.memory_space<hbm>>
        tpu.wait_dma2 semaphore(%arg9 : memref<!tpu.dma_semaphore, #tpu.memory_space<semaphore_mem>>) src(%dma_wait3A_909 : memref<128xi32, #tpu.memory_space<hbm>>) dst(%dma_wait3A_906 : memref<128xi32, #tpu.memory_space<vmem>>)
        %dma_wait3A_910 = arith.constant 0 : i32
        %dma_wait3A_911 = arith.constant 0 : i32
        %dma_wait3A_912 = arith.constant 0 : i32
        %dma_wait3A_913 = arith.constant 0 : i32
        %dma_wait3A_914 = tpu.memref_slice %arg5[%dma_wait3A_911, %dma_wait3A_912, %dma_wait3A_913] : memref<2x6x128xi32, #tpu.memory_space<vmem>> -> memref<1x1x128xi32, #tpu.memory_space<vmem>>
        %dma_wait3A_915 = tpu.memref_squeeze %dma_wait3A_914 : memref<1x1x128xi32, #tpu.memory_space<vmem>> -> memref<128xi32, #tpu.memory_space<vmem>>
        %dma_wait3A_916 = arith.constant 0 : i32
        %dma_wait3A_917 = tpu.memref_slice %arg3[%dma_wait3A_910, %dma_wait3A_916] : memref<2x320000xi32, #tpu.memory_space<hbm>> -> memref<1x128xi32, #tpu.memory_space<hbm>>
        %dma_wait3A_918 = tpu.memref_squeeze %dma_wait3A_917 : memref<1x128xi32, #tpu.memory_space<hbm>> -> memref<128xi32, #tpu.memory_space<hbm>>
        %dma_wait3A_919 = arith.constant 0 : i32
        %dma_wait3A_920 = tpu.memref_slice %arg5[%dma_wait3A_911, %dma_wait3A_912, %dma_wait3A_919] : memref<2x6x128xi32, #tpu.memory_space<vmem>> -> memref<1x1x128xi32, #tpu.memory_space<vmem>>
        %dma_wait3A_921 = tpu.memref_squeeze %dma_wait3A_920 : memref<1x1x128xi32, #tpu.memory_space<vmem>> -> memref<128xi32, #tpu.memory_space<vmem>>
        %dma_wait3A_922 = arith.constant 0 : i32
        %dma_wait3A_923 = tpu.memref_slice %arg3[%dma_wait3A_910, %dma_wait3A_922] : memref<2x320000xi32, #tpu.memory_space<hbm>> -> memref<1x128xi32, #tpu.memory_space<hbm>>
        %dma_wait3A_924 = tpu.memref_squeeze %dma_wait3A_923 : memref<1x128xi32, #tpu.memory_space<hbm>> -> memref<128xi32, #tpu.memory_space<hbm>>
        tpu.wait_dma2 semaphore(%arg9 : memref<!tpu.dma_semaphore, #tpu.memory_space<semaphore_mem>>) src(%dma_wait3A_924 : memref<128xi32, #tpu.memory_space<hbm>>) dst(%dma_wait3A_921 : memref<128xi32, #tpu.memory_space<vmem>>)
        %dma_wait3A_925 = arith.constant 0 : i32
        %dma_wait3A_926 = arith.constant 0 : i32
        %dma_wait3A_927 = arith.constant 0 : i32
        %dma_wait3A_928 = arith.constant 0 : i32
        %dma_wait3A_929 = tpu.memref_slice %arg5[%dma_wait3A_926, %dma_wait3A_927, %dma_wait3A_928] : memref<2x6x128xi32, #tpu.memory_space<vmem>> -> memref<1x1x128xi32, #tpu.memory_space<vmem>>
        %dma_wait3A_930 = tpu.memref_squeeze %dma_wait3A_929 : memref<1x1x128xi32, #tpu.memory_space<vmem>> -> memref<128xi32, #tpu.memory_space<vmem>>
        %dma_wait3A_931 = arith.constant 0 : i32
        %dma_wait3A_932 = tpu.memref_slice %arg3[%dma_wait3A_925, %dma_wait3A_931] : memref<2x320000xi32, #tpu.memory_space<hbm>> -> memref<1x128xi32, #tpu.memory_space<hbm>>
        %dma_wait3A_933 = tpu.memref_squeeze %dma_wait3A_932 : memref<1x128xi32, #tpu.memory_space<hbm>> -> memref<128xi32, #tpu.memory_space<hbm>>
        %dma_wait3A_934 = arith.constant 0 : i32
        %dma_wait3A_935 = tpu.memref_slice %arg5[%dma_wait3A_926, %dma_wait3A_927, %dma_wait3A_934] : memref<2x6x128xi32, #tpu.memory_space<vmem>> -> memref<1x1x128xi32, #tpu.memory_space<vmem>>
        %dma_wait3A_936 = tpu.memref_squeeze %dma_wait3A_935 : memref<1x1x128xi32, #tpu.memory_space<vmem>> -> memref<128xi32, #tpu.memory_space<vmem>>
        %dma_wait3A_937 = arith.constant 0 : i32
        %dma_wait3A_938 = tpu.memref_slice %arg3[%dma_wait3A_925, %dma_wait3A_937] : memref<2x320000xi32, #tpu.memory_space<hbm>> -> memref<1x128xi32, #tpu.memory_space<hbm>>
        %dma_wait3A_939 = tpu.memref_squeeze %dma_wait3A_938 : memref<1x128xi32, #tpu.memory_space<hbm>> -> memref<128xi32, #tpu.memory_space<hbm>>
        tpu.wait_dma2 semaphore(%arg9 : memref<!tpu.dma_semaphore, #tpu.memory_space<semaphore_mem>>) src(%dma_wait3A_939 : memref<128xi32, #tpu.memory_space<hbm>>) dst(%dma_wait3A_936 : memref<128xi32, #tpu.memory_space<vmem>>)
        %dma_wait3A_940 = arith.constant 0 : i32
        %dma_wait3A_941 = arith.constant 0 : i32
        %dma_wait3A_942 = arith.constant 0 : i32
        %dma_wait3A_943 = arith.constant 0 : i32
        %dma_wait3A_944 = tpu.memref_slice %arg5[%dma_wait3A_941, %dma_wait3A_942, %dma_wait3A_943] : memref<2x6x128xi32, #tpu.memory_space<vmem>> -> memref<1x1x128xi32, #tpu.memory_space<vmem>>
        %dma_wait3A_945 = tpu.memref_squeeze %dma_wait3A_944 : memref<1x1x128xi32, #tpu.memory_space<vmem>> -> memref<128xi32, #tpu.memory_space<vmem>>
        %dma_wait3A_946 = arith.constant 0 : i32
        %dma_wait3A_947 = tpu.memref_slice %arg3[%dma_wait3A_940, %dma_wait3A_946] : memref<2x320000xi32, #tpu.memory_space<hbm>> -> memref<1x128xi32, #tpu.memory_space<hbm>>
        %dma_wait3A_948 = tpu.memref_squeeze %dma_wait3A_947 : memref<1x128xi32, #tpu.memory_space<hbm>> -> memref<128xi32, #tpu.memory_space<hbm>>
        %dma_wait3A_949 = arith.constant 0 : i32
        %dma_wait3A_950 = tpu.memref_slice %arg5[%dma_wait3A_941, %dma_wait3A_942, %dma_wait3A_949] : memref<2x6x128xi32, #tpu.memory_space<vmem>> -> memref<1x1x128xi32, #tpu.memory_space<vmem>>
        %dma_wait3A_951 = tpu.memref_squeeze %dma_wait3A_950 : memref<1x1x128xi32, #tpu.memory_space<vmem>> -> memref<128xi32, #tpu.memory_space<vmem>>
        %dma_wait3A_952 = arith.constant 0 : i32
        %dma_wait3A_953 = tpu.memref_slice %arg3[%dma_wait3A_940, %dma_wait3A_952] : memref<2x320000xi32, #tpu.memory_space<hbm>> -> memref<1x128xi32, #tpu.memory_space<hbm>>
        %dma_wait3A_954 = tpu.memref_squeeze %dma_wait3A_953 : memref<1x128xi32, #tpu.memory_space<hbm>> -> memref<128xi32, #tpu.memory_space<hbm>>
        tpu.wait_dma2 semaphore(%arg9 : memref<!tpu.dma_semaphore, #tpu.memory_space<semaphore_mem>>) src(%dma_wait3A_954 : memref<128xi32, #tpu.memory_space<hbm>>) dst(%dma_wait3A_951 : memref<128xi32, #tpu.memory_space<vmem>>)
        %dma_wait3A_955 = arith.constant 0 : i32
        %dma_wait3A_956 = arith.constant 0 : i32
        %dma_wait3A_957 = arith.constant 0 : i32
        %dma_wait3A_958 = arith.constant 0 : i32
        %dma_wait3A_959 = tpu.memref_slice %arg5[%dma_wait3A_956, %dma_wait3A_957, %dma_wait3A_958] : memref<2x6x128xi32, #tpu.memory_space<vmem>> -> memref<1x1x128xi32, #tpu.memory_space<vmem>>
        %dma_wait3A_960 = tpu.memref_squeeze %dma_wait3A_959 : memref<1x1x128xi32, #tpu.memory_space<vmem>> -> memref<128xi32, #tpu.memory_space<vmem>>
        %dma_wait3A_961 = arith.constant 0 : i32
        %dma_wait3A_962 = tpu.memref_slice %arg3[%dma_wait3A_955, %dma_wait3A_961] : memref<2x320000xi32, #tpu.memory_space<hbm>> -> memref<1x128xi32, #tpu.memory_space<hbm>>
        %dma_wait3A_963 = tpu.memref_squeeze %dma_wait3A_962 : memref<1x128xi32, #tpu.memory_space<hbm>> -> memref<128xi32, #tpu.memory_space<hbm>>
        %dma_wait3A_964 = arith.constant 0 : i32
        %dma_wait3A_965 = tpu.memref_slice %arg5[%dma_wait3A_956, %dma_wait3A_957, %dma_wait3A_964] : memref<2x6x128xi32, #tpu.memory_space<vmem>> -> memref<1x1x128xi32, #tpu.memory_space<vmem>>
        %dma_wait3A_966 = tpu.memref_squeeze %dma_wait3A_965 : memref<1x1x128xi32, #tpu.memory_space<vmem>> -> memref<128xi32, #tpu.memory_space<vmem>>
        %dma_wait3A_967 = arith.constant 0 : i32
        %dma_wait3A_968 = tpu.memref_slice %arg3[%dma_wait3A_955, %dma_wait3A_967] : memref<2x320000xi32, #tpu.memory_space<hbm>> -> memref<1x128xi32, #tpu.memory_space<hbm>>
        %dma_wait3A_969 = tpu.memref_squeeze %dma_wait3A_968 : memref<1x128xi32, #tpu.memory_space<hbm>> -> memref<128xi32, #tpu.memory_space<hbm>>
        tpu.wait_dma2 semaphore(%arg9 : memref<!tpu.dma_semaphore, #tpu.memory_space<semaphore_mem>>) src(%dma_wait3A_969 : memref<128xi32, #tpu.memory_space<hbm>>) dst(%dma_wait3A_966 : memref<128xi32, #tpu.memory_space<vmem>>)
        %dma_start3A_970 = arith.constant 0 : i32
        %dma_start3A_971 = arith.constant 0 : i32
        %dma_start3A_972 = arith.constant 0 : i32
        %dma_start3A_973 = arith.constant 0 : i32
        %dma_start3A_974 = tpu.memref_slice %arg7[%dma_start3A_971, %dma_start3A_972, %dma_start3A_973] : memref<2x128x128xf32, #tpu.memory_space<vmem>> -> memref<1x128x128xf32, #tpu.memory_space<vmem>>
        %dma_start3A_975 = tpu.memref_squeeze %dma_start3A_974 : memref<1x128x128xf32, #tpu.memory_space<vmem>> -> memref<128x128xf32, #tpu.memory_space<vmem>>
        %dma_start3A_976 = arith.constant 0 : i32
        %dma_start3A_977 = tpu.memref_slice %arg5[%rem3A_501, %dma_start3A_970, %dma_start3A_976] : memref<2x6x128xi32, #tpu.memory_space<vmem>> -> memref<1x1x128xi32, #tpu.memory_space<vmem>>
        %dma_start3A_978 = tpu.memref_squeeze %dma_start3A_977 : memref<1x1x128xi32, #tpu.memory_space<vmem>> -> memref<128xi32, #tpu.memory_space<vmem>>
        %dma_start3A_979 = arith.constant 0 : i32
        %dma_start3A_980 = arith.constant 0 : i32
        %dma_start3A_981 = tpu.memref_slice %arg2[%dma_start3A_979, %dma_start3A_980] : memref<10000x128xf32, #tpu.memory_space<hbm>> -> memref<10000x128xf32, #tpu.memory_space<hbm>>
        tpu.enqueue_indirect_dma source(%dma_start3A_981 : memref<10000x128xf32, #tpu.memory_space<hbm>>) target(%dma_start3A_975 : memref<128x128xf32, #tpu.memory_space<vmem>>) offsets(%dma_start3A_978 : memref<128xi32, #tpu.memory_space<vmem>>) semaphore(%arg10 : memref<!tpu.dma_semaphore, #tpu.memory_space<semaphore_mem>>)
      } else {
      }
      %scan3A_789 = arith.constant 0 : i32
      scf.yield %scan3A_789 : i32
    }
    %scan3A_474 = arith.constant 13 : i32
    %dma_wait3A_475 = arith.constant 1 : i32
    %dma_wait3A_476 = arith.constant 0 : i32
    %dma_wait3A_477 = arith.constant 0 : i32
    %dma_wait3A_478 = arith.constant 0 : i32
    %dma_wait3A_479 = arith.constant 0 : i32
    %dma_wait3A_480 = tpu.memref_slice %arg7[%dma_wait3A_475, %dma_wait3A_478, %dma_wait3A_479] : memref<2x128x128xf32, #tpu.memory_space<vmem>> -> memref<1x128x128xf32, #tpu.memory_space<vmem>>
    %dma_wait3A_481 = tpu.memref_squeeze %dma_wait3A_480 : memref<1x128x128xf32, #tpu.memory_space<vmem>> -> memref<128x128xf32, #tpu.memory_space<vmem>>
    %dma_wait3A_482 = arith.constant 0 : i32
    %dma_wait3A_483 = tpu.memref_slice %arg6[%dma_wait3A_476, %dma_wait3A_477, %dma_wait3A_482] : memref<2x6x128xi32, #tpu.memory_space<vmem>> -> memref<1x1x128xi32, #tpu.memory_space<vmem>>
    %dma_wait3A_484 = tpu.memref_squeeze %dma_wait3A_483 : memref<1x1x128xi32, #tpu.memory_space<vmem>> -> memref<128xi32, #tpu.memory_space<vmem>>
    %dma_wait3A_485 = arith.constant 0 : i32
    %dma_wait3A_486 = arith.constant 0 : i32
    %dma_wait3A_487 = tpu.memref_slice %arg8[%dma_wait3A_485, %dma_wait3A_486] : memref<10240x128xf32, #tpu.memory_space<vmem_shared>> -> memref<10240x128xf32, #tpu.memory_space<vmem_shared>>
    tpu.wait_indirect_dma semaphore(%arg13 : memref<!tpu.dma_semaphore, #tpu.memory_space<semaphore_mem>>) src(%dma_wait3A_481 : memref<128x128xf32, #tpu.memory_space<vmem>>) dst(%dma_wait3A_487 : memref<10240x128xf32, #tpu.memory_space<vmem_shared>>)
    %lt3A = arith.constant 4 : i32
    %lt3A_488 = arith.cmpi slt, %add3A, %lt3A : i32
    %convert_element_type3A = arith.extui %lt3A_488 : i1 to i32
    %cond3A = arith.constant 0 : i32
    %cond3A_489 = arith.cmpi ne, %convert_element_type3A, %cond3A : i32
    scf.if %cond3A_489 {
      %add3A_495 = arith.constant 2496 : i32
      %add3A_496 = arith.addi %add3A_495, %add3A : i32
      %mul3A_497 = arith.constant 128 : i32
      %mul3A_498 = arith.muli %add3A_496, %mul3A_497 : i32
      %multiple_of3A_499 = tpu.assume_multiple %mul3A_498, 128 : i32
      %dma_start3A_500 = arith.constant 0 : i32
      %dma_start3A_501 = arith.constant 0 : i32
      %dma_start3A_502 = arith.constant 0 : i32
      %dma_start3A_503 = arith.constant 0 : i32
      %dma_start3A_504 = tpu.memref_slice %arg5[%dma_start3A_501, %dma_start3A_502, %dma_start3A_503] : memref<2x6x128xi32, #tpu.memory_space<vmem>> -> memref<1x1x128xi32, #tpu.memory_space<vmem>>
      %dma_start3A_505 = tpu.memref_squeeze %dma_start3A_504 : memref<1x1x128xi32, #tpu.memory_space<vmem>> -> memref<128xi32, #tpu.memory_space<vmem>>
      %dma_start3A_506 = tpu.memref_slice %arg3[%dma_start3A_500, %multiple_of3A_499] : memref<2x320000xi32, #tpu.memory_space<hbm>> -> memref<1x128xi32, #tpu.memory_space<hbm>>
      %dma_start3A_507 = tpu.memref_squeeze %dma_start3A_506 : memref<1x128xi32, #tpu.memory_space<hbm>> -> memref<128xi32, #tpu.memory_space<hbm>>
      %dma_start3A_508 = arith.constant 0 : i32
      %dma_start3A_509 = tpu.memref_slice %arg5[%dma_start3A_501, %dma_start3A_502, %dma_start3A_508] : memref<2x6x128xi32, #tpu.memory_space<vmem>> -> memref<1x1x128xi32, #tpu.memory_space<vmem>>
      %dma_start3A_510 = tpu.memref_squeeze %dma_start3A_509 : memref<1x1x128xi32, #tpu.memory_space<vmem>> -> memref<128xi32, #tpu.memory_space<vmem>>
      %dma_start3A_511 = tpu.memref_slice %arg3[%dma_start3A_500, %multiple_of3A_499] : memref<2x320000xi32, #tpu.memory_space<hbm>> -> memref<1x128xi32, #tpu.memory_space<hbm>>
      %dma_start3A_512 = tpu.memref_squeeze %dma_start3A_511 : memref<1x128xi32, #tpu.memory_space<hbm>> -> memref<128xi32, #tpu.memory_space<hbm>>
      tpu.enqueue_dma source(%dma_start3A_512 : memref<128xi32, #tpu.memory_space<hbm>>) target(%dma_start3A_510 : memref<128xi32, #tpu.memory_space<vmem>>) target_semaphore(%arg9 : memref<!tpu.dma_semaphore, #tpu.memory_space<semaphore_mem>>)
      %add3A_513 = arith.constant 2496 : i32
      %add3A_514 = arith.addi %add3A_513, %add3A : i32
      %mul3A_515 = arith.constant 128 : i32
      %mul3A_516 = arith.muli %add3A_514, %mul3A_515 : i32
      %multiple_of3A_517 = tpu.assume_multiple %mul3A_516, 128 : i32
      %dma_start3A_518 = arith.constant 1 : i32
      %dma_start3A_519 = arith.constant 0 : i32
      %dma_start3A_520 = arith.constant 0 : i32
      %dma_start3A_521 = arith.constant 0 : i32
      %dma_start3A_522 = tpu.memref_slice %arg6[%dma_start3A_519, %dma_start3A_520, %dma_start3A_521] : memref<2x6x128xi32, #tpu.memory_space<vmem>> -> memref<1x1x128xi32, #tpu.memory_space<vmem>>
      %dma_start3A_523 = tpu.memref_squeeze %dma_start3A_522 : memref<1x1x128xi32, #tpu.memory_space<vmem>> -> memref<128xi32, #tpu.memory_space<vmem>>
      %dma_start3A_524 = tpu.memref_slice %arg3[%dma_start3A_518, %multiple_of3A_517] : memref<2x320000xi32, #tpu.memory_space<hbm>> -> memref<1x128xi32, #tpu.memory_space<hbm>>
      %dma_start3A_525 = tpu.memref_squeeze %dma_start3A_524 : memref<1x128xi32, #tpu.memory_space<hbm>> -> memref<128xi32, #tpu.memory_space<hbm>>
      %dma_start3A_526 = arith.constant 0 : i32
      %dma_start3A_527 = tpu.memref_slice %arg6[%dma_start3A_519, %dma_start3A_520, %dma_start3A_526] : memref<2x6x128xi32, #tpu.memory_space<vmem>> -> memref<1x1x128xi32, #tpu.memory_space<vmem>>
      %dma_start3A_528 = tpu.memref_squeeze %dma_start3A_527 : memref<1x1x128xi32, #tpu.memory_space<vmem>> -> memref<128xi32, #tpu.memory_space<vmem>>
      %dma_start3A_529 = tpu.memref_slice %arg3[%dma_start3A_518, %multiple_of3A_517] : memref<2x320000xi32, #tpu.memory_space<hbm>> -> memref<1x128xi32, #tpu.memory_space<hbm>>
      %dma_start3A_530 = tpu.memref_squeeze %dma_start3A_529 : memref<1x128xi32, #tpu.memory_space<hbm>> -> memref<128xi32, #tpu.memory_space<hbm>>
      tpu.enqueue_dma source(%dma_start3A_530 : memref<128xi32, #tpu.memory_space<hbm>>) target(%dma_start3A_528 : memref<128xi32, #tpu.memory_space<vmem>>) target_semaphore(%arg9 : memref<!tpu.dma_semaphore, #tpu.memory_space<semaphore_mem>>)
      %dma_wait3A_531 = arith.constant 0 : i32
      %dma_wait3A_532 = arith.constant 0 : i32
      %dma_wait3A_533 = arith.constant 0 : i32
      %dma_wait3A_534 = arith.constant 0 : i32
      %dma_wait3A_535 = tpu.memref_slice %arg5[%dma_wait3A_532, %dma_wait3A_533, %dma_wait3A_534] : memref<2x6x128xi32, #tpu.memory_space<vmem>> -> memref<1x1x128xi32, #tpu.memory_space<vmem>>
      %dma_wait3A_536 = tpu.memref_squeeze %dma_wait3A_535 : memref<1x1x128xi32, #tpu.memory_space<vmem>> -> memref<128xi32, #tpu.memory_space<vmem>>
      %dma_wait3A_537 = arith.constant 0 : i32
      %dma_wait3A_538 = tpu.memref_slice %arg3[%dma_wait3A_531, %dma_wait3A_537] : memref<2x320000xi32, #tpu.memory_space<hbm>> -> memref<1x128xi32, #tpu.memory_space<hbm>>
      %dma_wait3A_539 = tpu.memref_squeeze %dma_wait3A_538 : memref<1x128xi32, #tpu.memory_space<hbm>> -> memref<128xi32, #tpu.memory_space<hbm>>
      %dma_wait3A_540 = arith.constant 0 : i32
      %dma_wait3A_541 = tpu.memref_slice %arg5[%dma_wait3A_532, %dma_wait3A_533, %dma_wait3A_540] : memref<2x6x128xi32, #tpu.memory_space<vmem>> -> memref<1x1x128xi32, #tpu.memory_space<vmem>>
      %dma_wait3A_542 = tpu.memref_squeeze %dma_wait3A_541 : memref<1x1x128xi32, #tpu.memory_space<vmem>> -> memref<128xi32, #tpu.memory_space<vmem>>
      %dma_wait3A_543 = arith.constant 0 : i32
      %dma_wait3A_544 = tpu.memref_slice %arg3[%dma_wait3A_531, %dma_wait3A_543] : memref<2x320000xi32, #tpu.memory_space<hbm>> -> memref<1x128xi32, #tpu.memory_space<hbm>>
      %dma_wait3A_545 = tpu.memref_squeeze %dma_wait3A_544 : memref<1x128xi32, #tpu.memory_space<hbm>> -> memref<128xi32, #tpu.memory_space<hbm>>
      tpu.wait_dma2 semaphore(%arg9 : memref<!tpu.dma_semaphore, #tpu.memory_space<semaphore_mem>>) src(%dma_wait3A_545 : memref<128xi32, #tpu.memory_space<hbm>>) dst(%dma_wait3A_542 : memref<128xi32, #tpu.memory_space<vmem>>)
      %dma_wait3A_546 = arith.constant 0 : i32
      %dma_wait3A_547 = arith.constant 0 : i32
      %dma_wait3A_548 = arith.constant 0 : i32
      %dma_wait3A_549 = arith.constant 0 : i32
      %dma_wait3A_550 = tpu.memref_slice %arg5[%dma_wait3A_547, %dma_wait3A_548, %dma_wait3A_549] : memref<2x6x128xi32, #tpu.memory_space<vmem>> -> memref<1x1x128xi32, #tpu.memory_space<vmem>>
      %dma_wait3A_551 = tpu.memref_squeeze %dma_wait3A_550 : memref<1x1x128xi32, #tpu.memory_space<vmem>> -> memref<128xi32, #tpu.memory_space<vmem>>
      %dma_wait3A_552 = arith.constant 0 : i32
      %dma_wait3A_553 = tpu.memref_slice %arg3[%dma_wait3A_546, %dma_wait3A_552] : memref<2x320000xi32, #tpu.memory_space<hbm>> -> memref<1x128xi32, #tpu.memory_space<hbm>>
      %dma_wait3A_554 = tpu.memref_squeeze %dma_wait3A_553 : memref<1x128xi32, #tpu.memory_space<hbm>> -> memref<128xi32, #tpu.memory_space<hbm>>
      %dma_wait3A_555 = arith.constant 0 : i32
      %dma_wait3A_556 = tpu.memref_slice %arg5[%dma_wait3A_547, %dma_wait3A_548, %dma_wait3A_555] : memref<2x6x128xi32, #tpu.memory_space<vmem>> -> memref<1x1x128xi32, #tpu.memory_space<vmem>>
      %dma_wait3A_557 = tpu.memref_squeeze %dma_wait3A_556 : memref<1x1x128xi32, #tpu.memory_space<vmem>> -> memref<128xi32, #tpu.memory_space<vmem>>
      %dma_wait3A_558 = arith.constant 0 : i32
      %dma_wait3A_559 = tpu.memref_slice %arg3[%dma_wait3A_546, %dma_wait3A_558] : memref<2x320000xi32, #tpu.memory_space<hbm>> -> memref<1x128xi32, #tpu.memory_space<hbm>>
      %dma_wait3A_560 = tpu.memref_squeeze %dma_wait3A_559 : memref<1x128xi32, #tpu.memory_space<hbm>> -> memref<128xi32, #tpu.memory_space<hbm>>
      tpu.wait_dma2 semaphore(%arg9 : memref<!tpu.dma_semaphore, #tpu.memory_space<semaphore_mem>>) src(%dma_wait3A_560 : memref<128xi32, #tpu.memory_space<hbm>>) dst(%dma_wait3A_557 : memref<128xi32, #tpu.memory_space<vmem>>)
      %dma_start3A_561 = arith.constant 0 : i32
      %dma_start3A_562 = arith.constant 0 : i32
      %dma_start3A_563 = arith.constant 0 : i32
      %dma_start3A_564 = arith.constant 0 : i32
      %dma_start3A_565 = arith.constant 0 : i32
      %dma_start3A_566 = tpu.memref_slice %arg7[%dma_start3A_563, %dma_start3A_564, %dma_start3A_565] : memref<2x128x128xf32, #tpu.memory_space<vmem>> -> memref<1x128x128xf32, #tpu.memory_space<vmem>>
      %dma_start3A_567 = tpu.memref_squeeze %dma_start3A_566 : memref<1x128x128xf32, #tpu.memory_space<vmem>> -> memref<128x128xf32, #tpu.memory_space<vmem>>
      %dma_start3A_568 = arith.constant 0 : i32
      %dma_start3A_569 = tpu.memref_slice %arg5[%dma_start3A_561, %dma_start3A_562, %dma_start3A_568] : memref<2x6x128xi32, #tpu.memory_space<vmem>> -> memref<1x1x128xi32, #tpu.memory_space<vmem>>
      %dma_start3A_570 = tpu.memref_squeeze %dma_start3A_569 : memref<1x1x128xi32, #tpu.memory_space<vmem>> -> memref<128xi32, #tpu.memory_space<vmem>>
      %dma_start3A_571 = arith.constant 0 : i32
      %dma_start3A_572 = arith.constant 0 : i32
      %dma_start3A_573 = tpu.memref_slice %arg2[%dma_start3A_571, %dma_start3A_572] : memref<10000x128xf32, #tpu.memory_space<hbm>> -> memref<10000x128xf32, #tpu.memory_space<hbm>>
      tpu.enqueue_indirect_dma source(%dma_start3A_573 : memref<10000x128xf32, #tpu.memory_space<hbm>>) target(%dma_start3A_567 : memref<128x128xf32, #tpu.memory_space<vmem>>) offsets(%dma_start3A_570 : memref<128xi32, #tpu.memory_space<vmem>>) semaphore(%arg10 : memref<!tpu.dma_semaphore, #tpu.memory_space<semaphore_mem>>)
      %dma_wait3A_574 = arith.constant 0 : i32
      %dma_wait3A_575 = arith.constant 0 : i32
      %dma_wait3A_576 = arith.constant 0 : i32
      %dma_wait3A_577 = arith.constant 0 : i32
      %dma_wait3A_578 = arith.constant 0 : i32
      %dma_wait3A_579 = tpu.memref_slice %arg7[%dma_wait3A_576, %dma_wait3A_577, %dma_wait3A_578] : memref<2x128x128xf32, #tpu.memory_space<vmem>> -> memref<1x128x128xf32, #tpu.memory_space<vmem>>
      %dma_wait3A_580 = tpu.memref_squeeze %dma_wait3A_579 : memref<1x128x128xf32, #tpu.memory_space<vmem>> -> memref<128x128xf32, #tpu.memory_space<vmem>>
      %dma_wait3A_581 = arith.constant 0 : i32
      %dma_wait3A_582 = tpu.memref_slice %arg5[%dma_wait3A_574, %dma_wait3A_575, %dma_wait3A_581] : memref<2x6x128xi32, #tpu.memory_space<vmem>> -> memref<1x1x128xi32, #tpu.memory_space<vmem>>
      %dma_wait3A_583 = tpu.memref_squeeze %dma_wait3A_582 : memref<1x1x128xi32, #tpu.memory_space<vmem>> -> memref<128xi32, #tpu.memory_space<vmem>>
      %dma_wait3A_584 = arith.constant 0 : i32
      %dma_wait3A_585 = arith.constant 0 : i32
      %dma_wait3A_586 = tpu.memref_slice %arg2[%dma_wait3A_584, %dma_wait3A_585] : memref<10000x128xf32, #tpu.memory_space<hbm>> -> memref<10000x128xf32, #tpu.memory_space<hbm>>
      tpu.wait_indirect_dma semaphore(%arg10 : memref<!tpu.dma_semaphore, #tpu.memory_space<semaphore_mem>>) src(%dma_wait3A_586 : memref<10000x128xf32, #tpu.memory_space<hbm>>) dst(%dma_wait3A_580 : memref<128x128xf32, #tpu.memory_space<vmem>>)
      %run_scoped3A = arith.constant 0 : i32
      %run_scoped3A_587 = arith.constant 0 : i32
      %run_scoped3A_588 = arith.constant 0 : i32
      "tpu.region"() ({
        %run_scoped3A_589 = tpu.sem_alloc : memref<!tpu.dma_semaphore, #tpu.memory_space<semaphore_mem>>
        %dma_start3A_590 = arith.constant 0 : i32
        %dma_start3A_591 = arith.constant 0 : i32
        %dma_start3A_592 = tpu.memref_slice %arg7[%run_scoped3A, %dma_start3A_590, %dma_start3A_591] : memref<2x128x128xf32, #tpu.memory_space<vmem>> -> memref<1x128x128xf32, #tpu.memory_space<vmem>>
        %dma_start3A_593 = tpu.memref_squeeze %dma_start3A_592 : memref<1x128x128xf32, #tpu.memory_space<vmem>> -> memref<128x128xf32, #tpu.memory_space<vmem>>
        %dma_start3A_594 = arith.constant 0 : i32
        %dma_start3A_595 = tpu.memref_slice %arg6[%run_scoped3A_587, %run_scoped3A_588, %dma_start3A_594] : memref<2x6x128xi32, #tpu.memory_space<vmem>> -> memref<1x1x128xi32, #tpu.memory_space<vmem>>
        %dma_start3A_596 = tpu.memref_squeeze %dma_start3A_595 : memref<1x1x128xi32, #tpu.memory_space<vmem>> -> memref<128xi32, #tpu.memory_space<vmem>>
        %dma_start3A_597 = arith.constant 0 : i32
        %dma_start3A_598 = arith.constant 0 : i32
        %dma_start3A_599 = tpu.memref_slice %arg8[%dma_start3A_597, %dma_start3A_598] : memref<10240x128xf32, #tpu.memory_space<vmem_shared>> -> memref<10240x128xf32, #tpu.memory_space<vmem_shared>>
        tpu.enqueue_indirect_dma source(%dma_start3A_593 : memref<128x128xf32, #tpu.memory_space<vmem>>) target(%dma_start3A_599 : memref<10240x128xf32, #tpu.memory_space<vmem_shared>>) offsets(%dma_start3A_596 : memref<128xi32, #tpu.memory_space<vmem>>) semaphore(%run_scoped3A_589 : memref<!tpu.dma_semaphore, #tpu.memory_space<semaphore_mem>>) {add = true}
        %dma_wait3A_600 = arith.constant 0 : i32
        %dma_wait3A_601 = arith.constant 0 : i32
        %dma_wait3A_602 = tpu.memref_slice %arg7[%run_scoped3A, %dma_wait3A_600, %dma_wait3A_601] : memref<2x128x128xf32, #tpu.memory_space<vmem>> -> memref<1x128x128xf32, #tpu.memory_space<vmem>>
        %dma_wait3A_603 = tpu.memref_squeeze %dma_wait3A_602 : memref<1x128x128xf32, #tpu.memory_space<vmem>> -> memref<128x128xf32, #tpu.memory_space<vmem>>
        %dma_wait3A_604 = arith.constant 0 : i32
        %dma_wait3A_605 = tpu.memref_slice %arg6[%run_scoped3A_587, %run_scoped3A_588, %dma_wait3A_604] : memref<2x6x128xi32, #tpu.memory_space<vmem>> -> memref<1x1x128xi32, #tpu.memory_space<vmem>>
        %dma_wait3A_606 = tpu.memref_squeeze %dma_wait3A_605 : memref<1x1x128xi32, #tpu.memory_space<vmem>> -> memref<128xi32, #tpu.memory_space<vmem>>
        %dma_wait3A_607 = arith.constant 0 : i32
        %dma_wait3A_608 = arith.constant 0 : i32
        %dma_wait3A_609 = tpu.memref_slice %arg8[%dma_wait3A_607, %dma_wait3A_608] : memref<10240x128xf32, #tpu.memory_space<vmem_shared>> -> memref<10240x128xf32, #tpu.memory_space<vmem_shared>>
        tpu.wait_indirect_dma semaphore(%run_scoped3A_589 : memref<!tpu.dma_semaphore, #tpu.memory_space<semaphore_mem>>) src(%dma_wait3A_603 : memref<128x128xf32, #tpu.memory_space<vmem>>) dst(%dma_wait3A_609 : memref<10240x128xf32, #tpu.memory_space<vmem_shared>>)
        tpu.yield
      }) : () -> ()
    } else {
    }
    %barrier3A_490 = arith.constant 0 : index
    tpu.barrier barrier_id(%barrier3A_490)
    %mul3A_491 = arith.constant 640 : i32
    %mul3A_492 = arith.muli %arg1, %mul3A_491 : i32
    %mul3A_493 = arith.constant 640 : i32
    %mul3A_494 = arith.muli %arg1, %mul3A_493 : i32
    "tpu.region"() ({
      %run_scoped3A = tpu.sem_alloc : memref<!tpu.dma_semaphore, #tpu.memory_space<semaphore_mem>>
      %dma_start3A_495 = arith.constant 0 : i32
      %dma_start3A_496 = tpu.memref_slice %arg4[%arg0, %mul3A_494, %dma_start3A_495] : memref<2x10240x128xf32, #tpu.memory_space<hbm>> -> memref<1x640x128xf32, #tpu.memory_space<hbm>>
      %dma_start3A_497 = tpu.memref_squeeze %dma_start3A_496 : memref<1x640x128xf32, #tpu.memory_space<hbm>> -> memref<640x128xf32, #tpu.memory_space<hbm>>
      %dma_start3A_498 = arith.constant 0 : i32
      %dma_start3A_499 = tpu.memref_slice %arg8[%mul3A_492, %dma_start3A_498] : memref<10240x128xf32, #tpu.memory_space<vmem_shared>> -> memref<640x128xf32, #tpu.memory_space<vmem_shared>>
      tpu.enqueue_dma source(%dma_start3A_499 : memref<640x128xf32, #tpu.memory_space<vmem_shared>>) target(%dma_start3A_497 : memref<640x128xf32, #tpu.memory_space<hbm>>) target_semaphore(%run_scoped3A : memref<!tpu.dma_semaphore, #tpu.memory_space<semaphore_mem>>)
      %dma_wait3A_500 = arith.constant 0 : i32
      %dma_wait3A_501 = tpu.memref_slice %arg4[%arg0, %mul3A_494, %dma_wait3A_500] : memref<2x10240x128xf32, #tpu.memory_space<hbm>> -> memref<1x640x128xf32, #tpu.memory_space<hbm>>
      %dma_wait3A_502 = tpu.memref_squeeze %dma_wait3A_501 : memref<1x640x128xf32, #tpu.memory_space<hbm>> -> memref<640x128xf32, #tpu.memory_space<hbm>>
      %dma_wait3A_503 = arith.constant 0 : i32
      %dma_wait3A_504 = tpu.memref_slice %arg8[%mul3A_492, %dma_wait3A_503] : memref<10240x128xf32, #tpu.memory_space<vmem_shared>> -> memref<640x128xf32, #tpu.memory_space<vmem_shared>>
      tpu.wait_dma2 semaphore(%run_scoped3A : memref<!tpu.dma_semaphore, #tpu.memory_space<semaphore_mem>>) src(%dma_wait3A_504 : memref<640x128xf32, #tpu.memory_space<vmem_shared>>) dst(%dma_wait3A_502 : memref<640x128xf32, #tpu.memory_space<hbm>>)
      tpu.yield
    }) : () -> ()
    return
  }
}

#map = affine_map<(d0, d1) -> (0, 0)>
module attributes {stable_mosaic.version = 14 : i64} {
  func.func @_deg_kernel(%arg0: i32, %arg1: i32, %arg2: memref<2x320000xi32, #tpu.memory_space<hbm>>, %arg3: memref<2x10240xf32, #tpu.memory_space<hbm>>, %arg4: memref<79x128xi32, #tpu.memory_space<vmem>>, %arg5: memref<128xf32, #tpu.memory_space<vmem>>, %arg6: memref<640xf32, #tpu.memory_space<vmem>>, %arg7: memref<10240xf32, #tpu.memory_space<vmem_shared>>, %arg8: memref<!tpu.dma_semaphore, #tpu.memory_space<semaphore_mem>>) attributes {dimension_semantics = [#tpu.dimension_semantics<core_parallel>, #tpu.dimension_semantics<subcore_parallel>], iteration_bounds = array<i64: 2, 16>, scalar_prefetch = 0 : i64, scratch_operands = 5 : i64, tpu.core_type = #tpu.core_type<sc_vector_subcore>, window_params = [{transform_indices = #map}, {transform_indices = #map}]} {
    %mul3A = arith.constant 16 : i32
    %mul3A_0 = arith.muli %arg0, %mul3A : i32
    %add3A = arith.addi %mul3A_0, %arg1 : i32
    %lt3A = arith.constant 4 : i32
    %lt3A_1 = arith.cmpi slt, %add3A, %lt3A : i32
    %jit3A = arith.constant 79 : i32
    %jit3A_2 = arith.constant 78 : i32
    %select_n3A = arith.select %lt3A_1, %jit3A, %jit3A_2 : i32
    %scan3A = arith.constant 0 : i32
    %scan3A_3 = arith.constant 0 : i32
    %scan3A_4 = arith.constant 8 : i32
    %scan3A_5 = arith.addi %scan3A_3, %scan3A_4 : i32
    %scan3A_6 = arith.constant 1 : i32
    %scan3A_7 = scf.for %scan3A_56 = %scan3A_3 to %scan3A_5 step %scan3A_6 iter_args(%scan3A_57 = %scan3A) -> (i32)  : i32 {
      %broadcast_in_dim3A = arith.constant 1.000000e+00 : f32
      %broadcast_in_dim3A_58 = vector.broadcast %broadcast_in_dim3A : f32 to vector<16xf32>
      %mul3A_59 = arith.constant 16 : i32
      %mul3A_60 = arith.muli %scan3A_56, %mul3A_59 : i32
      %swap3A = arith.index_cast %mul3A_60 : i32 to index
      %swap3A_61 = tpu.vector_load %arg5[%swap3A] {strides = array<i32>} : memref<128xf32, #tpu.memory_space<vmem>>, vector<16xf32>,
      %swap3A_62 = vector.shape_cast %swap3A_61 : vector<16xf32> to vector<16xf32>
      %swap3A_63 = vector.shape_cast %broadcast_in_dim3A_58 : vector<16xf32> to vector<16xf32>
      tpu.vector_store %arg5[%swap3A], %swap3A_63 {strides = array<i32>} : memref<128xf32, #tpu.memory_space<vmem>>, vector<16xf32>,
      %scan3A_64 = arith.constant 0 : i32
      scf.yield %scan3A_64 : i32
    }
    %scan3A_8 = arith.constant 8 : i32
    %scan3A_9 = arith.constant 0 : i32
    %scan3A_10 = arith.constant 0 : i32
    %scan3A_11 = arith.constant 40 : i32
    %scan3A_12 = arith.addi %scan3A_10, %scan3A_11 : i32
    %scan3A_13 = arith.constant 1 : i32
    %scan3A_14 = scf.for %scan3A_56 = %scan3A_10 to %scan3A_12 step %scan3A_13 iter_args(%scan3A_57 = %scan3A_9) -> (i32)  : i32 {
      %broadcast_in_dim3A = arith.constant 0.000000e+00 : f32
      %broadcast_in_dim3A_58 = vector.broadcast %broadcast_in_dim3A : f32 to vector<16xf32>
      %mul3A_59 = arith.constant 16 : i32
      %mul3A_60 = arith.muli %scan3A_56, %mul3A_59 : i32
      %swap3A = arith.index_cast %mul3A_60 : i32 to index
      %swap3A_61 = tpu.vector_load %arg6[%swap3A] {strides = array<i32>} : memref<640xf32, #tpu.memory_space<vmem>>, vector<16xf32>,
      %swap3A_62 = vector.shape_cast %swap3A_61 : vector<16xf32> to vector<16xf32>
      %swap3A_63 = vector.shape_cast %broadcast_in_dim3A_58 : vector<16xf32> to vector<16xf32>
      tpu.vector_store %arg6[%swap3A], %swap3A_63 {strides = array<i32>} : memref<640xf32, #tpu.memory_space<vmem>>, vector<16xf32>,
      %scan3A_64 = arith.constant 0 : i32
      scf.yield %scan3A_64 : i32
    }
    %scan3A_15 = arith.constant 40 : i32
    %mul3A_16 = arith.constant 640 : i32
    %mul3A_17 = arith.muli %arg1, %mul3A_16 : i32
    "tpu.region"() ({
      %run_scoped3A = tpu.sem_alloc : memref<!tpu.dma_semaphore, #tpu.memory_space<semaphore_mem>>
      %dma_start3A = tpu.memref_slice %arg7[%mul3A_17] : memref<10240xf32, #tpu.memory_space<vmem_shared>> -> memref<640xf32, #tpu.memory_space<vmem_shared>>
      %dma_start3A_56 = tpu.memref_slice %arg7[%mul3A_17] : memref<10240xf32, #tpu.memory_space<vmem_shared>> -> memref<640xf32, #tpu.memory_space<vmem_shared>>
      tpu.enqueue_dma source(%arg6 : memref<640xf32, #tpu.memory_space<vmem>>) target(%dma_start3A_56 : memref<640xf32, #tpu.memory_space<vmem_shared>>) target_semaphore(%run_scoped3A : memref<!tpu.dma_semaphore, #tpu.memory_space<semaphore_mem>>)
      %dma_wait3A = tpu.memref_slice %arg7[%mul3A_17] : memref<10240xf32, #tpu.memory_space<vmem_shared>> -> memref<640xf32, #tpu.memory_space<vmem_shared>>
      %dma_wait3A_57 = tpu.memref_slice %arg7[%mul3A_17] : memref<10240xf32, #tpu.memory_space<vmem_shared>> -> memref<640xf32, #tpu.memory_space<vmem_shared>>
      tpu.wait_dma2 semaphore(%run_scoped3A : memref<!tpu.dma_semaphore, #tpu.memory_space<semaphore_mem>>) src(%arg6 : memref<640xf32, #tpu.memory_space<vmem>>) dst(%dma_wait3A_57 : memref<640xf32, #tpu.memory_space<vmem_shared>>)
      tpu.yield
    }) : () -> ()
    %scan3A_18 = arith.constant 0 : i32
    %scan3A_19 = arith.constant 0 : i32
    %scan3A_20 = arith.constant 78 : i32
    %scan3A_21 = arith.addi %scan3A_19, %scan3A_20 : i32
    %scan3A_22 = arith.constant 1 : i32
    %scan3A_23 = scf.for %scan3A_56 = %scan3A_19 to %scan3A_21 step %scan3A_22 iter_args(%scan3A_57 = %scan3A_18) -> (i32)  : i32 {
      %mul3A_58 = arith.constant 78 : i32
      %mul3A_59 = arith.muli %add3A, %mul3A_58 : i32
      %add3A_60 = arith.addi %mul3A_59, %scan3A_56 : i32
      %mul3A_61 = arith.constant 128 : i32
      %mul3A_62 = arith.muli %add3A_60, %mul3A_61 : i32
      %multiple_of3A = tpu.assume_multiple %mul3A_62, 128 : i32
      %dma_start3A = arith.constant 1 : i32
      %dma_start3A_63 = arith.constant 0 : i32
      %dma_start3A_64 = tpu.memref_slice %arg4[%scan3A_56, %dma_start3A_63] : memref<79x128xi32, #tpu.memory_space<vmem>> -> memref<1x128xi32, #tpu.memory_space<vmem>>
      %dma_start3A_65 = tpu.memref_squeeze %dma_start3A_64 : memref<1x128xi32, #tpu.memory_space<vmem>> -> memref<128xi32, #tpu.memory_space<vmem>>
      %dma_start3A_66 = tpu.memref_slice %arg2[%dma_start3A, %multiple_of3A] : memref<2x320000xi32, #tpu.memory_space<hbm>> -> memref<1x128xi32, #tpu.memory_space<hbm>>
      %dma_start3A_67 = tpu.memref_squeeze %dma_start3A_66 : memref<1x128xi32, #tpu.memory_space<hbm>> -> memref<128xi32, #tpu.memory_space<hbm>>
      %dma_start3A_68 = arith.constant 0 : i32
      %dma_start3A_69 = tpu.memref_slice %arg4[%scan3A_56, %dma_start3A_68] : memref<79x128xi32, #tpu.memory_space<vmem>> -> memref<1x128xi32, #tpu.memory_space<vmem>>
      %dma_start3A_70 = tpu.memref_squeeze %dma_start3A_69 : memref<1x128xi32, #tpu.memory_space<vmem>> -> memref<128xi32, #tpu.memory_space<vmem>>
      %dma_start3A_71 = tpu.memref_slice %arg2[%dma_start3A, %multiple_of3A] : memref<2x320000xi32, #tpu.memory_space<hbm>> -> memref<1x128xi32, #tpu.memory_space<hbm>>
      %dma_start3A_72 = tpu.memref_squeeze %dma_start3A_71 : memref<1x128xi32, #tpu.memory_space<hbm>> -> memref<128xi32, #tpu.memory_space<hbm>>
      tpu.enqueue_dma source(%dma_start3A_72 : memref<128xi32, #tpu.memory_space<hbm>>) target(%dma_start3A_70 : memref<128xi32, #tpu.memory_space<vmem>>) target_semaphore(%arg8 : memref<!tpu.dma_semaphore, #tpu.memory_space<semaphore_mem>>)
      %scan3A_73 = arith.constant 0 : i32
      scf.yield %scan3A_73 : i32
    }
    %scan3A_24 = arith.constant 78 : i32
    %lt3A_25 = arith.constant 4 : i32
    %lt3A_26 = arith.cmpi slt, %add3A, %lt3A_25 : i32
    %convert_element_type3A = arith.extui %lt3A_26 : i1 to i32
    %cond3A = arith.constant 0 : i32
    %cond3A_27 = arith.cmpi ne, %convert_element_type3A, %cond3A : i32
    scf.if %cond3A_27 {
      %add3A_56 = arith.constant 2496 : i32
      %add3A_57 = arith.addi %add3A_56, %add3A : i32
      %mul3A_58 = arith.constant 128 : i32
      %mul3A_59 = arith.muli %add3A_57, %mul3A_58 : i32
      %multiple_of3A = tpu.assume_multiple %mul3A_59, 128 : i32
      %dma_start3A = arith.constant 1 : i32
      %dma_start3A_60 = arith.constant 78 : i32
      %dma_start3A_61 = arith.constant 0 : i32
      %dma_start3A_62 = tpu.memref_slice %arg4[%dma_start3A_60, %dma_start3A_61] : memref<79x128xi32, #tpu.memory_space<vmem>> -> memref<1x128xi32, #tpu.memory_space<vmem>>
      %dma_start3A_63 = tpu.memref_squeeze %dma_start3A_62 : memref<1x128xi32, #tpu.memory_space<vmem>> -> memref<128xi32, #tpu.memory_space<vmem>>
      %dma_start3A_64 = tpu.memref_slice %arg2[%dma_start3A, %multiple_of3A] : memref<2x320000xi32, #tpu.memory_space<hbm>> -> memref<1x128xi32, #tpu.memory_space<hbm>>
      %dma_start3A_65 = tpu.memref_squeeze %dma_start3A_64 : memref<1x128xi32, #tpu.memory_space<hbm>> -> memref<128xi32, #tpu.memory_space<hbm>>
      %dma_start3A_66 = arith.constant 0 : i32
      %dma_start3A_67 = tpu.memref_slice %arg4[%dma_start3A_60, %dma_start3A_66] : memref<79x128xi32, #tpu.memory_space<vmem>> -> memref<1x128xi32, #tpu.memory_space<vmem>>
      %dma_start3A_68 = tpu.memref_squeeze %dma_start3A_67 : memref<1x128xi32, #tpu.memory_space<vmem>> -> memref<128xi32, #tpu.memory_space<vmem>>
      %dma_start3A_69 = tpu.memref_slice %arg2[%dma_start3A, %multiple_of3A] : memref<2x320000xi32, #tpu.memory_space<hbm>> -> memref<1x128xi32, #tpu.memory_space<hbm>>
      %dma_start3A_70 = tpu.memref_squeeze %dma_start3A_69 : memref<1x128xi32, #tpu.memory_space<hbm>> -> memref<128xi32, #tpu.memory_space<hbm>>
      tpu.enqueue_dma source(%dma_start3A_70 : memref<128xi32, #tpu.memory_space<hbm>>) target(%dma_start3A_68 : memref<128xi32, #tpu.memory_space<vmem>>) target_semaphore(%arg8 : memref<!tpu.dma_semaphore, #tpu.memory_space<semaphore_mem>>)
    } else {
    }
    %while3A = arith.constant 0 : i32
    %while3A_28 = arith.constant 0 : i32
    %while3A_29 = arith.subi %select_n3A, %while3A : i32
    %while3A_30 = arith.addi %while3A, %while3A_29 : i32
    %while3A_31 = arith.constant 1 : i32
    %while3A_32 = arith.divsi %while3A_29, %while3A_31 : i32
    %while3A_33 = arith.muli %while3A_32, %while3A_31 : i32
    %while3A_34 = arith.addi %while3A, %while3A_33 : i32
    %while3A_35 = arith.constant 1 : i32
    %while3A_36 = scf.for %while3A_56 = %while3A to %while3A_34 step %while3A_35 iter_args(%while3A_57 = %while3A_28) -> (i32)  : i32 {
      %dma_wait3A = arith.constant 1 : i32
      %dma_wait3A_58 = arith.constant 0 : i32
      %dma_wait3A_59 = arith.constant 0 : i32
      %dma_wait3A_60 = tpu.memref_slice %arg4[%dma_wait3A_58, %dma_wait3A_59] : memref<79x128xi32, #tpu.memory_space<vmem>> -> memref<1x128xi32, #tpu.memory_space<vmem>>
      %dma_wait3A_61 = tpu.memref_squeeze %dma_wait3A_60 : memref<1x128xi32, #tpu.memory_space<vmem>> -> memref<128xi32, #tpu.memory_space<vmem>>
      %dma_wait3A_62 = arith.constant 0 : i32
      %dma_wait3A_63 = tpu.memref_slice %arg2[%dma_wait3A, %dma_wait3A_62] : memref<2x320000xi32, #tpu.memory_space<hbm>> -> memref<1x128xi32, #tpu.memory_space<hbm>>
      %dma_wait3A_64 = tpu.memref_squeeze %dma_wait3A_63 : memref<1x128xi32, #tpu.memory_space<hbm>> -> memref<128xi32, #tpu.memory_space<hbm>>
      %dma_wait3A_65 = arith.constant 0 : i32
      %dma_wait3A_66 = tpu.memref_slice %arg4[%dma_wait3A_58, %dma_wait3A_65] : memref<79x128xi32, #tpu.memory_space<vmem>> -> memref<1x128xi32, #tpu.memory_space<vmem>>
      %dma_wait3A_67 = tpu.memref_squeeze %dma_wait3A_66 : memref<1x128xi32, #tpu.memory_space<vmem>> -> memref<128xi32, #tpu.memory_space<vmem>>
      %dma_wait3A_68 = arith.constant 0 : i32
      %dma_wait3A_69 = tpu.memref_slice %arg2[%dma_wait3A, %dma_wait3A_68] : memref<2x320000xi32, #tpu.memory_space<hbm>> -> memref<1x128xi32, #tpu.memory_space<hbm>>
      %dma_wait3A_70 = tpu.memref_squeeze %dma_wait3A_69 : memref<1x128xi32, #tpu.memory_space<hbm>> -> memref<128xi32, #tpu.memory_space<hbm>>
      tpu.wait_dma2 semaphore(%arg8 : memref<!tpu.dma_semaphore, #tpu.memory_space<semaphore_mem>>) src(%dma_wait3A_70 : memref<128xi32, #tpu.memory_space<hbm>>) dst(%dma_wait3A_67 : memref<128xi32, #tpu.memory_space<vmem>>)
      %while3A_71 = arith.constant 0 : i32
      scf.yield %while3A_71 : i32
    }
    %while3A_37 = arith.constant 1 : i32
    %while3A_38 = scf.for %while3A_56 = %while3A_34 to %while3A_30 step %while3A_37 iter_args(%while3A_57 = %while3A_36) -> (i32)  : i32 {
      %dma_wait3A = arith.constant 1 : i32
      %dma_wait3A_58 = arith.constant 0 : i32
      %dma_wait3A_59 = arith.constant 0 : i32
      %dma_wait3A_60 = tpu.memref_slice %arg4[%dma_wait3A_58, %dma_wait3A_59] : memref<79x128xi32, #tpu.memory_space<vmem>> -> memref<1x128xi32, #tpu.memory_space<vmem>>
      %dma_wait3A_61 = tpu.memref_squeeze %dma_wait3A_60 : memref<1x128xi32, #tpu.memory_space<vmem>> -> memref<128xi32, #tpu.memory_space<vmem>>
      %dma_wait3A_62 = arith.constant 0 : i32
      %dma_wait3A_63 = tpu.memref_slice %arg2[%dma_wait3A, %dma_wait3A_62] : memref<2x320000xi32, #tpu.memory_space<hbm>> -> memref<1x128xi32, #tpu.memory_space<hbm>>
      %dma_wait3A_64 = tpu.memref_squeeze %dma_wait3A_63 : memref<1x128xi32, #tpu.memory_space<hbm>> -> memref<128xi32, #tpu.memory_space<hbm>>
      %dma_wait3A_65 = arith.constant 0 : i32
      %dma_wait3A_66 = tpu.memref_slice %arg4[%dma_wait3A_58, %dma_wait3A_65] : memref<79x128xi32, #tpu.memory_space<vmem>> -> memref<1x128xi32, #tpu.memory_space<vmem>>
      %dma_wait3A_67 = tpu.memref_squeeze %dma_wait3A_66 : memref<1x128xi32, #tpu.memory_space<vmem>> -> memref<128xi32, #tpu.memory_space<vmem>>
      %dma_wait3A_68 = arith.constant 0 : i32
      %dma_wait3A_69 = tpu.memref_slice %arg2[%dma_wait3A, %dma_wait3A_68] : memref<2x320000xi32, #tpu.memory_space<hbm>> -> memref<1x128xi32, #tpu.memory_space<hbm>>
      %dma_wait3A_70 = tpu.memref_squeeze %dma_wait3A_69 : memref<1x128xi32, #tpu.memory_space<hbm>> -> memref<128xi32, #tpu.memory_space<hbm>>
      tpu.wait_dma2 semaphore(%arg8 : memref<!tpu.dma_semaphore, #tpu.memory_space<semaphore_mem>>) src(%dma_wait3A_70 : memref<128xi32, #tpu.memory_space<hbm>>) dst(%dma_wait3A_67 : memref<128xi32, #tpu.memory_space<vmem>>)
      %while3A_71 = arith.constant 0 : i32
      scf.yield %while3A_71 : i32
    }
    %barrier3A = arith.constant 0 : index
    tpu.barrier barrier_id(%barrier3A)
    %while3A_39 = arith.constant 0 : i32
    %while3A_40 = arith.constant 0 : i32
    %while3A_41 = arith.subi %select_n3A, %while3A_39 : i32
    %while3A_42 = arith.addi %while3A_39, %while3A_41 : i32
    %while3A_43 = arith.constant 1 : i32
    %while3A_44 = arith.divsi %while3A_41, %while3A_43 : i32
    %while3A_45 = arith.muli %while3A_44, %while3A_43 : i32
    %while3A_46 = arith.addi %while3A_39, %while3A_45 : i32
    %while3A_47 = arith.constant 1 : i32
    %while3A_48 = scf.for %while3A_56 = %while3A_39 to %while3A_46 step %while3A_47 iter_args(%while3A_57 = %while3A_40) -> (i32)  : i32 {
      "tpu.region"() ({
        %run_scoped3A = tpu.sem_alloc : memref<!tpu.dma_semaphore, #tpu.memory_space<semaphore_mem>>
        %dma_start3A = arith.constant 0 : i32
        %dma_start3A_59 = tpu.memref_slice %arg4[%while3A_56, %dma_start3A] : memref<79x128xi32, #tpu.memory_space<vmem>> -> memref<1x128xi32, #tpu.memory_space<vmem>>
        %dma_start3A_60 = tpu.memref_squeeze %dma_start3A_59 : memref<1x128xi32, #tpu.memory_space<vmem>> -> memref<128xi32, #tpu.memory_space<vmem>>
        %dma_start3A_61 = arith.constant 0 : i32
        %dma_start3A_62 = tpu.memref_slice %arg7[%dma_start3A_61] : memref<10240xf32, #tpu.memory_space<vmem_shared>> -> memref<10240xf32, #tpu.memory_space<vmem_shared>>
        tpu.enqueue_indirect_dma source(%arg5 : memref<128xf32, #tpu.memory_space<vmem>>) target(%dma_start3A_62 : memref<10240xf32, #tpu.memory_space<vmem_shared>>) offsets(%dma_start3A_60 : memref<128xi32, #tpu.memory_space<vmem>>) semaphore(%run_scoped3A : memref<!tpu.dma_semaphore, #tpu.memory_space<semaphore_mem>>) {add = true}
        %dma_wait3A = arith.constant 0 : i32
        %dma_wait3A_63 = tpu.memref_slice %arg4[%while3A_56, %dma_wait3A] : memref<79x128xi32, #tpu.memory_space<vmem>> -> memref<1x128xi32, #tpu.memory_space<vmem>>
        %dma_wait3A_64 = tpu.memref_squeeze %dma_wait3A_63 : memref<1x128xi32, #tpu.memory_space<vmem>> -> memref<128xi32, #tpu.memory_space<vmem>>
        %dma_wait3A_65 = arith.constant 0 : i32
        %dma_wait3A_66 = tpu.memref_slice %arg7[%dma_wait3A_65] : memref<10240xf32, #tpu.memory_space<vmem_shared>> -> memref<10240xf32, #tpu.memory_space<vmem_shared>>
        tpu.wait_indirect_dma semaphore(%run_scoped3A : memref<!tpu.dma_semaphore, #tpu.memory_space<semaphore_mem>>) src(%arg5 : memref<128xf32, #tpu.memory_space<vmem>>) dst(%dma_wait3A_66 : memref<10240xf32, #tpu.memory_space<vmem_shared>>)
        tpu.yield
      }) : () -> ()
      %while3A_58 = arith.constant 0 : i32
      scf.yield %while3A_58 : i32
    }
    %while3A_49 = arith.constant 1 : i32
    %while3A_50 = scf.for %while3A_56 = %while3A_46 to %while3A_42 step %while3A_49 iter_args(%while3A_57 = %while3A_48) -> (i32)  : i32 {
      "tpu.region"() ({
        %run_scoped3A = tpu.sem_alloc : memref<!tpu.dma_semaphore, #tpu.memory_space<semaphore_mem>>
        %dma_start3A = arith.constant 0 : i32
        %dma_start3A_59 = tpu.memref_slice %arg4[%while3A_56, %dma_start3A] : memref<79x128xi32, #tpu.memory_space<vmem>> -> memref<1x128xi32, #tpu.memory_space<vmem>>
        %dma_start3A_60 = tpu.memref_squeeze %dma_start3A_59 : memref<1x128xi32, #tpu.memory_space<vmem>> -> memref<128xi32, #tpu.memory_space<vmem>>
        %dma_start3A_61 = arith.constant 0 : i32
        %dma_start3A_62 = tpu.memref_slice %arg7[%dma_start3A_61] : memref<10240xf32, #tpu.memory_space<vmem_shared>> -> memref<10240xf32, #tpu.memory_space<vmem_shared>>
        tpu.enqueue_indirect_dma source(%arg5 : memref<128xf32, #tpu.memory_space<vmem>>) target(%dma_start3A_62 : memref<10240xf32, #tpu.memory_space<vmem_shared>>) offsets(%dma_start3A_60 : memref<128xi32, #tpu.memory_space<vmem>>) semaphore(%run_scoped3A : memref<!tpu.dma_semaphore, #tpu.memory_space<semaphore_mem>>) {add = true}
        %dma_wait3A = arith.constant 0 : i32
        %dma_wait3A_63 = tpu.memref_slice %arg4[%while3A_56, %dma_wait3A] : memref<79x128xi32, #tpu.memory_space<vmem>> -> memref<1x128xi32, #tpu.memory_space<vmem>>
        %dma_wait3A_64 = tpu.memref_squeeze %dma_wait3A_63 : memref<1x128xi32, #tpu.memory_space<vmem>> -> memref<128xi32, #tpu.memory_space<vmem>>
        %dma_wait3A_65 = arith.constant 0 : i32
        %dma_wait3A_66 = tpu.memref_slice %arg7[%dma_wait3A_65] : memref<10240xf32, #tpu.memory_space<vmem_shared>> -> memref<10240xf32, #tpu.memory_space<vmem_shared>>
        tpu.wait_indirect_dma semaphore(%run_scoped3A : memref<!tpu.dma_semaphore, #tpu.memory_space<semaphore_mem>>) src(%arg5 : memref<128xf32, #tpu.memory_space<vmem>>) dst(%dma_wait3A_66 : memref<10240xf32, #tpu.memory_space<vmem_shared>>)
        tpu.yield
      }) : () -> ()
      %while3A_58 = arith.constant 0 : i32
      scf.yield %while3A_58 : i32
    }
    %barrier3A_51 = arith.constant 0 : index
    tpu.barrier barrier_id(%barrier3A_51)
    %mul3A_52 = arith.constant 640 : i32
    %mul3A_53 = arith.muli %arg1, %mul3A_52 : i32
    %mul3A_54 = arith.constant 640 : i32
    %mul3A_55 = arith.muli %arg1, %mul3A_54 : i32
    "tpu.region"() ({
      %run_scoped3A = tpu.sem_alloc : memref<!tpu.dma_semaphore, #tpu.memory_space<semaphore_mem>>
      %dma_start3A = tpu.memref_slice %arg3[%arg0, %mul3A_55] : memref<2x10240xf32, #tpu.memory_space<hbm>> -> memref<1x640xf32, #tpu.memory_space<hbm>>
      %dma_start3A_56 = tpu.memref_squeeze %dma_start3A : memref<1x640xf32, #tpu.memory_space<hbm>> -> memref<640xf32, #tpu.memory_space<hbm>>
      %dma_start3A_57 = tpu.memref_slice %arg7[%mul3A_53] : memref<10240xf32, #tpu.memory_space<vmem_shared>> -> memref<640xf32, #tpu.memory_space<vmem_shared>>
      tpu.enqueue_dma source(%dma_start3A_57 : memref<640xf32, #tpu.memory_space<vmem_shared>>) target(%dma_start3A_56 : memref<640xf32, #tpu.memory_space<hbm>>) target_semaphore(%run_scoped3A : memref<!tpu.dma_semaphore, #tpu.memory_space<semaphore_mem>>)
      %dma_wait3A = tpu.memref_slice %arg3[%arg0, %mul3A_55] : memref<2x10240xf32, #tpu.memory_space<hbm>> -> memref<1x640xf32, #tpu.memory_space<hbm>>
      %dma_wait3A_58 = tpu.memref_squeeze %dma_wait3A : memref<1x640xf32, #tpu.memory_space<hbm>> -> memref<640xf32, #tpu.memory_space<hbm>>
      %dma_wait3A_59 = tpu.memref_slice %arg7[%mul3A_53] : memref<10240xf32, #tpu.memory_space<vmem_shared>> -> memref<640xf32, #tpu.memory_space<vmem_shared>>
      tpu.wait_dma2 semaphore(%run_scoped3A : memref<!tpu.dma_semaphore, #tpu.memory_space<semaphore_mem>>) src(%dma_wait3A_59 : memref<640xf32, #tpu.memory_space<vmem_shared>>) dst(%dma_wait3A_58 : memref<640xf32, #tpu.memory_space<hbm>>)
      tpu.yield
    }) : () -> ()
    return
  }
}

module attributes {stable_mosaic.version = 14 : i64} {
  func.func @_xw_body(%arg0: i32, %arg1: memref<1000x128xf32, #tpu.memory_space<vmem>>, %arg2: memref<128x128xf32, #tpu.memory_space<vmem>>, %arg3: memref<1000x128xf32, #tpu.memory_space<vmem>>) attributes {dimension_semantics = [#tpu.dimension_semantics<arbitrary>], iteration_bounds = array<i64: 10>, scalar_prefetch = 0 : i64, scratch_operands = 0 : i64, tpu.core_type = #tpu.core_type<tc>, window_params = [{transform_indices = @transform_0, window_bounds = array<i64: 1000, 128>}, {pipeline_mode = #tpu.pipeline_mode<synchronous>, transform_indices = @transform_1, window_bounds = array<i64: 128, 128>}, {transform_indices = @transform_2, window_bounds = array<i64: 1000, 128>}]} {
    %get3A = arith.constant 0 : index
    %get3A_0 = arith.constant 0 : index
    %get3A_1 = vector.load %arg1[%get3A, %get3A_0] : memref<1000x128xf32, #tpu.memory_space<vmem>>, vector<1000x128xf32>
    %get3A_2 = arith.constant 0 : index
    %get3A_3 = arith.constant 0 : index
    %get3A_4 = vector.load %arg2[%get3A_2, %get3A_3] : memref<128x128xf32, #tpu.memory_space<vmem>>, vector<128x128xf32>
    %dot_general3A = arith.constant dense<0.000000e+00> : vector<1000x128xf32>
    %dot_general3A_5 = tpu.matmul %get3A_1, %get3A_4, %dot_general3A {dimension_numbers = #tpu.dot_dimension_numbers<[1], [0], [0], [1], [0, 0, 1, 1], [], []>, transpose_lhs_hint = false} : vector<1000x128xf32>, vector<128x128xf32>, vector<1000x128xf32> -> vector<1000x128xf32>
    %swap3A = arith.constant 0 : index
    %swap3A_6 = arith.constant 0 : index
    %swap3A_7 = vector.load %arg3[%swap3A, %swap3A_6] : memref<1000x128xf32, #tpu.memory_space<vmem>>, vector<1000x128xf32>
    tpu.vector_store %arg3[%swap3A, %swap3A_6], %dot_general3A_5 {strides = array<i32>} : memref<1000x128xf32, #tpu.memory_space<vmem>>, vector<1000x128xf32>,
    return
  }
  func.func @transform_0(%arg0: i32) -> (i32, i32) {
    %c0_i32 = arith.constant 0 : i32
    %c0_i32_0 = arith.constant 0 : i32
    return %arg0, %c0_i32 : i32, i32
  }
  func.func @transform_1(%arg0: i32) -> (i32, i32) {
    %c0_i32 = arith.constant 0 : i32
    %c0_i32_0 = arith.constant 0 : i32
    %c0_i32_1 = arith.constant 0 : i32
    return %c0_i32, %c0_i32_0 : i32, i32
  }
  func.func @transform_2(%arg0: i32) -> (i32, i32) {
    %c0_i32 = arith.constant 0 : i32
    %c0_i32_0 = arith.constant 0 : i32
    return %arg0, %c0_i32 : i32, i32
  }
}

module attributes {stable_mosaic.version = 14 : i64} {
  func.func @_scale_body(%arg0: i32, %arg1: memref<1000x128xf32, #tpu.memory_space<vmem>>, %arg2: memref<1000x2xf32, #tpu.memory_space<vmem>>, %arg3: memref<1000x128xf32, #tpu.memory_space<vmem>>) attributes {dimension_semantics = [#tpu.dimension_semantics<arbitrary>], iteration_bounds = array<i64: 10>, scalar_prefetch = 0 : i64, scratch_operands = 0 : i64, tpu.core_type = #tpu.core_type<tc>, window_params = [{transform_indices = @transform_0, window_bounds = array<i64: 1000, 128>}, {transform_indices = @transform_1, window_bounds = array<i64: 1000, 2>}, {transform_indices = @transform_2, window_bounds = array<i64: 1000, 128>}]} {
    %get3A = arith.constant 0 : index
    %get3A_0 = arith.constant 0 : index
    %get3A_1 = vector.load %arg2[%get3A, %get3A_0] : memref<1000x2xf32, #tpu.memory_space<vmem>>, vector<1000x2xf32>
    %slice3A = vector.extract_strided_slice %get3A_1 {offsets = [0, 0], sizes = [1000, 1], strides = [1, 1]} : vector<1000x2xf32> to vector<1000x1xf32>
    %slice3A_2 = vector.extract_strided_slice %get3A_1 {offsets = [0, 1], sizes = [1000, 1], strides = [1, 1]} : vector<1000x2xf32> to vector<1000x1xf32>
    %add3A = arith.addf %slice3A, %slice3A_2 : vector<1000x1xf32>
    %add3A_3 = arith.constant 1.000000e+00 : f32
    %add3A_4 = vector.broadcast %add3A_3 : f32 to vector<1000x1xf32>
    %add3A_5 = arith.addf %add3A, %add3A_4 : vector<1000x1xf32>
    %rsqrt3A = math.rsqrt %add3A_5 : vector<1000x1xf32>
    %get3A_6 = arith.constant 0 : index
    %get3A_7 = arith.constant 0 : index
    %get3A_8 = vector.load %arg1[%get3A_6, %get3A_7] : memref<1000x128xf32, #tpu.memory_space<vmem>>, vector<1000x128xf32>
    %mul3A = vector.broadcast %rsqrt3A : vector<1000x1xf32> to vector<1000x128xf32>
    %mul3A_9 = arith.mulf %get3A_8, %mul3A : vector<1000x128xf32>
    %swap3A = arith.constant 0 : index
    %swap3A_10 = arith.constant 0 : index
    %swap3A_11 = vector.load %arg3[%swap3A, %swap3A_10] : memref<1000x128xf32, #tpu.memory_space<vmem>>, vector<1000x128xf32>
    tpu.vector_store %arg3[%swap3A, %swap3A_10], %mul3A_9 {strides = array<i32>} : memref<1000x128xf32, #tpu.memory_space<vmem>>, vector<1000x128xf32>,
    return
  }
  func.func @transform_0(%arg0: i32) -> (i32, i32) {
    %c0_i32 = arith.constant 0 : i32
    %c0_i32_0 = arith.constant 0 : i32
    return %arg0, %c0_i32 : i32, i32
  }
  func.func @transform_1(%arg0: i32) -> (i32, i32) {
    %c0_i32 = arith.constant 0 : i32
    %c0_i32_0 = arith.constant 0 : i32
    return %arg0, %c0_i32 : i32, i32
  }
  func.func @transform_2(%arg0: i32) -> (i32, i32) {
    %c0_i32 = arith.constant 0 : i32
    %c0_i32_0 = arith.constant 0 : i32
    return %arg0, %c0_i32 : i32, i32
  }
}

module attributes {stable_mosaic.version = 14 : i64} {
  func.func @_mlp_body(%arg0: i32, %arg1: memref<1000x128xf32, #tpu.memory_space<vmem>>, %arg2: memref<1000x128xf32, #tpu.memory_space<vmem>>, %arg3: memref<2x1000x128xf32, #tpu.memory_space<vmem>>, %arg4: memref<1000x2xf32, #tpu.memory_space<vmem>>, %arg5: memref<128xf32, #tpu.memory_space<vmem>>, %arg6: memref<256x512xf32, #tpu.memory_space<vmem>>, %arg7: memref<512xf32, #tpu.memory_space<vmem>>, %arg8: memref<512x79xf32, #tpu.memory_space<vmem>>, %arg9: memref<79xf32, #tpu.memory_space<vmem>>, %arg10: memref<1000x512xf32, #tpu.memory_space<vmem>>, %arg11: memref<1000x79xf32, #tpu.memory_space<vmem>>) attributes {dimension_semantics = [#tpu.dimension_semantics<arbitrary>], iteration_bounds = array<i64: 10>, scalar_prefetch = 0 : i64, scratch_operands = 0 : i64, tpu.core_type = #tpu.core_type<tc>, window_params = [{transform_indices = @transform_0, window_bounds = array<i64: 1000, 128>}, {transform_indices = @transform_1, window_bounds = array<i64: 1000, 128>}, {transform_indices = @transform_2, window_bounds = array<i64: 2, 1000, 128>}, {transform_indices = @transform_3, window_bounds = array<i64: 1000, 2>}, {pipeline_mode = #tpu.pipeline_mode<synchronous>, transform_indices = @transform_4, window_bounds = array<i64: 128>}, {pipeline_mode = #tpu.pipeline_mode<synchronous>, transform_indices = @transform_5, window_bounds = array<i64: 256, 512>}, {pipeline_mode = #tpu.pipeline_mode<synchronous>, transform_indices = @transform_6, window_bounds = array<i64: 512>}, {pipeline_mode = #tpu.pipeline_mode<synchronous>, transform_indices = @transform_7, window_bounds = array<i64: 512, 79>}, {pipeline_mode = #tpu.pipeline_mode<synchronous>, transform_indices = @transform_8, window_bounds = array<i64: 79>}, {transform_indices = @transform_9, window_bounds = array<i64: 1000, 512>}, {transform_indices = @transform_10, window_bounds = array<i64: 1000, 79>}]} {
    %get3A = arith.constant 0 : index
    %get3A_0 = arith.constant 0 : index
    %get3A_1 = vector.load %arg4[%get3A, %get3A_0] : memref<1000x2xf32, #tpu.memory_space<vmem>>, vector<1000x2xf32>
    %slice3A = vector.extract_strided_slice %get3A_1 {offsets = [0, 0], sizes = [1000, 1], strides = [1, 1]} : vector<1000x2xf32> to vector<1000x1xf32>
    %slice3A_2 = vector.extract_strided_slice %get3A_1 {offsets = [0, 1], sizes = [1000, 1], strides = [1, 1]} : vector<1000x2xf32> to vector<1000x1xf32>
    %add3A = arith.addf %slice3A, %slice3A_2 : vector<1000x1xf32>
    %add3A_3 = arith.constant 1.000000e+00 : f32
    %add3A_4 = vector.broadcast %add3A_3 : f32 to vector<1000x1xf32>
    %add3A_5 = arith.addf %add3A, %add3A_4 : vector<1000x1xf32>
    %rsqrt3A = math.rsqrt %add3A_5 : vector<1000x1xf32>
    %get3A_6 = arith.constant 0 : index
    %get3A_7 = arith.constant 0 : index
    %get3A_8 = arith.constant 0 : index
    %get3A_9 = vector.load %arg3[%get3A_6, %get3A_7, %get3A_8] : memref<2x1000x128xf32, #tpu.memory_space<vmem>>, vector<1x1000x128xf32>
    %get3A_10 = vector.shape_cast %get3A_9 : vector<1x1000x128xf32> to vector<1000x128xf32>
    %get3A_11 = arith.constant 1 : index
    %get3A_12 = arith.constant 0 : index
    %get3A_13 = arith.constant 0 : index
    %get3A_14 = vector.load %arg3[%get3A_11, %get3A_12, %get3A_13] : memref<2x1000x128xf32, #tpu.memory_space<vmem>>, vector<1x1000x128xf32>
    %get3A_15 = vector.shape_cast %get3A_14 : vector<1x1000x128xf32> to vector<1000x128xf32>
    %add3A_16 = arith.addf %get3A_10, %get3A_15 : vector<1000x128xf32>
    %get3A_17 = arith.constant 0 : index
    %get3A_18 = arith.constant 0 : index
    %get3A_19 = vector.load %arg2[%get3A_17, %get3A_18] : memref<1000x128xf32, #tpu.memory_space<vmem>>, vector<1000x128xf32>
    %add3A_20 = arith.addf %add3A_16, %get3A_19 : vector<1000x128xf32>
    %mul3A = vector.broadcast %rsqrt3A : vector<1000x1xf32> to vector<1000x128xf32>
    %mul3A_21 = arith.mulf %add3A_20, %mul3A : vector<1000x128xf32>
    %get3A_22 = arith.constant 0 : index
    %get3A_23 = vector.load %arg5[%get3A_22] : memref<128xf32, #tpu.memory_space<vmem>>, vector<128xf32>
    %broadcast_in_dim3A = vector.shape_cast %get3A_23 : vector<128xf32> to vector<1x128xf32>
    %add3A_24 = vector.broadcast %broadcast_in_dim3A : vector<1x128xf32> to vector<1000x128xf32>
    %add3A_25 = arith.addf %mul3A_21, %add3A_24 : vector<1000x128xf32>
    %max3A = arith.constant 0.000000e+00 : f32
    %max3A_26 = vector.broadcast %max3A : f32 to vector<1000x128xf32>
    %max3A_27 = arith.maximumf %add3A_25, %max3A_26 : vector<1000x128xf32>
    %get3A_28 = arith.constant 0 : index
    %get3A_29 = arith.constant 0 : index
    %get3A_30 = vector.load %arg1[%get3A_28, %get3A_29] : memref<1000x128xf32, #tpu.memory_space<vmem>>, vector<1000x128xf32>
    %concatenate3A = tpu.concatenate %get3A_30, %max3A_27 in 1 : vector<1000x128xf32>, vector<1000x128xf32> -> vector<1000x256xf32>
    %get3A_31 = arith.constant 0 : index
    %get3A_32 = arith.constant 0 : index
    %get3A_33 = vector.load %arg6[%get3A_31, %get3A_32] : memref<256x512xf32, #tpu.memory_space<vmem>>, vector<256x512xf32>
    %dot_general3A = arith.constant dense<0.000000e+00> : vector<1000x512xf32>
    %dot_general3A_34 = tpu.matmul %concatenate3A, %get3A_33, %dot_general3A {dimension_numbers = #tpu.dot_dimension_numbers<[1], [0], [0], [1], [0, 0, 1, 1], [], []>, transpose_lhs_hint = false} : vector<1000x256xf32>, vector<256x512xf32>, vector<1000x512xf32> -> vector<1000x512xf32>
    %get3A_35 = arith.constant 0 : index
    %get3A_36 = vector.load %arg7[%get3A_35] : memref<512xf32, #tpu.memory_space<vmem>>, vector<512xf32>
    %broadcast_in_dim3A_37 = vector.shape_cast %get3A_36 : vector<512xf32> to vector<1x512xf32>
    %add3A_38 = vector.broadcast %broadcast_in_dim3A_37 : vector<1x512xf32> to vector<1000x512xf32>
    %add3A_39 = arith.addf %dot_general3A_34, %add3A_38 : vector<1000x512xf32>
    %max3A_40 = arith.constant 0.000000e+00 : f32
    %max3A_41 = vector.broadcast %max3A_40 : f32 to vector<1000x512xf32>
    %max3A_42 = arith.maximumf %add3A_39, %max3A_41 : vector<1000x512xf32>
    %swap3A = arith.constant 0 : index
    %swap3A_43 = arith.constant 0 : index
    %swap3A_44 = vector.load %arg10[%swap3A, %swap3A_43] : memref<1000x512xf32, #tpu.memory_space<vmem>>, vector<1000x512xf32>
    tpu.vector_store %arg10[%swap3A, %swap3A_43], %max3A_42 {strides = array<i32>} : memref<1000x512xf32, #tpu.memory_space<vmem>>, vector<1000x512xf32>,
    %get3A_45 = arith.constant 0 : index
    %get3A_46 = arith.constant 0 : index
    %get3A_47 = vector.load %arg8[%get3A_45, %get3A_46] : memref<512x79xf32, #tpu.memory_space<vmem>>, vector<512x79xf32>
    %dot_general3A_48 = arith.constant dense<0.000000e+00> : vector<1000x79xf32>
    %dot_general3A_49 = tpu.matmul %max3A_42, %get3A_47, %dot_general3A_48 {dimension_numbers = #tpu.dot_dimension_numbers<[1], [0], [0], [1], [0, 0, 1, 1], [], []>, transpose_lhs_hint = false} : vector<1000x512xf32>, vector<512x79xf32>, vector<1000x79xf32> -> vector<1000x79xf32>
    %get3A_50 = arith.constant 0 : index
    %get3A_51 = vector.load %arg9[%get3A_50] : memref<79xf32, #tpu.memory_space<vmem>>, vector<79xf32>
    %broadcast_in_dim3A_52 = vector.shape_cast %get3A_51 : vector<79xf32> to vector<1x79xf32>
    %add3A_53 = vector.broadcast %broadcast_in_dim3A_52 : vector<1x79xf32> to vector<1000x79xf32>
    %add3A_54 = arith.addf %dot_general3A_49, %add3A_53 : vector<1000x79xf32>
    %swap3A_55 = arith.constant 0 : index
    %swap3A_56 = arith.constant 0 : index
    %swap3A_57 = vector.load %arg11[%swap3A_55, %swap3A_56] : memref<1000x79xf32, #tpu.memory_space<vmem>>, vector<1000x79xf32>
    tpu.vector_store %arg11[%swap3A_55, %swap3A_56], %add3A_54 {strides = array<i32>} : memref<1000x79xf32, #tpu.memory_space<vmem>>, vector<1000x79xf32>,
    return
  }
  func.func @transform_0(%arg0: i32) -> (i32, i32) {
    %c0_i32 = arith.constant 0 : i32
    %c0_i32_0 = arith.constant 0 : i32
    return %arg0, %c0_i32 : i32, i32
  }
  func.func @transform_1(%arg0: i32) -> (i32, i32) {
    %c0_i32 = arith.constant 0 : i32
    %c0_i32_0 = arith.constant 0 : i32
    return %arg0, %c0_i32 : i32, i32
  }
  func.func @transform_2(%arg0: i32) -> (i32, i32, i32) {
    %c0_i32 = arith.constant 0 : i32
    %c0_i32_0 = arith.constant 0 : i32
    %c0_i32_1 = arith.constant 0 : i32
    return %c0_i32, %arg0, %c0_i32_0 : i32, i32, i32
  }
  func.func @transform_3(%arg0: i32) -> (i32, i32) {
    %c0_i32 = arith.constant 0 : i32
    %c0_i32_0 = arith.constant 0 : i32
    return %arg0, %c0_i32 : i32, i32
  }
  func.func @transform_4(%arg0: i32) -> i32 {
    %c0_i32 = arith.constant 0 : i32
    %c0_i32_0 = arith.constant 0 : i32
    return %c0_i32 : i32
  }
  func.func @transform_5(%arg0: i32) -> (i32, i32) {
    %c0_i32 = arith.constant 0 : i32
    %c0_i32_0 = arith.constant 0 : i32
    %c0_i32_1 = arith.constant 0 : i32
    return %c0_i32, %c0_i32_0 : i32, i32
  }
  func.func @transform_6(%arg0: i32) -> i32 {
    %c0_i32 = arith.constant 0 : i32
    %c0_i32_0 = arith.constant 0 : i32
    return %c0_i32 : i32
  }
  func.func @transform_7(%arg0: i32) -> (i32, i32) {
    %c0_i32 = arith.constant 0 : i32
    %c0_i32_0 = arith.constant 0 : i32
    %c0_i32_1 = arith.constant 0 : i32
    return %c0_i32, %c0_i32_0 : i32, i32
  }
  func.func @transform_8(%arg0: i32) -> i32 {
    %c0_i32 = arith.constant 0 : i32
    %c0_i32_0 = arith.constant 0 : i32
    return %c0_i32 : i32
  }
  func.func @transform_9(%arg0: i32) -> (i32, i32) {
    %c0_i32 = arith.constant 0 : i32
    %c0_i32_0 = arith.constant 0 : i32
    return %arg0, %c0_i32 : i32, i32
  }
  func.func @transform_10(%arg0: i32) -> (i32, i32) {
    %c0_i32 = arith.constant 0 : i32
    %c0_i32_0 = arith.constant 0 : i32
    return %arg0, %c0_i32 : i32, i32
  }
}

</mosaic_0001>

<sc_bundles>
// kernel: kernel.10.cloned.1.call-start
scs
__scs_entry_jumppad:
0x0: {  	(pc) =	sbr.rel $0x88, $3  }
0x1: {  	(tag) =	ssettag $0x0;
	lr =	simm.s32 $0x1  }
0x2: {  	[smem:$0x3F99] =	sst lr;
	_ =	strace $0xD0000000  }
0x3: {  	_ = 	snop  }
0x4: {  	_ = 	snop  }
0x5: {  	_ = 	snop  }
0x6: {  	_ = 	snop  }
0x7: {  	_ = 	snop  }
__scs_overlays_trampoline_lowered:
0x8: {  	[smem:$0x3FA8] =	sst s0  }
0x9: {  	[smem:$0x3FA9] =	sst s1  }
0xa: {  	[smem:$0x3FAA] =	sst s2  }
0xb: {  	[smem:$0x3FAB] =	sst s3  }
0xc: {  	[smem:$0x3FAC] =	sst s4  }
0xd: {  	[smem:$0x3FAD] =	sst s5  }
0xe: {  	[smem:$0x3FAE] =	sst s6  }
0xf: {  	[smem:$0x3FAF] =	sst s7  }
0x10: {  	[smem:$0x3FB0] =	sst s8  }
0x11: {  	[smem:$0x3FB1] =	sst s9;
	s0 =	simm.s32 @!p0 $0x0  }
0x12: {  	s1 =	sld [smem:$0x3F97];
	s0 =	simm.s32 @p0 $0x1  }
0x13: {  	[smem:$0x3FB2] =	sst s0;
	s0 =	simm.s32 @!p1 $0x0  }
0x14: {  	s2 =	sld [smem:$0x3F96];
	s0 =	simm.s32 @p1 $0x1  }
0x15: {  	[smem:$0x3FB3] =	sst s0;
	s0 =	simm.s32 @!p2 $0x0  }
0x16: {  	s3 =	sld [smem:$0x3FDB];
	s0 =	simm.s32 @p2 $0x1  }
0x17: {  	s4 =	simm.s32 $0x1BF5;
	[smem:$0x3FB5] =	sst s0  }
0x18: {  	s0 =	sld [smem:$0x3F98];
	_ =	swait.ge [sflag:s4], $0x0  }
0x19: {  	s7 =	sld [smem:$0x3F99]  }
0x1a: {  	s8 =	sadd.s32 $0xFFFFE003, lr  }
0x1b: {  	s9 =	sadd.s32 $0xFFFFFEF7, lr;
	s5 =	simm.s32 $0xFFFFFFFF;
	p2 =	slt.u32 s8, $0xFFFFF086  }
0x1c: {  	p1 =	slt.u32 s9, $0xF7A;
	s5 =	simm.s32 @!p2 $0x0  }
0x1d: {  	s5 =	simm.s32 @p1 $0x1;
	p0 =	seq.s32 s7, s2  }
0x1e: {  	s7 =	smul.u32 @!p0 $0xF7A, s2;
	p2 =	seq.s32 @!p0 s5, $0x0  }
0x1f: {  	s9 =	smul.u32 $0xF7A, s1;
	s8 =	simm.s32 @!p0 $0x1BF5;
	p2 =	por !p2, p0  }
0x20: {  	[sflag:s8] =	ssyncset.s32 @!p0 $0xFFFFF086;
	s6 =	sadd.s32 @!p0 s3, s7;
	s7 =	simm.s32 @!p0 $0x108  }
0x21: {  	s3 =	sadd.s32 s3, s9;
	s6 =	sadd.s32 @!p0 $0x88, s6;
	s7 =	simm.s32 @p2 $0x1082  }
0x22: {  	[simem:s7], [sflag:s8] =	dma.local @!p0 [hbm:s6], $0xF7A  }
0x23: {  	s9 =	sor.u32 $0xD0000000, s2;
	s6 =	simm.s32 $0x108;
	_ =	swait.ge @!p0 [sflag:s8], $0x0  }
0x24: {  	s3 =	sadd.s32 $0x88, s3;
	s6 =	simm.s32 @!p1 $0x1082;
	[sflag:s4] =	ssyncset.s32 $0xFFFFF086  }
0x25: {  	[simem:s6], [sflag:s4] =	dma.local [hbm:s3], $0xF7A  }
0x26: {  	[smem:$0x3F99] =	sst s1;
	(tag) =	ssettag s2;
	_ =	strace s9  }
0x27: {  	s1 =	sld [smem:$0x3FA9]  }
0x28: {  	s2 =	sld [smem:$0x3FAA]  }
0x29: {  	s4 =	sld [smem:$0x3FAC]  }
0x2a: {  	p0 =	seq.s32 s5, $0x0;
	s5 =	sld [smem:$0x3FAD]  }
0x2b: {  	s6 =	sld [smem:$0x3FAE]  }
0x2c: {  	s7 =	sld [smem:$0x3FAF]  }
0x2d: {  	s3 =	simm.s32 $0x108;
	s8 =	sld [smem:$0x3FB0]  }
0x2e: {  	s3 =	simm.s32 @!p0 $0x1082;
	s9 =	sld [smem:$0x3FB1]  }
0x2f: {  	lr =	sadd.s32 s0, s3;
	s0 =	sld [smem:$0x3FA8]  }
0x30: {  	s3 =	sld [smem:$0x3FAB]  }
0x31: {  	[smem:$0x3FB4] =	sst s10  }
0x32: {  	s10 =	sld [smem:$0x3FB2];
	_ =	sdelay $0x3  }
0x33: {  	p0 =	seq.s32 s10, $0x1;
	s10 =	sld [smem:$0x3FB4];
	_ =	sdelay $0x3  }
0x34: {  	[smem:$0x3FB4] =	sst s10  }
0x35: {  	s10 =	sld [smem:$0x3FB3];
	_ =	sdelay $0x3  }
0x36: {  	p1 =	seq.s32 s10, $0x1;
	s10 =	sld [smem:$0x3FB4];
	_ =	sdelay $0x3  }
0x37: {  	[smem:$0x3FB4] =	sst s10  }
0x38: {  	s10 =	sld [smem:$0x3FB5]  }
0x39: {  	_ = 	snop;
	(pc) =	sbr.ind lr, $3  }
0x3a: {  	_ = 	snop  }
0x3b: {  	_ = 	snop  }
0x3c: {  	p2 =	seq.s32 s10, $0x1;
	s10 =	sld [smem:$0x3FB4]  }
0x3d: {  	_ =	shalt  }
0x3e: {  	_ =	shalt  }
0x3f: {  	_ =	shalt  }
0x40: {  	_ =	shalt  }
0x41: {  	_ =	shalt  }
0x42: {  	_ =	shalt  }
0x43: {  	_ =	shalt  }
0x44: {  	_ =	shalt  }
0x45: {  	_ =	shalt  }
0x46: {  	_ =	shalt  }
0x47: {  	_ =	shalt  }
0x48: {  	_ =	shalt  }
0x49: {  	_ =	shalt  }
0x4a: {  	_ =	shalt  }
0x4b: {  	_ =	shalt  }
0x4c: {  	_ =	shalt  }
0x4d: {  	_ =	shalt  }
0x4e: {  	_ =	shalt  }
0x4f: {  	_ =	shalt  }
0x50: {  	_ =	shalt  }
0x51: {  	_ =	shalt  }
0x52: {  	_ =	shalt  }
0x53: {  	_ =	shalt  }
0x54: {  	_ =	shalt  }
0x55: {  	_ =	shalt  }
0x56: {  	_ =	shalt  }
0x57: {  	_ =	shalt  }
0x58: {  	_ =	shalt  }
0x59: {  	_ =	shalt  }
0x5a: {  	_ =	shalt  }
0x5b: {  	_ =	shalt  }
0x5c: {  	_ =	shalt  }
0x5d: {  	_ =	shalt  }
0x5e: {  	_ =	shalt  }
0x5f: {  	_ =	shalt  }
0x60: {  	_ =	shalt  }
0x61: {  	_ =	shalt  }
0x62: {  	_ =	shalt  }
0x63: {  	_ =	shalt  }
0x64: {  	_ =	shalt  }
0x65: {  	_ =	shalt  }
0x66: {  	_ =	shalt  }
0x67: {  	_ =	shalt  }
0x68: {  	_ =	shalt  }
0x69: {  	_ =	shalt  }
0x6a: {  	_ =	shalt  }
0x6b: {  	_ =	shalt  }
0x6c: {  	_ =	shalt  }
0x6d: {  	_ =	shalt  }
0x6e: {  	_ =	shalt  }
0x6f: {  	_ =	shalt  }
0x70: {  	_ =	shalt  }
0x71: {  	_ =	shalt  }
0x72: {  	_ =	shalt  }
0x73: {  	_ =	shalt  }
0x74: {  	_ =	shalt  }
0x75: {  	_ =	shalt  }
0x76: {  	_ =	shalt  }
0x77: {  	_ =	shalt  }
0x78: {  	_ =	shalt  }
0x79: {  	_ =	shalt  }
0x7a: {  	_ =	shalt  }
0x7b: {  	_ =	shalt  }
0x7c: {  	_ =	shalt  }
0x7d: {  	_ =	shalt  }
0x7e: {  	_ =	shalt  }
0x7f: {  	_ =	shalt  }
0x80: {  	_ =	shalt  }
0x81: {  	_ =	shalt  }
0x82: {  	_ =	shalt  }
0x83: {  	_ =	shalt  }
0x84: {  	_ =	shalt  }
0x85: {  	_ =	shalt  }
0x86: {  	_ =	shalt  }
0x87: {  	_ =	shalt  }
.Lfunc_end0:
.L_simem_size_0:
called_computation.1_lowered:
.L_overlay_start_0:
0x88: {  	s2 =	sld [smem:$0x3FD9]  }
0x89: {  	s3 =	sld [smem:$0x3FFE];
	_ =	sdelay $0x1  }
0x8a: {  	s1 =	srdreg.scid  }
0x8b: {  	s0 =	sand.u32 $0x1, s1  }
0x8c: {  	s14 =	sshll.u32 s0, $0xA;
	s2 =	sadd.s32 s3, s2  }
0x8d: {  	s2 =	sadd.s32 s2, s14  }
0x8e: {  	[smem:$0x3FC0] =	sst s2  }
0x8f: {  	_ = 	snop  }
0x90: {  	s2 =	sld [smem:$0x3FD0];
	_ =	sdelay $0x2  }
0x91: {  	s4 =	simm.s32 $0xA;
	s5 =	simm.s32 $0x10;
	s15 =	sld [smem:$0x3FC8]  }
0x92: {  	[smem:s5], [sflag:s4] =	dma.local [hbm:s2], $0x1  }
0x93: {  	_ =	swait.eq [sflag:s4], $0x1  }
0x94: {  	[sflag:s4] =	ssyncset.done $0x0  }
0x95: {  	[sflag:s4] =	ssyncadd.s32 $0xFFFFFFFF  }
0x96: {  	s16 =	sld [smem:$0x10];
	(tm) =	ssettm $0x1  }
0x97: {  	s17 =	sld [smem:$0x3FFB];
	_ =	sdelay $0x3  }
0x98: {  	_ =	strace s17  }
0x99: {  	s4 =	sld [smem:$0x3FFC];
	_ =	sdelay $0x3  }
0x9a: {  	_ =	strace s4  }
0x9b: {  	s4 =	sld [smem:$0x3FFD];
	_ =	sdelay $0x3  }
0x9c: {  	_ =	strace s4  }
0x9d: {  	_ =	strace $0x8FFFFFFF  }
0x9e: {  	s18 =	sld [smem:$0x3FDB];
	_ =	sdelay $0x1  }
0x9f: {  	s19 =	simm.s32 $_scs_section_size  }
0xa0: {  	s6 =	simm.s32 $_size__tile_overlayer_lowered;
	s7 =	simm.s32 $_tile_overlayer_lowered  }
0xa1: {  	s22 =	simm.s32 $0x1BFF;
	s21 =	sshll.u32 s7, $0x1;
	s4 =	sadd.s32 s19, s18  }
0xa2: {  	s8 =	simm.s32 $0x0;
	s20 =	sshll.u32 s6, $0x1;
	s6 =	sadd.s32 s21, s4  }
0xa3: {  	[timem:s8], [sflag:s22] =	dma.local [hbm:s6], s20  }
0xa4: {  	_ =	swait.ge [sflag:s22], s20  }
0xa5: {  	s5 =	ssub.s32 $0x0, s20;
	[sflag:s22] =	ssyncset.done $0x0  }
0xa6: {  	[sflag:s22] =	ssyncadd.s32 s5;
	_ =	sdelay $0x1  }
0xa7: {  	s23 =	simm.s32 $0x1B8B  }
0xa8: {  	_ =	swait.ge [sflag:s23], $0x1  }
0xa9: {  	[sflag:s23] =	ssyncset.done $0x0  }
0xaa: {  	s25 =	simm.s32 $0x1B8E;
	s24 =	sld [smem:$0x3FFE];
	[sflag:s23] =	ssyncadd.s32 $0xFFFFFFFF  }
0xab: {  	s26 =	simm.s32 $execute0_lowered;
	[smem:$0x3FD2] =	sst s25  }
0xac: {  	s6 =	sshll.u32 s26, $0x1;
	_ =	strace $0x80000049;
	[dreg:$0x1] =	wrdreg $0xFFFFFFFF  }
0xad: {  	s28 =	simm.s32 $_size_execute0_lowered;
	s4 =	sadd.s32 s4, s6;
	[dreg:$0x0] =	wrdreg $0x0  }
0xae: {  	s6 =	sshll.u32 s28, $0x1;
	[dreg:$0x2] =	wrdreg s4  }
0xaf: {  	[dreg:$0x3] =	wrdreg s6  }
0xb0: {  	[dreg:$0x4] =	wrdreg $0xC0  }
0xb1: {  	_ =	task [dreg:s8], $0x5FFFF  }
0xb2: {  	[dreg:$0x1] =	wrdreg $0xFFFFFFFF  }
0xb3: {  	[dreg:$0x0] =	wrdreg $0x60  }
0xb4: {  	[dreg:$0x2] =	wrdreg s16  }
0xb5: {  	[dreg:$0x3] =	wrdreg s15  }
0xb6: {  	[dreg:$0x4] =	wrdreg s24  }
0xb7: {  	[dreg:$0x5] =	wrdreg $0x90000  }
0xb8: {  	[dreg:$0x6] =	wrdreg $0x9  }
0xb9: {  	_ =	task.clear_ibuf [dreg:s8], $0x7FFFF;
	_ =	strace $0x90000049  }
0xba: {  	s29 =	simm.s32 $0x9;
	_ =	strace $0x8000004B  }
0xbb: {  	_ =	swait.ge [sflag:s29], $0x1  }
0xbc: {  	[sflag:s29] =	ssyncadd.s32 $0xFFFFFFFF  }
0xbd: {  	_ =	strace $0x9000004B  }
0xbe: {  	_ =	sfence  }
0xbf: {  	s30 =	sld [smem:$0x0];
	_ =	sdelay $0x2  }
0xc0: {  	s31 =	sshll.u32 s1, $0xD;
	s1 =	sshrl.u32 s1, $0x2  }
0xc1: {  	s3 =	sand.u32 $0x4000, s31;
	s1 =	sadd.s32 s1, s30  }
0xc2: {  	s0 =	sor.u32 s3, s0;
	s1 =	sshll.u32 s1, $0x11  }
0xc3: {  	s0 =	sor.u32 s1, s0  }
0xc4: {  	s0 =	sadd.s32 $0x8F2B, s0  }
0xc5: {  	[sflag:s0] =	ssyncadd.remote.s32 $0x1  }
0xc6: {  	_ =	sfence.sel $0xFFFF  }
0xc7: {  	[dreg:$0x0] =	wrdreg $0xFFFFFFFF;
	(pc) =	sbr.abs _section_cstart, $3  }
0xc8: {  	[dreg:$0x1] =	wrdreg $0xFFFFFFFF  }
0xc9: {  	_ =	task.clear_ibuf [dreg:s8], $0x2FFFF;
	_ =	strace $0x9FFFFFFF  }
0xca: {  	(tm) =	ssettm $0x7FFFFFFF  }
0xcb: {  	_ =	shalt  }
tec
execute0_lowered:
.L_overlay_start_1:
0x0: {  	(tag) =	ssettag $0x1  }
0x1: {  	s0 =	rddreg [dreg:$0x0]  }
0x2: {  	s1 =	rddreg [dreg:$0x1]  }
0x3: {  	s2 =	srdreg.scid;
	s18 =	stileid.u32  }
0x4: {  	s5 =	rddreg [dreg:$0x2];
	s7 =	smul.u32 $0x14000, s18  }
0x5: {  	s3 =	rddreg [dreg:$0x3];
	s4 =	simm.s32 $0x0;
	s9 =	smul.u32 $0x50000, s18  }
0x6: {  	s2 =	sand.u32 $0x1, s2;
	[smem:$0x7FF] =	sst s4;
	s22 =	smul.u32 $0x4E00, s18  }
0x7: {  	s28 =	sshll.u32 s18, $0x5;
	s6 =	smul.u32 $0x140000, s2;
	s16 =	sshll.u32 s2, $0x4  }
0x8: {  	s8 =	ssub.s32 $0x2, s2;
	_ =	strace $0x8000004A;
	s21 =	smul.u32 $0x4E000, s2  }
0x9: {  	s29 =	sadd.s32 s28, s1;
	s2 =	smul.u32 $0x9C00, s2;
	s10 =	sshrl.u32 s8, $0x1  }
0xa: {  	s17 =	sshrl.u32 s9, $0x2;
	s6 =	sadd.s32 s7, s6;
	s7 =	sor.u32 s18, s16  }
0xb: {  	s8 =	ssub.s32 s8, s10;
	s9 =	sadd.s32 s22, s21;
	s2 =	sadd.s32 s2, s1  }
0xc: {  	s10 =	sadd.s32 $0x13810, s29;
	s6 =	sshrl.u32 s6, $0x3;
	s11 =	smul.u32 $0x4E00, s7  }
0xd: {  	s30 =	sadd.s32 $0xB00, s9;
	s12 =	sadd.s32 $0xB80, s9;
	s13 =	sadd.s32 $0xA00, s9  }
0xe: {  	s14 =	sadd.s32 $0xA80, s9;
	s15 =	sadd.s32 $0x900, s9;
	s16 =	sadd.s32 $0x980, s9  }
0xf: {  	p0 =	sgt.u32 s7, $0x3;
	[dreg:$0xc] =	wrdreg s10;
	s22 =	smax.u32 s8, $0x1  }
0x10: {  	s10 =	simm.s32 $0x6;
	s19 =	sadd.s32 s6, s5;
	s5 =	sadd.s32 s17, s3  }
0x11: {  	s12 =	sshrl.u32 s12, $0x3;
	s13 =	sshrl.u32 s13, $0x3;
	s14 =	sshrl.u32 s14, $0x3  }
0x12: {  	s15 =	sshrl.u32 s15, $0x3;
	s17 =	sadd.s32 $0x880, s9;
	s9 =	sadd.s32 $0x800, s9  }
0x13: {  	[dreg:$0xe] =	wrdreg s22;
	s20 =	sshrl.u32 s11, $0x3;
	s11 =	sshrl.u32 s30, $0x3  }
0x14: {  	s9 =	sshrl.u32 s9, $0x3;
	s21 =	sadd.s32 $0x1C00, s19;
	s30 =	sadd.s32 $0x8000, s5  }
0x15: {  	s6 =	sadd.s32 s1, s20;
	s20 =	smul.u32 $0x9C0, s18;
	[dreg:$0xd] =	wrdreg s21  }
0x16: {  	s18 =	sadd.s32 s9, s1;
	s9 =	sadd.s32 $0x13800, s29;
	[dreg:$0x15] =	wrdreg s30  }
0x17: {  	s16 =	sshrl.u32 s16, $0x3;
	s29 =	sadd.s32 $0x4000, s5;
	[dreg:$0xb] =	wrdreg s9  }
0x18: {  	s22 =	simm.s32 $0x5000;
	s23 =	sadd.s32 $0x10, s6;
	[dreg:$0x14] =	wrdreg s29  }
0x19: {  	s12 =	sadd.s32 s12, s1;
	s24 =	sadd.s32 $0x20, s6;
	[dreg:$0x5] =	wrdreg s23  }
0x1a: {  	s13 =	sadd.s32 s13, s1;
	s25 =	sadd.s32 $0x30, s6;
	[dreg:$0x6] =	wrdreg s24  }
0x1b: {  	s14 =	sadd.s32 s14, s1;
	s26 =	sadd.s32 $0x40, s6;
	[dreg:$0x7] =	wrdreg s25  }
0x1c: {  	s15 =	sadd.s32 s15, s1;
	s31 =	sadd.s32 $0x50, s6;
	[dreg:$0x8] =	wrdreg s26  }
0x1d: {  	s16 =	sadd.s32 s16, s1;
	s28 =	sadd.s32 $0xB0, s6;
	[dreg:$0x9] =	wrdreg s31  }
0x1e: {  	s20 =	sadd.s32 s20, s2;
	s2 =	sadd.s32 $0x60, s6;
	[dreg:$0x13] =	wrdreg s28  }
0x1f: {  	s17 =	sshrl.u32 s17, $0x3;
	s23 =	sadd.s32 $0x70, s6;
	[dreg:$0xa] =	wrdreg s2  }
0x20: {  	s8 =	sadd.s32 $0x10000, s5;
	s24 =	sadd.s32 $0x80, s6;
	[dreg:$0xf] =	wrdreg s23  }
0x21: {  	s19 =	simm.s32 $0x80;
	s25 =	sadd.s32 $0x90, s6;
	[dreg:$0x10] =	wrdreg s24  }
0x22: {  	s11 =	sadd.s32 s11, s1;
	s26 =	sadd.s32 $0xA0, s6;
	[dreg:$0x11] =	wrdreg s25  }
0x23: {  	s17 =	sadd.s32 s17, s1;
	s31 =	sadd.s32 $0xC000, s5;
	[dreg:$0x12] =	wrdreg s26  }
0x24: {  	s21 =	simm.s32 $0x2;
	s9 =	simm.s32 $0x1000;
	[dreg:$0x16] =	wrdreg s31  }
0x25: {  	v0 =	vimm.f32 $0.0e+00;
	s23 =	simm.s32 $0x3;
	s24 =	simm.s32 $0x4;
	s25 =	simm.s32 $0x5  }
.LBB2_1:
0x26: {  	s26 =	simm.s32 $0x0;
	s28 =	simm.s32 $0x200  }
.LBB2_2:
0x27: {  	p1 =	sne.s32 s28, $0xFE00;
	[tilespmem:s26+$0x1070] =	vst v0  }
0x28: {  	[tilespmem:s26+$0x1000] =	vst v0  }
0x29: {  	[tilespmem:s26+$0x1010] =	vst v0  }
.Ltmp0:
0x2a: {  	[tilespmem:s26+$0x1020] =	vst v0;
	(pc) =	sbr.rel @p1 .LBB2_2-.Ltmp0, $4  }
0x2b: {  	[tilespmem:s26+$0x1030] =	vst v0  }
0x2c: {  	[tilespmem:s26+$0x1040] =	vst v0  }
0x2d: {  	[tilespmem:s26+$0x1050] =	vst v0  }
0x2e: {  	[tilespmem:s26+$0x1060] =	vst v0;
	s26 =	sshra.s32 s28, $0x2;
	s28 =	sadd.s32 $0x200, s28  }
0x2f: {  	[tilespmem:s26+$0x1070] =	vst v0  }
0x30: {  	[tilespmem:s26+$0x1000] =	vst v0  }
0x31: {  	[tilespmem:s26+$0x1010] =	vst v0  }
0x32: {  	[tilespmem:s26+$0x1020] =	vst v0  }
0x33: {  	[tilespmem:s26+$0x1030] =	vst v0  }
0x34: {  	[tilespmem:s26+$0x1040] =	vst v0  }
0x35: {  	[tilespmem:s26+$0x1050] =	vst v0  }
0x36: {  	[tilespmem:s26+$0x1060] =	vst v0  }
0x37: {  	[spmem:s5] =	stream.linear.scatter [tilespmem:s9], [sflag:$0x6], $0x4000, $0x38;
	[tilespmem:$0x1D000] =	vst v63  }
0x38: {  	_ =	swait.ge [sflag:s10], $0x4000  }
0x39: {  	[sflag:s10] =	ssyncset.done $0x0  }
0x3a: {  	s1 =	rddreg [dreg:$0x14];
	[sflag:s10] =	ssyncadd.s32 $0xFFFFC000  }
0x3b: {  	[spmem:s1] =	stream.linear.scatter [tilespmem:s9], [sflag:$0x6], $0x4000, $0x38;
	[tilespmem:$0x1D000] =	vst v63  }
0x3c: {  	_ =	swait.ge [sflag:s10], $0x4000  }
0x3d: {  	[sflag:s10] =	ssyncset.done $0x0  }
0x3e: {  	s26 =	rddreg [dreg:$0x15];
	[sflag:s10] =	ssyncadd.s32 $0xFFFFC000  }
0x3f: {  	[spmem:s26] =	stream.linear.scatter [tilespmem:s9], [sflag:$0x6], $0x4000, $0x38;
	[tilespmem:$0x1D000] =	vst v63  }
0x40: {  	_ =	swait.ge [sflag:s10], $0x4000  }
0x41: {  	[sflag:s10] =	ssyncset.done $0x0  }
0x42: {  	s30 =	rddreg [dreg:$0x16];
	[sflag:s10] =	ssyncadd.s32 $0xFFFFC000  }
0x43: {  	[spmem:s30] =	stream.linear.scatter [tilespmem:s9], [sflag:$0x6], $0x4000, $0x38;
	[tilespmem:$0x1D000] =	vst v63  }
0x44: {  	_ =	swait.ge [sflag:s10], $0x4000  }
0x45: {  	[sflag:s10] =	ssyncset.done $0x0  }
0x46: {  	[sflag:s10] =	ssyncadd.s32 $0xFFFFC000  }
0x47: {  	[spmem:s8] =	stream.linear.scatter [tilespmem:s9], [sflag:$0x6], $0x4000, $0x38;
	[tilespmem:$0x1D000] =	vst v63  }
0x48: {  	_ =	swait.ge [sflag:s10], $0x4000  }
0x49: {  	[sflag:s10] =	ssyncset.done $0x0  }
0x4a: {  	s26 =	simm.s32 $0x0;
	[sflag:s10] =	ssyncadd.s32 $0xFFFFC000  }
0x4b: {  	[tilespmem:s26], [sflag:$0x1] =	stream.linear.gather [hbm4b:s6+s26], $0x80, $0x38;
	[tilespmem:$0x1D000] =	vst v63  }
0x4c: {  	s2 =	simm.s32 $0x800;
	s31 =	rddreg [dreg:$0x5]  }
0x4d: {  	[tilespmem:s2], [sflag:$0x1] =	stream.linear.gather [hbm4b:s31+s26], $0x80, $0x38;
	[tilespmem:$0x1D000] =	vst v63  }
0x4e: {  	s7 =	rddreg [dreg:$0x6]  }
0x4f: {  	[tilespmem:s19], [sflag:$0x1] =	stream.linear.gather [hbm4b:s7+s26], $0x80, $0x38;
	[tilespmem:$0x1D000] =	vst v63  }
0x50: {  	s30 =	rddreg [dreg:$0x7];
	s31 =	simm.s32 $0x880  }
0x51: {  	[tilespmem:s31], [sflag:$0x1] =	stream.linear.gather [hbm4b:s30+s26], $0x80, $0x38;
	[tilespmem:$0x1D000] =	vst v63  }
0x52: {  	s2 =	rddreg [dreg:$0x8];
	s7 =	simm.s32 $0x100  }
0x53: {  	[tilespmem:s7], [sflag:$0x1] =	stream.linear.gather [hbm4b:s2+s26], $0x80, $0x38;
	[tilespmem:$0x1D000] =	vst v63  }
0x54: {  	s30 =	rddreg [dreg:$0x9];
	s31 =	simm.s32 $0x900  }
0x55: {  	[tilespmem:s31], [sflag:$0x1] =	stream.linear.gather [hbm4b:s30+s26], $0x80, $0x38;
	[tilespmem:$0x1D000] =	vst v63  }
0x56: {  	s2 =	rddreg [dreg:$0xa];
	s7 =	simm.s32 $0x180  }
0x57: {  	[tilespmem:s7], [sflag:$0x1] =	stream.linear.gather [hbm4b:s2+s26], $0x80, $0x38;
	[tilespmem:$0x1D000] =	vst v63  }
0x58: {  	s30 =	rddreg [dreg:$0xf];
	s31 =	simm.s32 $0x980  }
0x59: {  	[tilespmem:s31], [sflag:$0x1] =	stream.linear.gather [hbm4b:s30+s26], $0x80, $0x38;
	[tilespmem:$0x1D000] =	vst v63  }
0x5a: {  	s2 =	rddreg [dreg:$0x10];
	s7 =	simm.s32 $0x200  }
0x5b: {  	[tilespmem:s7], [sflag:$0x1] =	stream.linear.gather [hbm4b:s2+s26], $0x80, $0x38;
	[tilespmem:$0x1D000] =	vst v63  }
0x5c: {  	s30 =	rddreg [dreg:$0x11];
	s31 =	simm.s32 $0xA00  }
0x5d: {  	[tilespmem:s31], [sflag:$0x1] =	stream.linear.gather [hbm4b:s30+s26], $0x80, $0x38;
	[tilespmem:$0x1D000] =	vst v63  }
0x5e: {  	s2 =	rddreg [dreg:$0x12];
	s7 =	simm.s32 $0x280  }
0x5f: {  	[tilespmem:s7], [sflag:$0x1] =	stream.linear.gather [hbm4b:s2+s26], $0x80, $0x38;
	[tilespmem:$0x1D000] =	vst v63  }
0x60: {  	s28 =	simm.s32 $0x1;
	s30 =	rddreg [dreg:$0x13];
	s31 =	simm.s32 $0xA80  }
0x61: {  	[tilespmem:s31], [sflag:$0x1] =	stream.linear.gather [hbm4b:s30+s26], $0x80, $0x38;
	[tilespmem:$0x1D000] =	vst v63  }
0x62: {  	_ =	swait.ge [sflag:s28], $0x80  }
0x63: {  	[sflag:s28] =	ssyncset.done $0x0  }
0x64: {  	[sflag:s28] =	ssyncadd.s32 $0xFFFFFF80  }
0x65: {  	_ =	swait.ge [sflag:s28], $0x80  }
0x66: {  	[sflag:s28] =	ssyncset.done $0x0  }
0x67: {  	[sflag:s28] =	ssyncadd.s32 $0xFFFFFF80  }
0x68: {  	_ =	swait.ge [sflag:s28], $0x80  }
0x69: {  	[sflag:s28] =	ssyncset.done $0x0  }
0x6a: {  	[sflag:s28] =	ssyncadd.s32 $0xFFFFFF80  }
0x6b: {  	_ =	swait.ge [sflag:s28], $0x80  }
0x6c: {  	[sflag:s28] =	ssyncset.done $0x0  }
0x6d: {  	[sflag:s28] =	ssyncadd.s32 $0xFFFFFF80  }
0x6e: {  	_ =	swait.ge [sflag:s28], $0x80  }
0x6f: {  	[sflag:s28] =	ssyncset.done $0x0  }
0x70: {  	[sflag:s28] =	ssyncadd.s32 $0xFFFFFF80  }
0x71: {  	_ =	swait.ge [sflag:s28], $0x80  }
0x72: {  	[sflag:s28] =	ssyncset.done $0x0  }
0x73: {  	[sflag:s28] =	ssyncadd.s32 $0xFFFFFF80  }
0x74: {  	_ =	swait.ge [sflag:s28], $0x80  }
0x75: {  	[sflag:s28] =	ssyncset.done $0x0  }
0x76: {  	[sflag:s28] =	ssyncadd.s32 $0xFFFFFF80  }
0x77: {  	_ =	swait.ge [sflag:s28], $0x80  }
0x78: {  	[sflag:s28] =	ssyncset.done $0x0  }
0x79: {  	[sflag:s28] =	ssyncadd.s32 $0xFFFFFF80  }
0x7a: {  	_ =	swait.ge [sflag:s28], $0x80  }
0x7b: {  	[sflag:s28] =	ssyncset.done $0x0  }
0x7c: {  	[sflag:s28] =	ssyncadd.s32 $0xFFFFFF80  }
0x7d: {  	_ =	swait.ge [sflag:s28], $0x80  }
0x7e: {  	[sflag:s28] =	ssyncset.done $0x0  }
0x7f: {  	[sflag:s28] =	ssyncadd.s32 $0xFFFFFF80  }
0x80: {  	_ =	swait.ge [sflag:s28], $0x80  }
0x81: {  	[sflag:s28] =	ssyncset.done $0x0  }
0x82: {  	[sflag:s28] =	ssyncadd.s32 $0xFFFFFF80  }
0x83: {  	_ =	swait.ge [sflag:s28], $0x80  }
0x84: {  	[sflag:s28] =	ssyncset.done $0x0  }
0x85: {  	[sflag:s28] =	ssyncadd.s32 $0xFFFFFF80  }
0x86: {  	s29 =	simm.s32 $0x0;
	[bflag:$0x0] =	sbarrier.arrive $0xFFFF  }
0x87: {  	[tilespmem:s9], [sflag:$0x2] =	stream.indirect.gather [hbm4b:s0+s19], $0x80, s26, s19, $0xb8;
	[tilespmem:$0x1D000] =	vst v63  }
.LBB2_4:
0x88: {  	p1 =	seq.s32 s29, $0x900  }
0x89: {  	s30 =	sand.u32 $0x1, s28;
	s31 =	sadd.s32 @!p1 s29, s20  }
0x8a: {  	s30 =	sshll.u32 @!p1 s30, $0xA;
	s1 =	simm.s32 @!p1 $0x0;
	s2 =	sadd.s32 @!p1 $0xC0, s31  }
0x8b: {  	[tilespmem:s30], [sflag:$0x1] =	stream.linear.gather @!p1 [hbm4b:s2+s1], $0x80, $0x38;
	[tilespmem:$0x1D000] =	vst v63  }
0x8c: {  	s7 =	sadd.s32 @!p1 $0xD0, s31;
	s2 =	sor.u32 @!p1 $0x800, s30  }
0x8d: {  	[tilespmem:s2], [sflag:$0x1] =	stream.linear.gather @!p1 [hbm4b:s7+s1], $0x80, $0x38;
	[tilespmem:$0x1D000] =	vst v63  }
0x8e: {  	s2 =	sor.u32 @!p1 $0x80, s30;
	s7 =	sadd.s32 @!p1 $0xE0, s31  }
0x8f: {  	[tilespmem:s2], [sflag:$0x1] =	stream.linear.gather @!p1 [hbm4b:s7+s1], $0x80, $0x38;
	[tilespmem:$0x1D000] =	vst v63  }
0x90: {  	s2 =	sor.u32 @!p1 $0x880, s30;
	s7 =	sadd.s32 @!p1 $0xF0, s31  }
0x91: {  	[tilespmem:s2], [sflag:$0x1] =	stream.linear.gather @!p1 [hbm4b:s7+s1], $0x80, $0x38;
	[tilespmem:$0x1D000] =	vst v63  }
0x92: {  	s2 =	sor.u32 @!p1 $0x100, s30;
	s7 =	sadd.s32 @!p1 s29, s18  }
0x93: {  	[tilespmem:s2], [sflag:$0x1] =	stream.linear.gather @!p1 [hbm4b:s7+s1], $0x80, $0x38;
	[tilespmem:$0x1D000] =	vst v63  }
0x94: {  	s2 =	sor.u32 @!p1 $0x900, s30;
	s7 =	sadd.s32 @!p1 s29, s17  }
0x95: {  	[tilespmem:s2], [sflag:$0x1] =	stream.linear.gather @!p1 [hbm4b:s7+s1], $0x80, $0x38;
	[tilespmem:$0x1D000] =	vst v63  }
0x96: {  	s2 =	sor.u32 @!p1 $0x180, s30;
	s7 =	sadd.s32 @!p1 s29, s15  }
0x97: {  	[tilespmem:s2], [sflag:$0x1] =	stream.linear.gather @!p1 [hbm4b:s7+s1], $0x80, $0x38;
	[tilespmem:$0x1D000] =	vst v63  }
0x98: {  	s2 =	sor.u32 @!p1 $0x980, s30;
	s7 =	sadd.s32 @!p1 s29, s16  }
0x99: {  	[tilespmem:s2], [sflag:$0x1] =	stream.linear.gather @!p1 [hbm4b:s7+s1], $0x80, $0x38;
	[tilespmem:$0x1D000] =	vst v63  }
0x9a: {  	s2 =	sor.u32 @!p1 $0x200, s30;
	s7 =	sadd.s32 @!p1 s29, s13  }
0x9b: {  	[tilespmem:s2], [sflag:$0x1] =	stream.linear.gather @!p1 [hbm4b:s7+s1], $0x80, $0x38;
	[tilespmem:$0x1D000] =	vst v63  }
0x9c: {  	s2 =	sor.u32 @!p1 $0xA00, s30;
	s7 =	sadd.s32 @!p1 s29, s14  }
0x9d: {  	[tilespmem:s2], [sflag:$0x1] =	stream.linear.gather @!p1 [hbm4b:s7+s1], $0x80, $0x38;
	[tilespmem:$0x1D000] =	vst v63  }
0x9e: {  	s2 =	sor.u32 @!p1 $0x280, s30;
	s7 =	sadd.s32 @!p1 s29, s11  }
0x9f: {  	[tilespmem:s2], [sflag:$0x1] =	stream.linear.gather @!p1 [hbm4b:s7+s1], $0x80, $0x38;
	[tilespmem:$0x1D000] =	vst v63  }
0xa0: {  	s2 =	sor.u32 @!p1 $0xA80, s30;
	s7 =	sadd.s32 @!p1 s29, s12  }
0xa1: {  	[tilespmem:s2], [sflag:$0x1] =	stream.linear.gather @!p1 [hbm4b:s7+s1], $0x80, $0x38;
	[tilespmem:$0x1D000] =	vst v63  }
0xa2: {  	_ =	swait.ge [sflag:s21], $0x4000  }
0xa3: {  	p2 =	seq.s32 s29, $0x0;
	s1 =	sand.u32 $0x400, s26;
	[sflag:s21] =	ssyncset.done $0x0  }
0xa4: {  	s2 =	simm.s32 @!p2 $0x5;
	s7 =	sor.u32 $0x800, s1;
	[sflag:s21] =	ssyncadd.s32 $0xFFFFC000  }
0xa5: {  	[spmem:s3] =	stream.indirect.scatter.add.f32 [tilespmem:s9], [sflag:$0x4], $0x80, s7, s19, $0xb8;
	[tilespmem:$0x1D000] =	vst v63  }
0xa6: {  	_ =	swait.ge @!p2 [sflag:s2], $0x4000  }
0xa7: {  	[sflag:s2] =	ssyncset.done @!p2 $0x0  }
0xa8: {  	s31 =	sor.u32 $0x80, s1;
	[sflag:s2] =	ssyncadd.s32 @!p2 $0xFFFFC000  }
0xa9: {  	[tilespmem:s22], [sflag:$0x3] =	stream.indirect.gather [hbm4b:s0+s19], $0x80, s31, s19, $0xb8;
	[tilespmem:$0x1D000] =	vst v63  }
0xaa: {  	_ =	swait.ge [sflag:s23], $0x4000  }
0xab: {  	[sflag:s23] =	ssyncset.done $0x0  }
0xac: {  	s7 =	sor.u32 $0x880, s1;
	[sflag:s23] =	ssyncadd.s32 $0xFFFFC000  }
0xad: {  	[spmem:s3] =	stream.indirect.scatter.add.f32 [tilespmem:s22], [sflag:$0x5], $0x80, s7, s19, $0xb8;
	[tilespmem:$0x1D000] =	vst v63  }
0xae: {  	_ =	swait.ge [sflag:s24], $0x4000  }
0xaf: {  	[sflag:s24] =	ssyncset.done $0x0  }
0xb0: {  	s31 =	sor.u32 $0x100, s1;
	[sflag:s24] =	ssyncadd.s32 $0xFFFFC000  }
0xb1: {  	[tilespmem:s9], [sflag:$0x2] =	stream.indirect.gather [hbm4b:s0+s19], $0x80, s31, s19, $0xb8;
	[tilespmem:$0x1D000] =	vst v63  }
0xb2: {  	_ =	swait.ge [sflag:s21], $0x4000  }
0xb3: {  	[sflag:s21] =	ssyncset.done $0x0  }
0xb4: {  	s7 =	sor.u32 $0x900, s1;
	[sflag:s21] =	ssyncadd.s32 $0xFFFFC000  }
0xb5: {  	[spmem:s3] =	stream.indirect.scatter.add.f32 [tilespmem:s9], [sflag:$0x4], $0x80, s7, s19, $0xb8;
	[tilespmem:$0x1D000] =	vst v63  }
0xb6: {  	_ =	swait.ge [sflag:s25], $0x4000  }
0xb7: {  	[sflag:s25] =	ssyncset.done $0x0  }
0xb8: {  	s31 =	sor.u32 $0x180, s1;
	[sflag:s25] =	ssyncadd.s32 $0xFFFFC000  }
0xb9: {  	[tilespmem:s22], [sflag:$0x3] =	stream.indirect.gather [hbm4b:s0+s19], $0x80, s31, s19, $0xb8;
	[tilespmem:$0x1D000] =	vst v63  }
0xba: {  	_ =	swait.ge [sflag:s23], $0x4000  }
0xbb: {  	[sflag:s23] =	ssyncset.done $0x0  }
0xbc: {  	s7 =	sor.u32 $0x980, s1;
	[sflag:s23] =	ssyncadd.s32 $0xFFFFC000  }
0xbd: {  	[spmem:s3] =	stream.indirect.scatter.add.f32 [tilespmem:s22], [sflag:$0x5], $0x80, s7, s19, $0xb8;
	[tilespmem:$0x1D000] =	vst v63  }
0xbe: {  	_ =	swait.ge [sflag:s24], $0x4000  }
0xbf: {  	[sflag:s24] =	ssyncset.done $0x0  }
0xc0: {  	s31 =	sor.u32 $0x200, s1;
	[sflag:s24] =	ssyncadd.s32 $0xFFFFC000  }
0xc1: {  	[tilespmem:s9], [sflag:$0x2] =	stream.indirect.gather [hbm4b:s0+s19], $0x80, s31, s19, $0xb8;
	[tilespmem:$0x1D000] =	vst v63  }
0xc2: {  	_ =	swait.ge [sflag:s21], $0x4000  }
0xc3: {  	[sflag:s21] =	ssyncset.done $0x0  }
0xc4: {  	s7 =	sor.u32 $0xA00, s1;
	[sflag:s21] =	ssyncadd.s32 $0xFFFFC000  }
0xc5: {  	[spmem:s3] =	stream.indirect.scatter.add.f32 [tilespmem:s9], [sflag:$0x4], $0x80, s7, s19, $0xb8;
	[tilespmem:$0x1D000] =	vst v63  }
0xc6: {  	_ =	swait.ge [sflag:s25], $0x4000  }
0xc7: {  	[sflag:s25] =	ssyncset.done $0x0  }
0xc8: {  	s31 =	sor.u32 $0x280, s1;
	[sflag:s25] =	ssyncadd.s32 $0xFFFFC000  }
0xc9: {  	[tilespmem:s22], [sflag:$0x3] =	stream.indirect.gather [hbm4b:s0+s19], $0x80, s31, s19, $0xb8;
	[tilespmem:$0x1D000] =	vst v63  }
0xca: {  	_ =	swait.ge [sflag:s23], $0x4000  }
0xcb: {  	[sflag:s23] =	ssyncset.done $0x0  }
0xcc: {  	s1 =	sor.u32 $0xA80, s1;
	[sflag:s23] =	ssyncadd.s32 $0xFFFFC000  }
0xcd: {  	[spmem:s3] =	stream.indirect.scatter.add.f32 [tilespmem:s22], [sflag:$0x5], $0x80, s1, s19, $0xb8;
	[tilespmem:$0x1D000] =	vst v63  }
0xce: {  	_ =	swait.ge [sflag:s24], $0x4000  }
0xcf: {  	[sflag:s24] =	ssyncset.done $0x0  }
0xd0: {  	s1 =	simm.s32 @!p1 $0x1;
	[sflag:s24] =	ssyncadd.s32 $0xFFFFC000  }
0xd1: {  	_ =	swait.ge @!p1 [sflag:s1], $0x80  }
0xd2: {  	[sflag:s1] =	ssyncset.done @!p1 $0x0  }
0xd3: {  	[sflag:s1] =	ssyncadd.s32 @!p1 $0xFFFFFF80  }
0xd4: {  	_ =	swait.ge @!p1 [sflag:s1], $0x80  }
0xd5: {  	[sflag:s1] =	ssyncset.done @!p1 $0x0  }
0xd6: {  	[sflag:s1] =	ssyncadd.s32 @!p1 $0xFFFFFF80  }
0xd7: {  	_ =	swait.ge @!p1 [sflag:s1], $0x80  }
0xd8: {  	[sflag:s1] =	ssyncset.done @!p1 $0x0  }
0xd9: {  	[sflag:s1] =	ssyncadd.s32 @!p1 $0xFFFFFF80  }
0xda: {  	_ =	swait.ge @!p1 [sflag:s1], $0x80  }
0xdb: {  	[sflag:s1] =	ssyncset.done @!p1 $0x0  }
0xdc: {  	[sflag:s1] =	ssyncadd.s32 @!p1 $0xFFFFFF80  }
0xdd: {  	_ =	swait.ge @!p1 [sflag:s1], $0x80  }
0xde: {  	[sflag:s1] =	ssyncset.done @!p1 $0x0  }
0xdf: {  	[sflag:s1] =	ssyncadd.s32 @!p1 $0xFFFFFF80  }
0xe0: {  	_ =	swait.ge @!p1 [sflag:s1], $0x80  }
0xe1: {  	[sflag:s1] =	ssyncset.done @!p1 $0x0  }
0xe2: {  	[sflag:s1] =	ssyncadd.s32 @!p1 $0xFFFFFF80  }
0xe3: {  	_ =	swait.ge @!p1 [sflag:s1], $0x80  }
0xe4: {  	[sflag:s1] =	ssyncset.done @!p1 $0x0  }
0xe5: {  	[sflag:s1] =	ssyncadd.s32 @!p1 $0xFFFFFF80  }
0xe6: {  	_ =	swait.ge @!p1 [sflag:s1], $0x80  }
0xe7: {  	[sflag:s1] =	ssyncset.done @!p1 $0x0  }
0xe8: {  	[sflag:s1] =	ssyncadd.s32 @!p1 $0xFFFFFF80  }
0xe9: {  	_ =	swait.ge @!p1 [sflag:s1], $0x80  }
0xea: {  	[sflag:s1] =	ssyncset.done @!p1 $0x0  }
0xeb: {  	[sflag:s1] =	ssyncadd.s32 @!p1 $0xFFFFFF80  }
0xec: {  	_ =	swait.ge @!p1 [sflag:s1], $0x80  }
0xed: {  	[sflag:s1] =	ssyncset.done @!p1 $0x0  }
0xee: {  	s29 =	sadd.s32 @!p1 $0xC0, s29;
	[sflag:s1] =	ssyncadd.s32 @!p1 $0xFFFFFF80  }
0xef: {  	p2 =	sne.s32 @!p1 s29, $0x9C0;
	_ =	swait.ge @!p1 [sflag:s1], $0x80  }
0xf0: {  	p2 =	por p1, !p2;
	[sflag:s1] =	ssyncset.done @!p1 $0x0  }
.Ltmp1:
0xf1: {  	[sflag:s1] =	ssyncadd.s32 @!p1 $0xFFFFFF80;
	(pc) =	sbr.rel @!p2 .LBB2_4-.Ltmp1, $4  }
0xf2: {  	_ =	swait.ge @!p1 [sflag:s1], $0x80  }
0xf3: {  	s28 =	sadd.s32 @!p1 $0x1, s28;
	s26 =	sadd.s32 @!p1 $0x400, s26;
	[sflag:s1] =	ssyncset.done @!p1 $0x0  }
0xf4: {  	s2 =	simm.s32 @!p1 $0x1000;
	[sflag:s1] =	ssyncadd.s32 @!p1 $0xFFFFFF80;
	s1 =	simm.s32 @!p1 $0x80  }
0xf5: {  	[tilespmem:s2], [sflag:$0x2] =	stream.indirect.gather @!p1 [hbm4b:s0+s1], $0x80, s30, s1, $0xb8;
	[tilespmem:$0x1D000] =	vst v63  }
0xf6: {  	_ =	swait.ge [sflag:s25], $0x4000  }
0xf7: {  	[sflag:s25] =	ssyncset.done $0x0  }
0xf8: {  	s1 =	simm.s32 @!p0 $0x0;
	s2 =	rddreg [dreg:$0xb];
	[sflag:s25] =	ssyncadd.s32 $0xFFFFC000  }
0xf9: {  	[tilespmem:s1], [sflag:$0x1] =	stream.linear.gather @!p0 [hbm4b:s2+s1], $0x80, $0x38;
	[tilespmem:$0x1D000] =	vst v63  }
0xfa: {  	s7 =	rddreg [dreg:$0xc];
	s2 =	simm.s32 @!p0 $0x800  }
0xfb: {  	[tilespmem:s2], [sflag:$0x1] =	stream.linear.gather @!p0 [hbm4b:s7+s1], $0x80, $0x38;
	[tilespmem:$0x1D000] =	vst v63  }
0xfc: {  	s7 =	simm.s32 @!p0 $0x1  }
0xfd: {  	_ =	swait.ge @!p0 [sflag:s7], $0x80  }
0xfe: {  	[sflag:s7] =	ssyncset.done @!p0 $0x0  }
0xff: {  	[sflag:s7] =	ssyncadd.s32 @!p0 $0xFFFFFF80  }
0x100: {  	_ =	swait.ge @!p0 [sflag:s7], $0x80  }
0x101: {  	[sflag:s7] =	ssyncset.done @!p0 $0x0  }
0x102: {  	s26 =	simm.s32 @!p0 $0x1000;
	[sflag:s7] =	ssyncadd.s32 @!p0 $0xFFFFFF80;
	s7 =	simm.s32 @!p0 $0x80  }
0x103: {  	[tilespmem:s26], [sflag:$0x2] =	stream.indirect.gather @!p0 [hbm4b:s0+s7], $0x80, s1, s7, $0xb8;
	[tilespmem:$0x1D000] =	vst v63  }
0x104: {  	s1 =	simm.s32 @!p0 $0x2  }
0x105: {  	_ =	swait.ge @!p0 [sflag:s1], $0x4000  }
0x106: {  	[sflag:s1] =	ssyncset.done @!p0 $0x0  }
0x107: {  	[sflag:s1] =	ssyncadd.s32 @!p0 $0xFFFFC000;
	s1 =	simm.s32 @!p0 $0x6  }
0x108: {  	[spmem:s3] =	stream.indirect.scatter.add.f32 @!p0 [tilespmem:s26], [sflag:$0x6], $0x80, s2, s7, $0xb8;
	[tilespmem:$0x1D000] =	vst v63  }
0x109: {  	_ =	swait.ge @!p0 [sflag:s1], $0x4000  }
0x10a: {  	[sflag:s1] =	ssyncset.done @!p0 $0x0  }
0x10b: {  	s28 =	stileid.u32;
	[sflag:s1] =	ssyncadd.s32 @!p0 $0xFFFFC000  }
0x10c: {  	s1 =	sshll.u32 s28, $0x6;
	[bflag:$0x0] =	sbarrier.arrive $0xFFFF  }
0x10d: {  	s29 =	sshrl.u32 s5, $0x3;
	s1 =	sor.u32 $0x1C06, s1;
	s30 =	rddreg [dreg:$0xd]  }
0x10e: {  	[hbm:s30], [sflag:s1] =	dma.local [spmem:s29], $0x2800  }
0x10f: {  	_ =	swait.ge [sflag:s10], $0x2800  }
0x110: {  	s4 =	sadd.s32 $0x1, s4;
	s31 =	rddreg [dreg:$0xe]  }
0x111: {  	p1 =	sne.s32 s4, s31  }
.Ltmp2:
0x112: {  	_ = 	snop;
	(pc) =	sbr.rel @p1 .LBB2_1-.Ltmp2, $3  }
0x113: {  	_ =	sdelay $0x1  }
0x114: {  	[sflag:s10] =	ssyncset.done $0x0  }
0x115: {  	[sflag:s10] =	ssyncadd.s32 $0xFFFFD800  }
0x116: {  	_ =	sfence.sel $0x180000  }
0x117: {  	[bflag:$0x0] =	sbarrier.arrive $0xFFFF  }
0x118: {  	_ =	strace $0x9000004A  }
0x119: {  	s0 =	stileid.u32;
	[bflag:$0x2] =	sbarrier.arrive $0xFFFF  }
0x11a: {  	p0 =	sne.s32 s0, $0x0;
	s0 =	rddreg [dreg:$0x4]  }
0x11b: {  	s0 =	sadd.s32 @!p0 $0x100000, s0  }
0x11c: {  	[sflag:s0] =	ssyncadd.tile.s32 @!p0 $0x1;
	_ =	shalt  }
.Lfunc_end2:
_tile_overlayer_lowered:
.L_overlay_start_2:
0x11d: {  	(tag) =	ssettag $0x2  }
0x11e: {  	s0 =	rddreg [dreg:$0x0];
	s2 =	stileid.u32  }
0x11f: {  	s1 =	rddreg [dreg:$0x1];
	p0 =	sne.s32 s2, $0x0  }
0x120: {  	s3 =	rddreg [dreg:$0x2];
	[bflag:$0x3] =	sbarrier.arrive $0xFFFF;
	s2 =	simm.s32 @!p0 $0x1C06  }
0x121: {  	[timem:s3], [sflag:s2] =	dma.local @!p0 [hbm:s0], s1  }
0x122: {  	s0 =	simm.s32 @!p0 $0x6  }
0x123: {  	_ =	swait.ge @!p0 [sflag:s0], s1  }
0x124: {  	s1 =	ssub.s32 @!p0 $0x0, s1;
	[sflag:s0] =	ssyncset.done @!p0 $0x0  }
0x125: {  	[sflag:s0] =	ssyncadd.s32 @!p0 s1  }
0x126: {  	[bflag:$0x3] =	sbarrier.arrive $0xFFFF  }
0x127: {  	_ =	shalt  }

// kernel: kernel.7.cloned.1.call-start
scs
__scs_entry_jumppad:
0x0: {  	(pc) =	sbr.rel $0x88, $3  }
0x1: {  	(tag) =	ssettag $0x0;
	lr =	simm.s32 $0x1  }
0x2: {  	[smem:$0x3F99] =	sst lr;
	_ =	strace $0xD0000000  }
0x3: {  	_ = 	snop  }
0x4: {  	_ = 	snop  }
0x5: {  	_ = 	snop  }
0x6: {  	_ = 	snop  }
0x7: {  	_ = 	snop  }
__scs_overlays_trampoline_lowered:
0x8: {  	[smem:$0x3FA8] =	sst s0  }
0x9: {  	[smem:$0x3FA9] =	sst s1  }
0xa: {  	[smem:$0x3FAA] =	sst s2  }
0xb: {  	[smem:$0x3FAB] =	sst s3  }
0xc: {  	[smem:$0x3FAC] =	sst s4  }
0xd: {  	[smem:$0x3FAD] =	sst s5  }
0xe: {  	[smem:$0x3FAE] =	sst s6  }
0xf: {  	[smem:$0x3FAF] =	sst s7  }
0x10: {  	[smem:$0x3FB0] =	sst s8  }
0x11: {  	[smem:$0x3FB1] =	sst s9;
	s0 =	simm.s32 @!p0 $0x0  }
0x12: {  	s1 =	sld [smem:$0x3F97];
	s0 =	simm.s32 @p0 $0x1  }
0x13: {  	[smem:$0x3FB2] =	sst s0;
	s0 =	simm.s32 @!p1 $0x0  }
0x14: {  	s2 =	sld [smem:$0x3F96];
	s0 =	simm.s32 @p1 $0x1  }
0x15: {  	[smem:$0x3FB3] =	sst s0;
	s0 =	simm.s32 @!p2 $0x0  }
0x16: {  	s3 =	sld [smem:$0x3FDB];
	s0 =	simm.s32 @p2 $0x1  }
0x17: {  	s4 =	simm.s32 $0x1BF5;
	[smem:$0x3FB5] =	sst s0  }
0x18: {  	s0 =	sld [smem:$0x3F98];
	_ =	swait.ge [sflag:s4], $0x0  }
0x19: {  	s7 =	sld [smem:$0x3F99]  }
0x1a: {  	s8 =	sadd.s32 $0xFFFFE003, lr  }
0x1b: {  	s9 =	sadd.s32 $0xFFFFFEF7, lr;
	s5 =	simm.s32 $0xFFFFFFFF;
	p2 =	slt.u32 s8, $0xFFFFF086  }
0x1c: {  	p1 =	slt.u32 s9, $0xF7A;
	s5 =	simm.s32 @!p2 $0x0  }
0x1d: {  	s5 =	simm.s32 @p1 $0x1;
	p0 =	seq.s32 s7, s2  }
0x1e: {  	s7 =	smul.u32 @!p0 $0xF7A, s2;
	p2 =	seq.s32 @!p0 s5, $0x0  }
0x1f: {  	s9 =	smul.u32 $0xF7A, s1;
	s8 =	simm.s32 @!p0 $0x1BF5;
	p2 =	por !p2, p0  }
0x20: {  	[sflag:s8] =	ssyncset.s32 @!p0 $0xFFFFF086;
	s6 =	sadd.s32 @!p0 s3, s7;
	s7 =	simm.s32 @!p0 $0x108  }
0x21: {  	s3 =	sadd.s32 s3, s9;
	s6 =	sadd.s32 @!p0 $0x88, s6;
	s7 =	simm.s32 @p2 $0x1082  }
0x22: {  	[simem:s7], [sflag:s8] =	dma.local @!p0 [hbm:s6], $0xF7A  }
0x23: {  	s9 =	sor.u32 $0xD0000000, s2;
	s6 =	simm.s32 $0x108;
	_ =	swait.ge @!p0 [sflag:s8], $0x0  }
0x24: {  	s3 =	sadd.s32 $0x88, s3;
	s6 =	simm.s32 @!p1 $0x1082;
	[sflag:s4] =	ssyncset.s32 $0xFFFFF086  }
0x25: {  	[simem:s6], [sflag:s4] =	dma.local [hbm:s3], $0xF7A  }
0x26: {  	[smem:$0x3F99] =	sst s1;
	(tag) =	ssettag s2;
	_ =	strace s9  }
0x27: {  	s1 =	sld [smem:$0x3FA9]  }
0x28: {  	s2 =	sld [smem:$0x3FAA]  }
0x29: {  	s4 =	sld [smem:$0x3FAC]  }
0x2a: {  	p0 =	seq.s32 s5, $0x0;
	s5 =	sld [smem:$0x3FAD]  }
0x2b: {  	s6 =	sld [smem:$0x3FAE]  }
0x2c: {  	s7 =	sld [smem:$0x3FAF]  }
0x2d: {  	s3 =	simm.s32 $0x108;
	s8 =	sld [smem:$0x3FB0]  }
0x2e: {  	s3 =	simm.s32 @!p0 $0x1082;
	s9 =	sld [smem:$0x3FB1]  }
0x2f: {  	lr =	sadd.s32 s0, s3;
	s0 =	sld [smem:$0x3FA8]  }
0x30: {  	s3 =	sld [smem:$0x3FAB]  }
0x31: {  	[smem:$0x3FB4] =	sst s10  }
0x32: {  	s10 =	sld [smem:$0x3FB2];
	_ =	sdelay $0x3  }
0x33: {  	p0 =	seq.s32 s10, $0x1;
	s10 =	sld [smem:$0x3FB4];
	_ =	sdelay $0x3  }
0x34: {  	[smem:$0x3FB4] =	sst s10  }
0x35: {  	s10 =	sld [smem:$0x3FB3];
	_ =	sdelay $0x3  }
0x36: {  	p1 =	seq.s32 s10, $0x1;
	s10 =	sld [smem:$0x3FB4];
	_ =	sdelay $0x3  }
0x37: {  	[smem:$0x3FB4] =	sst s10  }
0x38: {  	s10 =	sld [smem:$0x3FB5]  }
0x39: {  	_ = 	snop;
	(pc) =	sbr.ind lr, $3  }
0x3a: {  	_ = 	snop  }
0x3b: {  	_ = 	snop  }
0x3c: {  	p2 =	seq.s32 s10, $0x1;
	s10 =	sld [smem:$0x3FB4]  }
0x3d: {  	_ =	shalt  }
0x3e: {  	_ =	shalt  }
0x3f: {  	_ =	shalt  }
0x40: {  	_ =	shalt  }
0x41: {  	_ =	shalt  }
0x42: {  	_ =	shalt  }
0x43: {  	_ =	shalt  }
0x44: {  	_ =	shalt  }
0x45: {  	_ =	shalt  }
0x46: {  	_ =	shalt  }
0x47: {  	_ =	shalt  }
0x48: {  	_ =	shalt  }
0x49: {  	_ =	shalt  }
0x4a: {  	_ =	shalt  }
0x4b: {  	_ =	shalt  }
0x4c: {  	_ =	shalt  }
0x4d: {  	_ =	shalt  }
0x4e: {  	_ =	shalt  }
0x4f: {  	_ =	shalt  }
0x50: {  	_ =	shalt  }
0x51: {  	_ =	shalt  }
0x52: {  	_ =	shalt  }
0x53: {  	_ =	shalt  }
0x54: {  	_ =	shalt  }
0x55: {  	_ =	shalt  }
0x56: {  	_ =	shalt  }
0x57: {  	_ =	shalt  }
0x58: {  	_ =	shalt  }
0x59: {  	_ =	shalt  }
0x5a: {  	_ =	shalt  }
0x5b: {  	_ =	shalt  }
0x5c: {  	_ =	shalt  }
0x5d: {  	_ =	shalt  }
0x5e: {  	_ =	shalt  }
0x5f: {  	_ =	shalt  }
0x60: {  	_ =	shalt  }
0x61: {  	_ =	shalt  }
0x62: {  	_ =	shalt  }
0x63: {  	_ =	shalt  }
0x64: {  	_ =	shalt  }
0x65: {  	_ =	shalt  }
0x66: {  	_ =	shalt  }
0x67: {  	_ =	shalt  }
0x68: {  	_ =	shalt  }
0x69: {  	_ =	shalt  }
0x6a: {  	_ =	shalt  }
0x6b: {  	_ =	shalt  }
0x6c: {  	_ =	shalt  }
0x6d: {  	_ =	shalt  }
0x6e: {  	_ =	shalt  }
0x6f: {  	_ =	shalt  }
0x70: {  	_ =	shalt  }
0x71: {  	_ =	shalt  }
0x72: {  	_ =	shalt  }
0x73: {  	_ =	shalt  }
0x74: {  	_ =	shalt  }
0x75: {  	_ =	shalt  }
0x76: {  	_ =	shalt  }
0x77: {  	_ =	shalt  }
0x78: {  	_ =	shalt  }
0x79: {  	_ =	shalt  }
0x7a: {  	_ =	shalt  }
0x7b: {  	_ =	shalt  }
0x7c: {  	_ =	shalt  }
0x7d: {  	_ =	shalt  }
0x7e: {  	_ =	shalt  }
0x7f: {  	_ =	shalt  }
0x80: {  	_ =	shalt  }
0x81: {  	_ =	shalt  }
0x82: {  	_ =	shalt  }
0x83: {  	_ =	shalt  }
0x84: {  	_ =	shalt  }
0x85: {  	_ =	shalt  }
0x86: {  	_ =	shalt  }
0x87: {  	_ =	shalt  }
.Lfunc_end0:
.L_simem_size_0:
called_computation_lowered:
.L_overlay_start_0:
0x88: {  	s2 =	sld [smem:$0x3FD9]  }
0x89: {  	s3 =	sld [smem:$0x3FFE];
	_ =	sdelay $0x1  }
0x8a: {  	s1 =	srdreg.scid  }
0x8b: {  	s0 =	sand.u32 $0x1, s1  }
0x8c: {  	s15 =	sshll.u32 s0, $0xA;
	s2 =	sadd.s32 s3, s2  }
0x8d: {  	s2 =	sadd.s32 s2, s15  }
0x8e: {  	[smem:$0x3FC0] =	sst s2  }
0x8f: {  	_ = 	snop  }
0x90: {  	s2 =	sld [smem:$0x3FD0];
	_ =	sdelay $0x2  }
0x91: {  	s4 =	simm.s32 $0xA;
	s5 =	simm.s32 $0x10;
	s16 =	sld [smem:$0x3FC8]  }
0x92: {  	[smem:s5], [sflag:s4] =	dma.local [hbm:s2], $0x1  }
0x93: {  	_ =	swait.eq [sflag:s4], $0x1  }
0x94: {  	[sflag:s4] =	ssyncset.done $0x0  }
0x95: {  	[sflag:s4] =	ssyncadd.s32 $0xFFFFFFFF  }
0x96: {  	s17 =	sld [smem:$0x11];
	(tm) =	ssettm $0x1  }
0x97: {  	s18 =	sld [smem:$0x3FFB];
	_ =	sdelay $0x3  }
0x98: {  	_ =	strace s18  }
0x99: {  	s4 =	sld [smem:$0x3FFC];
	_ =	sdelay $0x3  }
0x9a: {  	_ =	strace s4  }
0x9b: {  	s4 =	sld [smem:$0x3FFD];
	_ =	sdelay $0x3  }
0x9c: {  	_ =	strace s4  }
0x9d: {  	_ =	strace $0x8FFFFFFF  }
0x9e: {  	s19 =	sld [smem:$0x3FDB];
	_ =	sdelay $0x1  }
0x9f: {  	s20 =	simm.s32 $_scs_section_size  }
0xa0: {  	s6 =	simm.s32 $_size__tile_overlayer_lowered;
	s7 =	simm.s32 $_tile_overlayer_lowered  }
0xa1: {  	s23 =	simm.s32 $0x1BFF;
	s22 =	sshll.u32 s7, $0x1;
	s4 =	sadd.s32 s20, s19  }
0xa2: {  	s8 =	simm.s32 $0x0;
	s21 =	sshll.u32 s6, $0x1;
	s6 =	sadd.s32 s22, s4  }
0xa3: {  	[timem:s8], [sflag:s23] =	dma.local [hbm:s6], s21  }
0xa4: {  	_ =	swait.ge [sflag:s23], s21  }
0xa5: {  	s5 =	ssub.s32 $0x0, s21;
	[sflag:s23] =	ssyncset.done $0x0  }
0xa6: {  	[sflag:s23] =	ssyncadd.s32 s5;
	_ =	sdelay $0x1  }
0xa7: {  	s24 =	simm.s32 $0x1B8B  }
0xa8: {  	_ =	swait.ge [sflag:s24], $0x1  }
0xa9: {  	[sflag:s24] =	ssyncset.done $0x0  }
0xaa: {  	s25 =	simm.s32 $0x1B8E;
	[sflag:s24] =	ssyncadd.s32 $0xFFFFFFFF  }
0xab: {  	s26 =	simm.s32 $execute0_lowered;
	[smem:$0x3FD2] =	sst s25  }
0xac: {  	s5 =	sshll.u32 s26, $0x1;
	_ =	strace $0x80000046;
	[dreg:$0x1] =	wrdreg $0xFFFFFFFF  }
0xad: {  	s28 =	simm.s32 $_size_execute0_lowered;
	s4 =	sadd.s32 s4, s5;
	[dreg:$0x0] =	wrdreg $0x0  }
0xae: {  	s5 =	sshll.u32 s28, $0x1;
	[dreg:$0x2] =	wrdreg s4  }
0xaf: {  	[dreg:$0x3] =	wrdreg s5  }
0xb0: {  	[dreg:$0x4] =	wrdreg $0xC0  }
0xb1: {  	_ =	task [dreg:s8], $0x5FFFF  }
0xb2: {  	[dreg:$0x1] =	wrdreg $0xFFFFFFFF  }
0xb3: {  	[dreg:$0x0] =	wrdreg $0x60  }
0xb4: {  	[dreg:$0x2] =	wrdreg s16  }
0xb5: {  	[dreg:$0x3] =	wrdreg s17  }
0xb6: {  	[dreg:$0x4] =	wrdreg $0x2B000  }
0xb7: {  	[dreg:$0x5] =	wrdreg $0x9  }
0xb8: {  	_ =	task.clear_ibuf [dreg:s8], $0x6FFFF;
	_ =	strace $0x90000046  }
0xb9: {  	s29 =	simm.s32 $0x9;
	_ =	strace $0x80000048  }
0xba: {  	_ =	swait.ge [sflag:s29], $0x1  }
0xbb: {  	[sflag:s29] =	ssyncadd.s32 $0xFFFFFFFF  }
0xbc: {  	_ =	strace $0x90000048  }
0xbd: {  	_ =	sfence  }
0xbe: {  	s30 =	sld [smem:$0x0];
	_ =	sdelay $0x2  }
0xbf: {  	s31 =	sshll.u32 s1, $0xD;
	s1 =	sshrl.u32 s1, $0x2  }
0xc0: {  	s3 =	sand.u32 $0x4000, s31;
	s1 =	sadd.s32 s1, s30  }
0xc1: {  	s0 =	sor.u32 s3, s0;
	s1 =	sshll.u32 s1, $0x11  }
0xc2: {  	s0 =	sor.u32 s1, s0  }
0xc3: {  	s0 =	sadd.s32 $0x8F2B, s0  }
0xc4: {  	[sflag:s0] =	ssyncadd.remote.s32 $0x1  }
0xc5: {  	_ =	sfence.sel $0xFFFF  }
0xc6: {  	[dreg:$0x0] =	wrdreg $0xFFFFFFFF;
	(pc) =	sbr.abs _section_cstart, $3  }
0xc7: {  	[dreg:$0x1] =	wrdreg $0xFFFFFFFF  }
0xc8: {  	_ =	task.clear_ibuf [dreg:s8], $0x2FFFF;
	_ =	strace $0x9FFFFFFF  }
0xc9: {  	(tm) =	ssettm $0x7FFFFFFF  }
tec
execute0_lowered:
.L_overlay_start_1:
0x0: {  	(tag) =	ssettag $0x1  }
0x1: {  	s7 =	rddreg [dreg:$0x0]  }
0x2: {  	s8 =	rddreg [dreg:$0x1]  }
0x3: {  	s1 =	rddreg [dreg:$0x2];
	s2 =	srdreg.scid  }
0x4: {  	s0 =	rddreg [dreg:$0x3];
	s3 =	simm.s32 $0x0;
	s17 =	simm.s32 $0x20  }
0x5: {  	s18 =	simm.s32 $0x10;
	s6 =	sand.u32 $0x1, s2;
	s2 =	stileid.u32  }
0x6: {  	s19 =	simm.s32 $0x0;
	[smem:$0x7FF] =	sst s3;
	s10 =	smul.u32 $0xA00, s2  }
0x7: {  	s4 =	ssub.s32 $0x2, s6;
	s9 =	sshll.u32 s6, $0x4;
	s26 =	smul.u32 $0x500, s2  }
0x8: {  	_ =	strace $0x80000047;
	s28 =	sshll.u32 s2, $0x5;
	s14 =	smul.u32 $0x9C00, s6  }
0x9: {  	s13 =	sshll.u32 s6, $0x7;
	s30 =	smul.u32 $0x9C0, s2;
	s15 =	sshll.u32 s2, $0x6  }
0xa: {  	s5 =	sshrl.u32 s4, $0x1;
	s12 =	sor.u32 s2, s9;
	s29 =	sadd.s32 s28, s7  }
0xb: {  	s15 =	sor.u32 $0x1C02, s15;
	s11 =	ssub.s32 s4, s5;
	p0 =	slt.u32 s12, $0x4  }
0xc: {  	s4 =	simm.s32 $0x4F;
	s25 =	sshrl.u32 s10, $0x2;
	s9 =	sor.u32 s13, s26  }
0xd: {  	s6 =	sadd.s32 $0x13810, s29;
	s31 =	sadd.s32 s14, s7;
	s10 =	simm.s32 $0x2880  }
0xe: {  	s13 =	simm.s32 $0x80;
	s14 =	simm.s32 $0x2800;
	s4 =	simm.s32 @!p0 $0x4E  }
0xf: {  	s5 =	sadd.s32 s25, s1;
	s9 =	sshrl.u32 s9, $0x3;
	p0 =	sgt.u32 s12, $0x3  }
0x10: {  	s12 =	simm.s32 $0x1;
	s7 =	sadd.s32 s8, s9;
	s8 =	smax.u32 s11, $0x1  }
0x11: {  	v0 =	vimm.f32 $1.000000000e+00;
	v1 =	vimm.f32 $0.0e+00;
	s9 =	sadd.s32 s30, s31;
	s11 =	simm.s32 $0x2;
	s16 =	sshrl.u32 s5, $0x3  }
.LBB2_1:
0x12: {  	[tilespmem:$0x2800] =	vst v0  }
0x13: {  	[tilespmem:$0x2810] =	vst v0  }
0x14: {  	[tilespmem:$0x2820] =	vst v0  }
0x15: {  	[tilespmem:$0x2830] =	vst v0  }
0x16: {  	[tilespmem:$0x2840] =	vst v0  }
0x17: {  	[tilespmem:$0x2850] =	vst v0  }
0x18: {  	[tilespmem:$0x2860] =	vst v0  }
0x19: {  	[tilespmem:$0x2870] =	vst v0  }
0x1a: {  	[tilespmem:$0x2880] =	vst v1  }
0x1b: {  	[tilespmem:$0x2890] =	vst v1  }
0x1c: {  	[tilespmem:$0x28A0] =	vst v1  }
0x1d: {  	[tilespmem:$0x28B0] =	vst v1  }
0x1e: {  	[tilespmem:$0x28C0] =	vst v1  }
0x1f: {  	[tilespmem:$0x28D0] =	vst v1  }
0x20: {  	[tilespmem:$0x28E0] =	vst v1  }
0x21: {  	[tilespmem:$0x28F0] =	vst v1  }
0x22: {  	[tilespmem:$0x2900] =	vst v1  }
0x23: {  	[tilespmem:$0x2910] =	vst v1  }
0x24: {  	[tilespmem:$0x2920] =	vst v1  }
0x25: {  	[tilespmem:$0x2930] =	vst v1  }
0x26: {  	[tilespmem:$0x2940] =	vst v1  }
0x27: {  	[tilespmem:$0x2950] =	vst v1  }
0x28: {  	[tilespmem:$0x2960] =	vst v1  }
0x29: {  	[tilespmem:$0x2970] =	vst v1  }
0x2a: {  	[tilespmem:$0x2980] =	vst v1  }
0x2b: {  	[tilespmem:$0x2990] =	vst v1  }
0x2c: {  	[tilespmem:$0x29A0] =	vst v1  }
0x2d: {  	[tilespmem:$0x29B0] =	vst v1  }
0x2e: {  	[tilespmem:$0x29C0] =	vst v1  }
0x2f: {  	[tilespmem:$0x29D0] =	vst v1  }
0x30: {  	[tilespmem:$0x29E0] =	vst v1  }
0x31: {  	[tilespmem:$0x29F0] =	vst v1  }
0x32: {  	[tilespmem:$0x2A00] =	vst v1  }
0x33: {  	[tilespmem:$0x2A10] =	vst v1  }
0x34: {  	[tilespmem:$0x2A20] =	vst v1  }
0x35: {  	[tilespmem:$0x2A30] =	vst v1  }
0x36: {  	[tilespmem:$0x2A40] =	vst v1  }
0x37: {  	[tilespmem:$0x2A50] =	vst v1  }
0x38: {  	[tilespmem:$0x2A60] =	vst v1  }
0x39: {  	[tilespmem:$0x2A70] =	vst v1  }
0x3a: {  	[tilespmem:$0x2A80] =	vst v1  }
0x3b: {  	[tilespmem:$0x2A90] =	vst v1  }
0x3c: {  	[tilespmem:$0x2AA0] =	vst v1  }
0x3d: {  	[tilespmem:$0x2AB0] =	vst v1  }
0x3e: {  	[tilespmem:$0x2AC0] =	vst v1  }
0x3f: {  	[tilespmem:$0x2AD0] =	vst v1  }
0x40: {  	[tilespmem:$0x2AE0] =	vst v1  }
0x41: {  	[tilespmem:$0x2AF0] =	vst v1  }
0x42: {  	[spmem:s5] =	stream.linear.scatter [tilespmem:s10], [sflag:$0x2], $0x280, $0x38;
	[tilespmem:$0x2D80] =	vst v63  }
0x43: {  	_ =	swait.ge [sflag:s11], $0x280  }
0x44: {  	s20 =	simm.s32 $0x30;
	s23 =	sadd.s32 $0x10, s9;
	[sflag:s11] =	ssyncset.done $0x0  }
0x45: {  	s21 =	simm.s32 $0x80;
	s22 =	simm.s32 $0x0;
	[sflag:s11] =	ssyncadd.s32 $0xFFFFFD80  }
.LBB2_2:
0x46: {  	[tilespmem:s22], [sflag:$0x1] =	stream.linear.gather [hbm4b:s23+s3], $0x80, $0x38;
	[tilespmem:$0x2D80] =	vst v63  }
0x47: {  	s23 =	smov.u32 s20;
	s22 =	smov.u32 s21;
	p1 =	sne.s32 s20, $0x9B0  }
.Ltmp0:
0x48: {  	s20 =	sadd.s32 $0x20, s20;
	(pc) =	sbr.rel @p1 .LBB2_2-.Ltmp0, $2  }
0x49: {  	_ =	sdelay $0x2  }
0x4a: {  	s21 =	sadd.s32 $0x80, s21;
	s23 =	sadd.s32 s23, s9  }
0x4b: {  	[tilespmem:s22], [sflag:$0x1] =	stream.linear.gather [hbm4b:s23+s3], $0x80, $0x38;
	[tilespmem:$0x2D80] =	vst v63  }
0x4c: {  	p1 =	sne.s32 s4, $0x1  }
.Ltmp1:
0x4d: {  	_ = 	snop;
	(pc) =	sbr.rel @!p1 .LBB2_5-.Ltmp1, $4  }
0x4e: {  	s20 =	simm.s32 @!p0 $0x0;
	s21 =	simm.s32 @!p0 $0x2700  }
0x4f: {  	[tilespmem:s21], [sflag:$0x1] =	stream.linear.gather @!p0 [hbm4b:s6+s20], $0x80, $0x38;
	[tilespmem:$0x2D80] =	vst v63  }
0x50: {  	_ =	swait.ge [sflag:s12], $0x80  }
0x51: {  	s20 =	sadd.s32 $0xFFFFFFFF, s4;
	[sflag:s12] =	ssyncset.done $0x0  }
.LBB2_4:
0x52: {  	p2 =	sne.s32 s20, $0x1;
	s20 =	sadd.s32 $0xFFFFFFFF, s20;
	[sflag:s12] =	ssyncadd.s32 $0xFFFFFF80  }
.Ltmp2:
0x53: {  	(pc) =	sbr.rel @p2 .LBB2_4-.Ltmp2, $3  }
0x54: {  	_ =	sdelay $0x1  }
0x55: {  	_ =	swait.ge [sflag:s12], $0x80  }
0x56: {  	[sflag:s12] =	ssyncset.done $0x0  }
.LBB2_5:
.Ltmp3:
0x57: {  	[sflag:s12] =	ssyncadd.s32 $0xFFFFFF80;
	(pc) =	sbr.rel @!p1 .LBB2_7-.Ltmp3, $4  }
0x58: {  	s20 =	simm.s32 $0x0;
	[bflag:$0x0] =	sbarrier.arrive $0xFFFF  }
0x59: {  	[spmem:s1] =	stream.indirect.scatter.add.f32 [tilespmem:s14], [sflag:$0x2], $0x1, s20, s13, $0xb8;
	[tilespmem:$0x2D80] =	vst v63  }
0x5a: {  	_ =	swait.ge [sflag:s11], $0x80  }
0x5b: {  	s21 =	sadd.s32 $0xFFFFFFFF, s4;
	[sflag:s11] =	ssyncset.done $0x0  }
.LBB2_6:
0x5c: {  	p1 =	sne.s32 s21, $0x1;
	[sflag:s11] =	ssyncadd.s32 $0xFFFFFF80;
	s20 =	sadd.s32 $0x80, s20  }
.Ltmp4:
0x5d: {  	s21 =	sadd.s32 $0xFFFFFFFF, s21;
	(pc) =	sbr.rel @p1 .LBB2_6-.Ltmp4, $4  }
0x5e: {  	_ = 	snop  }
0x5f: {  	[spmem:s1] =	stream.indirect.scatter.add.f32 [tilespmem:s14], [sflag:$0x2], $0x1, s20, s13, $0xb8;
	[tilespmem:$0x2D80] =	vst v63  }
0x60: {  	_ =	swait.ge [sflag:s11], $0x80  }
0x61: {  	[sflag:s11] =	ssyncset.done $0x0  }
.LBB2_7:
0x62: {  	s19 =	sadd.s32 $0x1, s19  }
0x63: {  	[sflag:s11] =	ssyncadd.s32 $0xFFFFFF80;
	p1 =	sne.s32 s19, s8  }
.Ltmp5:
0x64: {  	[bflag:$0x0] =	sbarrier.arrive $0xFFFF;
	(pc) =	sbr.rel @p1 .LBB2_1-.Ltmp5, $4  }
0x65: {  	[hbm:s7@s17], [sflag:s15] =	dma.strided [spmem:s16@s18], $0x50, s12, $0x10   }
0x66: {  	_ =	swait.ge [sflag:s11], $0x50  }
0x67: {  	[sflag:s11] =	ssyncset.done $0x0  }
0x68: {  	[sflag:s11] =	ssyncadd.s32 $0xFFFFFFB0  }
0x69: {  	_ =	sfence.sel $0x180000  }
0x6a: {  	[bflag:$0x0] =	sbarrier.arrive $0xFFFF  }
0x6b: {  	p0 =	sne.s32 s2, $0x0;
	_ =	strace $0x90000047  }
0x6c: {  	s0 =	sadd.s32 @!p0 $0x100000, s0;
	[bflag:$0x2] =	sbarrier.arrive $0xFFFF  }
0x6d: {  	[sflag:s0] =	ssyncadd.tile.s32 @!p0 $0x1;
	_ =	shalt  }
.Lfunc_end2:
_tile_overlayer_lowered:
.L_overlay_start_2:
0x6e: {  	(tag) =	ssettag $0x2  }
0x6f: {  	s0 =	rddreg [dreg:$0x0];
	s2 =	stileid.u32  }
0x70: {  	s1 =	rddreg [dreg:$0x1];
	p0 =	sne.s32 s2, $0x0  }
0x71: {  	s3 =	rddreg [dreg:$0x2];
	[bflag:$0x3] =	sbarrier.arrive $0xFFFF;
	s2 =	simm.s32 @!p0 $0x1C02  }
0x72: {  	[timem:s3], [sflag:s2] =	dma.local @!p0 [hbm:s0], s1  }
0x73: {  	s0 =	simm.s32 @!p0 $0x2  }
0x74: {  	_ =	swait.ge @!p0 [sflag:s0], s1  }
0x75: {  	s1 =	ssub.s32 @!p0 $0x0, s1;
	[sflag:s0] =	ssyncset.done @!p0 $0x0  }
0x76: {  	[sflag:s0] =	ssyncadd.s32 @!p0 s1  }
0x77: {  	[bflag:$0x3] =	sbarrier.arrive $0xFFFF  }
0x78: {  	_ =	shalt  }

</sc_bundles>
